<compile_context>
chip_gen: v7x
topology: tpu7x:2x2x1
jax: 0.10.2.dev20260603
libtpu: 0.0.44.dev20260713+nightly
codegen_flags: <defaults>
</compile_context>

<pallas_src>
import functools

import jax
import jax.numpy as jnp
from jax import lax
from jax.experimental import pallas as pl
from jax.experimental.pallas import tpu as pltpu
from jax.experimental.pallas import tpu_sc as plsc

N = 10000
E = 320000
D = 128
G = 64
NC = 2
NS = 16
NW = NC * NS
CH = 128
NB = 2
NI = 4
CPT = 80
NCHUNKS = NW * CPT
CPT_C0 = 152
CPT_C1 = 2 * CPT - CPT_C0
EPT = CPT * CH
EPAD = NW * EPT
NPAD = 10240
RPS = NPAD // NS
DUMMY = N
ZR = 64

_mesh = functools.partial(
    plsc.VectorSubcoreMesh, core_axis_name="c", subcore_axis_name="s"
)


@functools.partial(
    pl.kernel,
    out_type=jax.ShapeDtypeStruct((NC, NPAD), jnp.float32),
    mesh=_mesh(),
    scratch_types=[
        pltpu.VMEM((CPT, 2, CH), jnp.int32),
        pltpu.VMEM((CH,), jnp.float32),
        pltpu.VMEM((RPS,), jnp.float32),
        pltpu.VMEM_SHARED((NPAD,), jnp.float32),
    ],
)
def _sc_degree(ei_hbm, out_hbm, ei_v, ones_v, zero_v, acc_sh):
    cid = lax.axis_index("c")
    sid = lax.axis_index("s")

    def fill(i, _):
        ones_v[pl.ds(i * 16, 16)] = jnp.ones((16,), jnp.float32)
        return 0

    lax.fori_loop(0, CH // 16, fill, 0)

    def zfill(i, _):
        zero_v[pl.ds(i * 16, 16)] = jnp.zeros((16,), jnp.float32)
        return 0

    lax.fori_loop(0, RPS // 16, zfill, 0)
    pltpu.sync_copy(zero_v, acc_sh.at[pl.ds(sid * RPS, RPS)])
    plsc.subcore_barrier()

    wid = cid * NS + sid
    pltpu.sync_copy(ei_hbm.at[pl.ds(wid * CPT, CPT)], ei_v)

    def body(j, _):
        pltpu.sync_copy(ones_v, acc_sh.at[ei_v.at[j, 1]], add=True)
        return 0

    lax.fori_loop(0, CPT, body, 0)
    plsc.subcore_barrier()
    pltpu.sync_copy(
        acc_sh.at[pl.ds(sid * RPS, RPS)], out_hbm.at[cid, pl.ds(sid * RPS, RPS)]
    )


@functools.partial(
    pl.kernel,
    out_type=jax.ShapeDtypeStruct((NC, NPAD, D), jnp.float32),
    mesh=_mesh(),
    scratch_types=[
        pltpu.VMEM((2, CH), jnp.int32),
        pltpu.VMEM((2, CH), jnp.int32),
        pltpu.VMEM((2, CH), jnp.int32),
        pltpu.VMEM((2, CH), jnp.int32),
        pltpu.VMEM((CH, D), jnp.float32),
        pltpu.VMEM((CH, D), jnp.float32),
        pltpu.VMEM_SHARED((NPAD, D), jnp.float32),
        pltpu.SemaphoreType.DMA,
        pltpu.SemaphoreType.DMA,
        pltpu.SemaphoreType.DMA,
        pltpu.SemaphoreType.DMA,
        pltpu.SemaphoreType.DMA,
        pltpu.SemaphoreType.DMA,
    ],
)
def _sc_propagate(y_hbm, ei_hbm, out_hbm, i0, i1, i2, i3, r0, r1, acc_sh,
                  sg0, sg1, sx0, sx1, sx2, sx3):
    cid = lax.axis_index("c")
    sid = lax.axis_index("s")
    rows = (r0, r1)
    idx = (i0, i1, i2, i3)
    sg = (sg0, sg1)
    sx = (sx0, sx1, sx2, sx3)

    def zrow(i, _):
        def zcol(k, _2):
            r0[i, pl.ds(k * 16, 16)] = jnp.zeros((16,), jnp.float32)
            return 0

        lax.fori_loop(0, D // 16, zcol, 0)
        return 0

    lax.fori_loop(0, CH, zrow, 0)

    def zcopy(t, _):
        pltpu.sync_copy(r0, acc_sh.at[pl.ds(sid * RPS + t * CH, CH)])
        return 0

    lax.fori_loop(0, RPS // CH, zcopy, 0)
    plsc.subcore_barrier()

    cnt = jnp.where(cid == 0, CPT_C0, CPT_C1)
    base = jnp.where(cid == 0, sid * CPT_C0, NS * CPT_C0 + sid * CPT_C1)

    @pl.when(cnt > 0)
    def _():
        for b in range(NB):
            pltpu.sync_copy(ei_hbm.at[base + b], idx[b])
        for b in range(NB, NI):
            pltpu.async_copy(ei_hbm.at[base + b], idx[b], sx[b])
        for b in range(NB):
            pltpu.async_copy(y_hbm.at[idx[b].at[0]], rows[b], sg[b])

    def body(jj, _):
        j0 = jj * NI
        for b in range(NI):
            j = j0 + b
            rb = b % NB
            pltpu.make_async_copy(
                y_hbm.at[idx[b].at[0]], rows[rb], sg[rb]
            ).wait()
            pltpu.sync_copy(rows[rb], acc_sh.at[idx[b].at[1]], add=True)

            @pl.when(j + NI < cnt)
            def _():
                pltpu.async_copy(ei_hbm.at[base + j + NI], idx[b], sx[b])

            @pl.when(j + NB < cnt)
            def _():
                bn = (b + NB) % NI
                pltpu.make_async_copy(
                    ei_hbm.at[base + j + NB], idx[bn], sx[bn]
                ).wait()
                pltpu.async_copy(y_hbm.at[idx[bn].at[0]], rows[rb], sg[rb])

        return 0

    lax.fori_loop(0, cnt // NI, body, 0)

    plsc.subcore_barrier()
    pltpu.sync_copy(
        acc_sh.at[pl.ds(sid * RPS, RPS)], out_hbm.at[cid, pl.ds(sid * RPS, RPS)]
    )


def _tc_prep(x_pad, W, deg_c):
    def body(x_ref, w_ref, deg_ref, y_ref):
        dinv = lax.rsqrt(deg_ref[...])
        xw = jnp.dot(x_ref[...], w_ref[...], preferred_element_type=jnp.float32)
        y_ref[...] = xw * dinv

    return pl.pallas_call(
        body, out_shape=jax.ShapeDtypeStruct((NPAD, D), jnp.float32)
    )(x_pad, W, deg_c)


def _tc_mid(acc2, y, deg_c, b, W):
    def body(acc_ref, y_ref, deg_ref, b_ref, w_ref, out_ref):
        dinv = lax.rsqrt(deg_ref[...])
        tot = acc_ref[0] + acc_ref[1] + y_ref[...]
        h = jnp.maximum(tot * dinv + b_ref[...], 0.0)
        rid = lax.broadcasted_iota(jnp.int32, (NPAD, 1), 0)
        h = jnp.where(rid < N, h, 0.0)
        hw = jnp.dot(h, w_ref[...], preferred_element_type=jnp.float32)
        out_ref[...] = hw * dinv

    return pl.pallas_call(
        body, out_shape=jax.ShapeDtypeStruct((NPAD, D), jnp.float32)
    )(acc2, y, deg_c, b, W)


def _tc_final(acc2, y, deg_c, b, batch_p, Wfc, bfc):
    def body(acc_ref, y_ref, deg_ref, b_ref, batch_ref, wfc_ref, bfc_ref,
             out_ref):
        dinv = lax.rsqrt(deg_ref[...])
        tot = acc_ref[0] + acc_ref[1] + y_ref[...]
        h = jnp.maximum(tot * dinv + b_ref[...], 0.0)
        rid = lax.broadcasted_iota(jnp.int32, (NPAD, 1), 0)
        h = jnp.where(rid < N, h, 0.0)
        gid = lax.broadcasted_iota(jnp.int32, (G, NPAD), 0)
        onehot = (batch_ref[...] == gid).astype(jnp.float32)
        sums = jnp.dot(onehot, h, preferred_element_type=jnp.float32)
        cnt = jnp.sum(onehot, axis=1, keepdims=True)
        gmean = sums / jnp.maximum(cnt, 1.0)
        logits = (
            jnp.dot(gmean, wfc_ref[...], preferred_element_type=jnp.float32)
            + bfc_ref[...]
        )
        m = jnp.max(logits, axis=1, keepdims=True)
        z = logits - m
        lse = jnp.log(jnp.sum(jnp.exp(z), axis=1, keepdims=True))
        out_ref[...] = z - lse

    return pl.pallas_call(
        body, out_shape=jax.ShapeDtypeStruct((G, 2), jnp.float32)
    )(acc2, y, deg_c, b, batch_p, Wfc, bfc)


def kernel(x, edge_index, batch, W1, b1, W2, b2, Wfc, bfc):
    src = edge_index[0].astype(jnp.int32)
    dst = edge_index[1].astype(jnp.int32)
    pad_e = EPAD - E
    pad_dst = DUMMY + jnp.arange(pad_e, dtype=jnp.int32) % (NPAD - N)
    src_p = jnp.concatenate([src, jnp.zeros((pad_e,), jnp.int32)])
    src_p = src_p.reshape(NCHUNKS, CH)
    dst_p = jnp.concatenate([dst, pad_dst]).reshape(NCHUNKS, CH)
    ei_p = jnp.stack([src_p, dst_p], axis=1)
    x_pad = jnp.concatenate([x, jnp.zeros((NPAD - N, D), x.dtype)], axis=0)
    batch_p = jnp.concatenate(
        [batch.astype(jnp.int32), jnp.full((NPAD - N,), G, jnp.int32)]
    )[None, :]

    deg2 = _sc_degree(ei_p)
    deg_c = (deg2[0] + deg2[1] + 1.0)[:, None]

    y1 = _tc_prep(x_pad, W1, deg_c)
    acc1 = _sc_propagate(y1, ei_p)
    y2 = _tc_mid(acc1, y1, deg_c, b1[None, :], W2)
    acc2 = _sc_propagate(y2, ei_p)
    return _tc_final(acc2, y2, deg_c, b2[None, :], batch_p, Wfc, bfc[None, :])

# --- scband reference (transcript-rebuilt; emitter-appended) ---
"""Pipeline reference for scband-gnnmodel-88278757802580 (READ-ONLY COPY).

The authoritative reference and input builder live on the scoring server;
editing this copy changes nothing except your own understanding.
"""

import jax, jax.numpy as jnp
import numpy as np

N_NODES = 10000
N_EDGES = 320000
D_IN = 128
D_OUT = 128
N_GRAPHS = 64


def setup_inputs(seed: int = 0) -> dict:
    key = jax.random.key(seed)
    ks = jax.random.split(key, 10)
    x = jax.random.normal(ks[0], (N_NODES, D_IN), dtype=jnp.float32)
    edge_index = jax.random.randint(ks[1], (2, N_EDGES), 0, N_NODES, dtype=jnp.int64)
    batch = jnp.sort(jax.random.randint(ks[2], (N_NODES,), 0, N_GRAPHS, dtype=jnp.int64))
    s1 = 1.0 / np.sqrt(D_IN)
    s2 = 1.0 / np.sqrt(D_OUT)
    W1 = jax.random.uniform(ks[3], (D_IN, D_OUT), minval=-s1, maxval=s1, dtype=jnp.float32)
    b1 = jnp.zeros((D_OUT,), dtype=jnp.float32)
    W2 = jax.random.uniform(ks[4], (D_OUT, D_OUT), minval=-s2, maxval=s2, dtype=jnp.float32)
    b2 = jnp.zeros((D_OUT,), dtype=jnp.float32)
    Wfc = jax.random.uniform(ks[5], (D_OUT, 2), minval=-s2, maxval=s2, dtype=jnp.float32)
    bfc = jnp.zeros((2,), dtype=jnp.float32)
    return {"x": x, "edge_index": edge_index, "batch": batch,
            "W1": W1, "b1": b1, "W2": W2, "b2": b2, "Wfc": Wfc, "bfc": bfc}


def _gcn_conv(x, edge_index, W, b):
    n = x.shape[0]
    loop = jnp.arange(n, dtype=edge_index.dtype)
    src = jnp.concatenate([edge_index[0], loop])
    dst = jnp.concatenate([edge_index[1], loop])
    deg = jnp.zeros((n,), dtype=x.dtype).at[dst].add(1.0)
    dinv = jnp.where(deg > 0, 1.0 / jnp.sqrt(deg), 0.0)
    norm = dinv[src] * dinv[dst]
    xw = x @ W
    msg = xw[src] * norm[:, None]
    out = jnp.zeros((n, W.shape[1]), dtype=x.dtype).at[dst].add(msg)
    return out + b


def _global_mean_pool(x, batch, num_graphs):
    summed = jax.ops.segment_sum(x, batch, num_segments=num_graphs)
    counts = jax.ops.segment_sum(jnp.ones((x.shape[0],), dtype=x.dtype), batch, num_segments=num_graphs)
    return summed / jnp.maximum(counts, 1.0)[:, None]


def reference(x, edge_index, batch, W1, b1, W2, b2, Wfc, bfc):
    h = jax.nn.relu(_gcn_conv(x, edge_index, W1, b1))
    # dropout is identity in eval mode
    h = jax.nn.relu(_gcn_conv(h, edge_index, W2, b2))
    g = _global_mean_pool(h, batch, N_GRAPHS)
    logits = g @ Wfc + bfc
    return jax.nn.log_softmax(logits, axis=1)

if __name__ == "__main__":
    import jax
    _d = setup_inputs()
    print(jax.jit(kernel)(*tuple(_d.values())))

</pallas_src>

<mosaic_0001>
#map = affine_map<(d0, d1) -> (0, 0, 0)>
#map1 = affine_map<(d0, d1) -> (0, 0)>
module attributes {stable_mosaic.version = 14 : i64} {
  func.func @_sc_degree(%arg0: i32, %arg1: i32, %arg2: memref<2560x2x128xi32, #tpu.memory_space<hbm>>, %arg3: memref<2x10240xf32, #tpu.memory_space<hbm>>, %arg4: memref<80x2x128xi32, #tpu.memory_space<vmem>>, %arg5: memref<128xf32, #tpu.memory_space<vmem>>, %arg6: memref<640xf32, #tpu.memory_space<vmem>>, %arg7: memref<10240xf32, #tpu.memory_space<vmem_shared>>) attributes {dimension_semantics = [#tpu.dimension_semantics<core_parallel>, #tpu.dimension_semantics<subcore_parallel>], iteration_bounds = array<i64: 2, 16>, scalar_prefetch = 0 : i64, scratch_operands = 4 : i64, tpu.core_type = #tpu.core_type<sc_vector_subcore>, window_params = [{transform_indices = #map}, {transform_indices = #map1}]} {
    %scan3A = arith.constant 0 : i32
    %scan3A_0 = arith.constant 0 : i32
    %scan3A_1 = arith.constant 8 : i32
    %scan3A_2 = arith.addi %scan3A_0, %scan3A_1 : i32
    %scan3A_3 = arith.constant 1 : i32
    %scan3A_4 = scf.for %scan3A_30 = %scan3A_0 to %scan3A_2 step %scan3A_3 iter_args(%scan3A_31 = %scan3A) -> (i32)  : i32 {
      %broadcast_in_dim3A = arith.constant 1.000000e+00 : f32
      %broadcast_in_dim3A_32 = vector.broadcast %broadcast_in_dim3A : f32 to vector<16xf32>
      %mul3A_33 = arith.constant 16 : i32
      %mul3A_34 = arith.muli %scan3A_30, %mul3A_33 : i32
      %swap3A = arith.index_cast %mul3A_34 : i32 to index
      %swap3A_35 = tpu.vector_load %arg5[%swap3A] {strides = array<i32>} : memref<128xf32, #tpu.memory_space<vmem>>, vector<16xf32>,
      %swap3A_36 = vector.shape_cast %swap3A_35 : vector<16xf32> to vector<16xf32>
      %swap3A_37 = vector.shape_cast %broadcast_in_dim3A_32 : vector<16xf32> to vector<16xf32>
      tpu.vector_store %arg5[%swap3A], %swap3A_37 {strides = array<i32>} : memref<128xf32, #tpu.memory_space<vmem>>, vector<16xf32>,
      %scan3A_38 = arith.constant 0 : i32
      scf.yield %scan3A_38 : i32
    }
    %scan3A_5 = arith.constant 8 : i32
    %scan3A_6 = arith.constant 0 : i32
    %scan3A_7 = arith.constant 0 : i32
    %scan3A_8 = arith.constant 40 : i32
    %scan3A_9 = arith.addi %scan3A_7, %scan3A_8 : i32
    %scan3A_10 = arith.constant 1 : i32
    %scan3A_11 = scf.for %scan3A_30 = %scan3A_7 to %scan3A_9 step %scan3A_10 iter_args(%scan3A_31 = %scan3A_6) -> (i32)  : i32 {
      %broadcast_in_dim3A = arith.constant 0.000000e+00 : f32
      %broadcast_in_dim3A_32 = vector.broadcast %broadcast_in_dim3A : f32 to vector<16xf32>
      %mul3A_33 = arith.constant 16 : i32
      %mul3A_34 = arith.muli %scan3A_30, %mul3A_33 : i32
      %swap3A = arith.index_cast %mul3A_34 : i32 to index
      %swap3A_35 = tpu.vector_load %arg6[%swap3A] {strides = array<i32>} : memref<640xf32, #tpu.memory_space<vmem>>, vector<16xf32>,
      %swap3A_36 = vector.shape_cast %swap3A_35 : vector<16xf32> to vector<16xf32>
      %swap3A_37 = vector.shape_cast %broadcast_in_dim3A_32 : vector<16xf32> to vector<16xf32>
      tpu.vector_store %arg6[%swap3A], %swap3A_37 {strides = array<i32>} : memref<640xf32, #tpu.memory_space<vmem>>, vector<16xf32>,
      %scan3A_38 = arith.constant 0 : i32
      scf.yield %scan3A_38 : i32
    }
    %scan3A_12 = arith.constant 40 : i32
    %mul3A = arith.constant 640 : i32
    %mul3A_13 = arith.muli %arg1, %mul3A : i32
    "tpu.region"() ({
      %run_scoped3A = tpu.sem_alloc : memref<!tpu.dma_semaphore, #tpu.memory_space<semaphore_mem>>
      %dma_start3A = tpu.memref_slice %arg7[%mul3A_13] : memref<10240xf32, #tpu.memory_space<vmem_shared>> -> memref<640xf32, #tpu.memory_space<vmem_shared>>
      %dma_start3A_30 = tpu.memref_slice %arg7[%mul3A_13] : memref<10240xf32, #tpu.memory_space<vmem_shared>> -> memref<640xf32, #tpu.memory_space<vmem_shared>>
      tpu.enqueue_dma source(%arg6 : memref<640xf32, #tpu.memory_space<vmem>>) target(%dma_start3A_30 : memref<640xf32, #tpu.memory_space<vmem_shared>>) target_semaphore(%run_scoped3A : memref<!tpu.dma_semaphore, #tpu.memory_space<semaphore_mem>>)
      %dma_wait3A = tpu.memref_slice %arg7[%mul3A_13] : memref<10240xf32, #tpu.memory_space<vmem_shared>> -> memref<640xf32, #tpu.memory_space<vmem_shared>>
      %dma_wait3A_31 = tpu.memref_slice %arg7[%mul3A_13] : memref<10240xf32, #tpu.memory_space<vmem_shared>> -> memref<640xf32, #tpu.memory_space<vmem_shared>>
      tpu.wait_dma2 semaphore(%run_scoped3A : memref<!tpu.dma_semaphore, #tpu.memory_space<semaphore_mem>>) src(%arg6 : memref<640xf32, #tpu.memory_space<vmem>>) dst(%dma_wait3A_31 : memref<640xf32, #tpu.memory_space<vmem_shared>>)
      tpu.yield
    }) : () -> ()
    %barrier3A = arith.constant 0 : index
    tpu.barrier barrier_id(%barrier3A)
    %mul3A_14 = arith.constant 16 : i32
    %mul3A_15 = arith.muli %arg0, %mul3A_14 : i32
    %add3A = arith.addi %mul3A_15, %arg1 : i32
    %mul3A_16 = arith.constant 80 : i32
    %mul3A_17 = arith.muli %add3A, %mul3A_16 : i32
    "tpu.region"() ({
      %run_scoped3A = tpu.sem_alloc : memref<!tpu.dma_semaphore, #tpu.memory_space<semaphore_mem>>
      %dma_start3A = arith.constant 0 : i32
      %dma_start3A_30 = arith.constant 0 : i32
      %dma_start3A_31 = tpu.memref_slice %arg2[%mul3A_17, %dma_start3A, %dma_start3A_30] : memref<2560x2x128xi32, #tpu.memory_space<hbm>> -> memref<80x2x128xi32, #tpu.memory_space<hbm>>
      %dma_start3A_32 = arith.constant 0 : i32
      %dma_start3A_33 = arith.constant 0 : i32
      %dma_start3A_34 = tpu.memref_slice %arg2[%mul3A_17, %dma_start3A_32, %dma_start3A_33] : memref<2560x2x128xi32, #tpu.memory_space<hbm>> -> memref<80x2x128xi32, #tpu.memory_space<hbm>>
      tpu.enqueue_dma source(%dma_start3A_34 : memref<80x2x128xi32, #tpu.memory_space<hbm>>) target(%arg4 : memref<80x2x128xi32, #tpu.memory_space<vmem>>) target_semaphore(%run_scoped3A : memref<!tpu.dma_semaphore, #tpu.memory_space<semaphore_mem>>)
      %dma_wait3A = arith.constant 0 : i32
      %dma_wait3A_35 = arith.constant 0 : i32
      %dma_wait3A_36 = tpu.memref_slice %arg2[%mul3A_17, %dma_wait3A, %dma_wait3A_35] : memref<2560x2x128xi32, #tpu.memory_space<hbm>> -> memref<80x2x128xi32, #tpu.memory_space<hbm>>
      %dma_wait3A_37 = arith.constant 0 : i32
      %dma_wait3A_38 = arith.constant 0 : i32
      %dma_wait3A_39 = tpu.memref_slice %arg2[%mul3A_17, %dma_wait3A_37, %dma_wait3A_38] : memref<2560x2x128xi32, #tpu.memory_space<hbm>> -> memref<80x2x128xi32, #tpu.memory_space<hbm>>
      tpu.wait_dma2 semaphore(%run_scoped3A : memref<!tpu.dma_semaphore, #tpu.memory_space<semaphore_mem>>) src(%dma_wait3A_39 : memref<80x2x128xi32, #tpu.memory_space<hbm>>) dst(%arg4 : memref<80x2x128xi32, #tpu.memory_space<vmem>>)
      tpu.yield
    }) : () -> ()
    %scan3A_18 = arith.constant 0 : i32
    %scan3A_19 = arith.constant 0 : i32
    %scan3A_20 = arith.constant 80 : i32
    %scan3A_21 = arith.addi %scan3A_19, %scan3A_20 : i32
    %scan3A_22 = arith.constant 1 : i32
    %scan3A_23 = scf.for %scan3A_30 = %scan3A_19 to %scan3A_21 step %scan3A_22 iter_args(%scan3A_31 = %scan3A_18) -> (i32)  : i32 {
      %run_scoped3A = arith.constant 1 : i32
      "tpu.region"() ({
        %run_scoped3A_33 = tpu.sem_alloc : memref<!tpu.dma_semaphore, #tpu.memory_space<semaphore_mem>>
        %dma_start3A = arith.constant 0 : i32
        %dma_start3A_34 = tpu.memref_slice %arg4[%scan3A_30, %run_scoped3A, %dma_start3A] : memref<80x2x128xi32, #tpu.memory_space<vmem>> -> memref<1x1x128xi32, #tpu.memory_space<vmem>>
        %dma_start3A_35 = tpu.memref_squeeze %dma_start3A_34 : memref<1x1x128xi32, #tpu.memory_space<vmem>> -> memref<128xi32, #tpu.memory_space<vmem>>
        %dma_start3A_36 = arith.constant 0 : i32
        %dma_start3A_37 = tpu.memref_slice %arg7[%dma_start3A_36] : memref<10240xf32, #tpu.memory_space<vmem_shared>> -> memref<10240xf32, #tpu.memory_space<vmem_shared>>
        tpu.enqueue_indirect_dma source(%arg5 : memref<128xf32, #tpu.memory_space<vmem>>) target(%dma_start3A_37 : memref<10240xf32, #tpu.memory_space<vmem_shared>>) offsets(%dma_start3A_35 : memref<128xi32, #tpu.memory_space<vmem>>) semaphore(%run_scoped3A_33 : memref<!tpu.dma_semaphore, #tpu.memory_space<semaphore_mem>>) {add = true}
        %dma_wait3A = arith.constant 0 : i32
        %dma_wait3A_38 = tpu.memref_slice %arg4[%scan3A_30, %run_scoped3A, %dma_wait3A] : memref<80x2x128xi32, #tpu.memory_space<vmem>> -> memref<1x1x128xi32, #tpu.memory_space<vmem>>
        %dma_wait3A_39 = tpu.memref_squeeze %dma_wait3A_38 : memref<1x1x128xi32, #tpu.memory_space<vmem>> -> memref<128xi32, #tpu.memory_space<vmem>>
        %dma_wait3A_40 = arith.constant 0 : i32
        %dma_wait3A_41 = tpu.memref_slice %arg7[%dma_wait3A_40] : memref<10240xf32, #tpu.memory_space<vmem_shared>> -> memref<10240xf32, #tpu.memory_space<vmem_shared>>
        tpu.wait_indirect_dma semaphore(%run_scoped3A_33 : memref<!tpu.dma_semaphore, #tpu.memory_space<semaphore_mem>>) src(%arg5 : memref<128xf32, #tpu.memory_space<vmem>>) dst(%dma_wait3A_41 : memref<10240xf32, #tpu.memory_space<vmem_shared>>)
        tpu.yield
      }) : () -> ()
      %scan3A_32 = arith.constant 0 : i32
      scf.yield %scan3A_32 : i32
    }
    %scan3A_24 = arith.constant 80 : i32
    %barrier3A_25 = arith.constant 0 : index
    tpu.barrier barrier_id(%barrier3A_25)
    %mul3A_26 = arith.constant 640 : i32
    %mul3A_27 = arith.muli %arg1, %mul3A_26 : i32
    %mul3A_28 = arith.constant 640 : i32
    %mul3A_29 = arith.muli %arg1, %mul3A_28 : i32
    "tpu.region"() ({
      %run_scoped3A = tpu.sem_alloc : memref<!tpu.dma_semaphore, #tpu.memory_space<semaphore_mem>>
      %dma_start3A = tpu.memref_slice %arg3[%arg0, %mul3A_29] : memref<2x10240xf32, #tpu.memory_space<hbm>> -> memref<1x640xf32, #tpu.memory_space<hbm>>
      %dma_start3A_30 = tpu.memref_squeeze %dma_start3A : memref<1x640xf32, #tpu.memory_space<hbm>> -> memref<640xf32, #tpu.memory_space<hbm>>
      %dma_start3A_31 = tpu.memref_slice %arg7[%mul3A_27] : memref<10240xf32, #tpu.memory_space<vmem_shared>> -> memref<640xf32, #tpu.memory_space<vmem_shared>>
      tpu.enqueue_dma source(%dma_start3A_31 : memref<640xf32, #tpu.memory_space<vmem_shared>>) target(%dma_start3A_30 : memref<640xf32, #tpu.memory_space<hbm>>) target_semaphore(%run_scoped3A : memref<!tpu.dma_semaphore, #tpu.memory_space<semaphore_mem>>)
      %dma_wait3A = tpu.memref_slice %arg3[%arg0, %mul3A_29] : memref<2x10240xf32, #tpu.memory_space<hbm>> -> memref<1x640xf32, #tpu.memory_space<hbm>>
      %dma_wait3A_32 = tpu.memref_squeeze %dma_wait3A : memref<1x640xf32, #tpu.memory_space<hbm>> -> memref<640xf32, #tpu.memory_space<hbm>>
      %dma_wait3A_33 = tpu.memref_slice %arg7[%mul3A_27] : memref<10240xf32, #tpu.memory_space<vmem_shared>> -> memref<640xf32, #tpu.memory_space<vmem_shared>>
      tpu.wait_dma2 semaphore(%run_scoped3A : memref<!tpu.dma_semaphore, #tpu.memory_space<semaphore_mem>>) src(%dma_wait3A_33 : memref<640xf32, #tpu.memory_space<vmem_shared>>) dst(%dma_wait3A_32 : memref<640xf32, #tpu.memory_space<hbm>>)
      tpu.yield
    }) : () -> ()
    return
  }
}

#map = affine_map<(d0, d1) -> (0, 0)>
#map1 = affine_map<(d0, d1) -> (0, 0, 0)>
module attributes {stable_mosaic.version = 14 : i64} {
  func.func @_sc_propagate(%arg0: i32, %arg1: i32, %arg2: memref<10240x128xf32, #tpu.memory_space<hbm>>, %arg3: memref<2560x2x128xi32, #tpu.memory_space<hbm>>, %arg4: memref<2x10240x128xf32, #tpu.memory_space<hbm>>, %arg5: memref<2x128xi32, #tpu.memory_space<vmem>>, %arg6: memref<2x128xi32, #tpu.memory_space<vmem>>, %arg7: memref<2x128xi32, #tpu.memory_space<vmem>>, %arg8: memref<2x128xi32, #tpu.memory_space<vmem>>, %arg9: memref<128x128xf32, #tpu.memory_space<vmem>>, %arg10: memref<128x128xf32, #tpu.memory_space<vmem>>, %arg11: memref<10240x128xf32, #tpu.memory_space<vmem_shared>>, %arg12: memref<!tpu.dma_semaphore, #tpu.memory_space<semaphore_mem>>, %arg13: memref<!tpu.dma_semaphore, #tpu.memory_space<semaphore_mem>>, %arg14: memref<!tpu.dma_semaphore, #tpu.memory_space<semaphore_mem>>, %arg15: memref<!tpu.dma_semaphore, #tpu.memory_space<semaphore_mem>>, %arg16: memref<!tpu.dma_semaphore, #tpu.memory_space<semaphore_mem>>, %arg17: memref<!tpu.dma_semaphore, #tpu.memory_space<semaphore_mem>>) attributes {dimension_semantics = [#tpu.dimension_semantics<core_parallel>, #tpu.dimension_semantics<subcore_parallel>], iteration_bounds = array<i64: 2, 16>, scalar_prefetch = 0 : i64, scratch_operands = 13 : i64, tpu.core_type = #tpu.core_type<sc_vector_subcore>, window_params = [{transform_indices = #map}, {transform_indices = #map1}, {transform_indices = #map1}]} {
    %scan3A = arith.constant 0 : i32
    %scan3A_0 = arith.constant 0 : i32
    %scan3A_1 = arith.constant 128 : i32
    %scan3A_2 = arith.addi %scan3A_0, %scan3A_1 : i32
    %scan3A_3 = arith.constant 1 : i32
    %scan3A_4 = scf.for %scan3A_58 = %scan3A_0 to %scan3A_2 step %scan3A_3 iter_args(%scan3A_59 = %scan3A) -> (i32)  : i32 {
      %scan3A_60 = arith.constant 0 : i32
      %scan3A_61 = arith.constant 0 : i32
      %scan3A_62 = arith.constant 8 : i32
      %scan3A_63 = arith.addi %scan3A_61, %scan3A_62 : i32
      %scan3A_64 = arith.constant 1 : i32
      %scan3A_65 = scf.for %scan3A_68 = %scan3A_61 to %scan3A_63 step %scan3A_64 iter_args(%scan3A_69 = %scan3A_60) -> (i32)  : i32 {
        %broadcast_in_dim3A = arith.constant 0.000000e+00 : f32
        %broadcast_in_dim3A_70 = vector.broadcast %broadcast_in_dim3A : f32 to vector<16xf32>
        %mul3A_71 = arith.constant 16 : i32
        %mul3A_72 = arith.muli %scan3A_68, %mul3A_71 : i32
        %swap3A = arith.index_cast %scan3A_58 : i32 to index
        %swap3A_73 = arith.index_cast %mul3A_72 : i32 to index
        %swap3A_74 = tpu.vector_load %arg9[%swap3A, %swap3A_73] {strides = array<i32>} : memref<128x128xf32, #tpu.memory_space<vmem>>, vector<1x16xf32>,
        %swap3A_75 = vector.shape_cast %swap3A_74 : vector<1x16xf32> to vector<16xf32>
        %swap3A_76 = vector.shape_cast %broadcast_in_dim3A_70 : vector<16xf32> to vector<1x16xf32>
        tpu.vector_store %arg9[%swap3A, %swap3A_73], %swap3A_76 {strides = array<i32>} : memref<128x128xf32, #tpu.memory_space<vmem>>, vector<1x16xf32>,
        %scan3A_77 = arith.constant 0 : i32
        scf.yield %scan3A_77 : i32
      }
      %scan3A_66 = arith.constant 8 : i32
      %scan3A_67 = arith.constant 0 : i32
      scf.yield %scan3A_67 : i32
    }
    %scan3A_5 = arith.constant 128 : i32
    %scan3A_6 = arith.constant 0 : i32
    %scan3A_7 = arith.constant 0 : i32
    %scan3A_8 = arith.constant 5 : i32
    %scan3A_9 = arith.addi %scan3A_7, %scan3A_8 : i32
    %scan3A_10 = arith.constant 1 : i32
    %scan3A_11 = scf.for %scan3A_58 = %scan3A_7 to %scan3A_9 step %scan3A_10 iter_args(%scan3A_59 = %scan3A_6) -> (i32)  : i32 {
      %mul3A_60 = arith.constant 640 : i32
      %mul3A_61 = arith.muli %arg1, %mul3A_60 : i32
      %mul3A_62 = arith.constant 128 : i32
      %mul3A_63 = arith.muli %scan3A_58, %mul3A_62 : i32
      %add3A_64 = arith.addi %mul3A_61, %mul3A_63 : i32
      "tpu.region"() ({
        %run_scoped3A = tpu.sem_alloc : memref<!tpu.dma_semaphore, #tpu.memory_space<semaphore_mem>>
        %dma_start3A = arith.constant 0 : i32
        %dma_start3A_66 = tpu.memref_slice %arg11[%add3A_64, %dma_start3A] : memref<10240x128xf32, #tpu.memory_space<vmem_shared>> -> memref<128x128xf32, #tpu.memory_space<vmem_shared>>
        %dma_start3A_67 = arith.constant 0 : i32
        %dma_start3A_68 = tpu.memref_slice %arg11[%add3A_64, %dma_start3A_67] : memref<10240x128xf32, #tpu.memory_space<vmem_shared>> -> memref<128x128xf32, #tpu.memory_space<vmem_shared>>
        tpu.enqueue_dma source(%arg9 : memref<128x128xf32, #tpu.memory_space<vmem>>) target(%dma_start3A_68 : memref<128x128xf32, #tpu.memory_space<vmem_shared>>) target_semaphore(%run_scoped3A : memref<!tpu.dma_semaphore, #tpu.memory_space<semaphore_mem>>)
        %dma_wait3A = arith.constant 0 : i32
        %dma_wait3A_69 = tpu.memref_slice %arg11[%add3A_64, %dma_wait3A] : memref<10240x128xf32, #tpu.memory_space<vmem_shared>> -> memref<128x128xf32, #tpu.memory_space<vmem_shared>>
        %dma_wait3A_70 = arith.constant 0 : i32
        %dma_wait3A_71 = tpu.memref_slice %arg11[%add3A_64, %dma_wait3A_70] : memref<10240x128xf32, #tpu.memory_space<vmem_shared>> -> memref<128x128xf32, #tpu.memory_space<vmem_shared>>
        tpu.wait_dma2 semaphore(%run_scoped3A : memref<!tpu.dma_semaphore, #tpu.memory_space<semaphore_mem>>) src(%arg9 : memref<128x128xf32, #tpu.memory_space<vmem>>) dst(%dma_wait3A_71 : memref<128x128xf32, #tpu.memory_space<vmem_shared>>)
        tpu.yield
      }) : () -> ()
      %scan3A_65 = arith.constant 0 : i32
      scf.yield %scan3A_65 : i32
    }
    %scan3A_12 = arith.constant 5 : i32
    %barrier3A = arith.constant 0 : index
    tpu.barrier barrier_id(%barrier3A)
    %eq3A = arith.constant 0 : i32
    %eq3A_13 = arith.cmpi eq, %arg0, %eq3A : i32
    %jit3A = arith.constant 152 : i32
    %jit3A_14 = arith.constant 8 : i32
    %select_n3A = arith.select %eq3A_13, %jit3A, %jit3A_14 : i32
    %eq3A_15 = arith.constant 0 : i32
    %eq3A_16 = arith.cmpi eq, %arg0, %eq3A_15 : i32
    %mul3A = arith.constant 152 : i32
    %mul3A_17 = arith.muli %arg1, %mul3A : i32
    %mul3A_18 = arith.constant 8 : i32
    %mul3A_19 = arith.muli %arg1, %mul3A_18 : i32
    %add3A = arith.constant 2432 : i32
    %add3A_20 = arith.addi %add3A, %mul3A_19 : i32
    %select_n3A_21 = arith.select %eq3A_16, %mul3A_17, %add3A_20 : i32
    %gt3A = arith.constant 0 : i32
    %gt3A_22 = arith.cmpi sgt, %select_n3A, %gt3A : i32
    %convert_element_type3A = arith.extui %gt3A_22 : i1 to i32
    %cond3A = arith.constant 0 : i32
    %cond3A_23 = arith.cmpi ne, %convert_element_type3A, %cond3A : i32
    scf.if %cond3A_23 {
      %add3A_58 = arith.constant 0 : i32
      %add3A_59 = arith.addi %select_n3A_21, %add3A_58 : i32
      "tpu.region"() ({
        %run_scoped3A = tpu.sem_alloc : memref<!tpu.dma_semaphore, #tpu.memory_space<semaphore_mem>>
        %dma_start3A_95 = arith.constant 0 : i32
        %dma_start3A_96 = arith.constant 0 : i32
        %dma_start3A_97 = tpu.memref_slice %arg3[%add3A_59, %dma_start3A_95, %dma_start3A_96] : memref<2560x2x128xi32, #tpu.memory_space<hbm>> -> memref<1x2x128xi32, #tpu.memory_space<hbm>>
        %dma_start3A_98 = tpu.memref_squeeze %dma_start3A_97 : memref<1x2x128xi32, #tpu.memory_space<hbm>> -> memref<2x128xi32, #tpu.memory_space<hbm>>
        %dma_start3A_99 = arith.constant 0 : i32
        %dma_start3A_100 = arith.constant 0 : i32
        %dma_start3A_101 = tpu.memref_slice %arg3[%add3A_59, %dma_start3A_99, %dma_start3A_100] : memref<2560x2x128xi32, #tpu.memory_space<hbm>> -> memref<1x2x128xi32, #tpu.memory_space<hbm>>
        %dma_start3A_102 = tpu.memref_squeeze %dma_start3A_101 : memref<1x2x128xi32, #tpu.memory_space<hbm>> -> memref<2x128xi32, #tpu.memory_space<hbm>>
        tpu.enqueue_dma source(%dma_start3A_102 : memref<2x128xi32, #tpu.memory_space<hbm>>) target(%arg5 : memref<2x128xi32, #tpu.memory_space<vmem>>) target_semaphore(%run_scoped3A : memref<!tpu.dma_semaphore, #tpu.memory_space<semaphore_mem>>)
        %dma_wait3A = arith.constant 0 : i32
        %dma_wait3A_103 = arith.constant 0 : i32
        %dma_wait3A_104 = tpu.memref_slice %arg3[%add3A_59, %dma_wait3A, %dma_wait3A_103] : memref<2560x2x128xi32, #tpu.memory_space<hbm>> -> memref<1x2x128xi32, #tpu.memory_space<hbm>>
        %dma_wait3A_105 = tpu.memref_squeeze %dma_wait3A_104 : memref<1x2x128xi32, #tpu.memory_space<hbm>> -> memref<2x128xi32, #tpu.memory_space<hbm>>
        %dma_wait3A_106 = arith.constant 0 : i32
        %dma_wait3A_107 = arith.constant 0 : i32
        %dma_wait3A_108 = tpu.memref_slice %arg3[%add3A_59, %dma_wait3A_106, %dma_wait3A_107] : memref<2560x2x128xi32, #tpu.memory_space<hbm>> -> memref<1x2x128xi32, #tpu.memory_space<hbm>>
        %dma_wait3A_109 = tpu.memref_squeeze %dma_wait3A_108 : memref<1x2x128xi32, #tpu.memory_space<hbm>> -> memref<2x128xi32, #tpu.memory_space<hbm>>
        tpu.wait_dma2 semaphore(%run_scoped3A : memref<!tpu.dma_semaphore, #tpu.memory_space<semaphore_mem>>) src(%dma_wait3A_109 : memref<2x128xi32, #tpu.memory_space<hbm>>) dst(%arg5 : memref<2x128xi32, #tpu.memory_space<vmem>>)
        tpu.yield
      }) : () -> ()
      %add3A_60 = arith.constant 1 : i32
      %add3A_61 = arith.addi %select_n3A_21, %add3A_60 : i32
      "tpu.region"() ({
        %run_scoped3A = tpu.sem_alloc : memref<!tpu.dma_semaphore, #tpu.memory_space<semaphore_mem>>
        %dma_start3A_95 = arith.constant 0 : i32
        %dma_start3A_96 = arith.constant 0 : i32
        %dma_start3A_97 = tpu.memref_slice %arg3[%add3A_61, %dma_start3A_95, %dma_start3A_96] : memref<2560x2x128xi32, #tpu.memory_space<hbm>> -> memref<1x2x128xi32, #tpu.memory_space<hbm>>
        %dma_start3A_98 = tpu.memref_squeeze %dma_start3A_97 : memref<1x2x128xi32, #tpu.memory_space<hbm>> -> memref<2x128xi32, #tpu.memory_space<hbm>>
        %dma_start3A_99 = arith.constant 0 : i32
        %dma_start3A_100 = arith.constant 0 : i32
        %dma_start3A_101 = tpu.memref_slice %arg3[%add3A_61, %dma_start3A_99, %dma_start3A_100] : memref<2560x2x128xi32, #tpu.memory_space<hbm>> -> memref<1x2x128xi32, #tpu.memory_space<hbm>>
        %dma_start3A_102 = tpu.memref_squeeze %dma_start3A_101 : memref<1x2x128xi32, #tpu.memory_space<hbm>> -> memref<2x128xi32, #tpu.memory_space<hbm>>
        tpu.enqueue_dma source(%dma_start3A_102 : memref<2x128xi32, #tpu.memory_space<hbm>>) target(%arg6 : memref<2x128xi32, #tpu.memory_space<vmem>>) target_semaphore(%run_scoped3A : memref<!tpu.dma_semaphore, #tpu.memory_space<semaphore_mem>>)
        %dma_wait3A = arith.constant 0 : i32
        %dma_wait3A_103 = arith.constant 0 : i32
        %dma_wait3A_104 = tpu.memref_slice %arg3[%add3A_61, %dma_wait3A, %dma_wait3A_103] : memref<2560x2x128xi32, #tpu.memory_space<hbm>> -> memref<1x2x128xi32, #tpu.memory_space<hbm>>
        %dma_wait3A_105 = tpu.memref_squeeze %dma_wait3A_104 : memref<1x2x128xi32, #tpu.memory_space<hbm>> -> memref<2x128xi32, #tpu.memory_space<hbm>>
        %dma_wait3A_106 = arith.constant 0 : i32
        %dma_wait3A_107 = arith.constant 0 : i32
        %dma_wait3A_108 = tpu.memref_slice %arg3[%add3A_61, %dma_wait3A_106, %dma_wait3A_107] : memref<2560x2x128xi32, #tpu.memory_space<hbm>> -> memref<1x2x128xi32, #tpu.memory_space<hbm>>
        %dma_wait3A_109 = tpu.memref_squeeze %dma_wait3A_108 : memref<1x2x128xi32, #tpu.memory_space<hbm>> -> memref<2x128xi32, #tpu.memory_space<hbm>>
        tpu.wait_dma2 semaphore(%run_scoped3A : memref<!tpu.dma_semaphore, #tpu.memory_space<semaphore_mem>>) src(%dma_wait3A_109 : memref<2x128xi32, #tpu.memory_space<hbm>>) dst(%arg6 : memref<2x128xi32, #tpu.memory_space<vmem>>)
        tpu.yield
      }) : () -> ()
      %add3A_62 = arith.constant 2 : i32
      %add3A_63 = arith.addi %select_n3A_21, %add3A_62 : i32
      %dma_start3A = arith.constant 0 : i32
      %dma_start3A_64 = arith.constant 0 : i32
      %dma_start3A_65 = tpu.memref_slice %arg3[%add3A_63, %dma_start3A, %dma_start3A_64] : memref<2560x2x128xi32, #tpu.memory_space<hbm>> -> memref<1x2x128xi32, #tpu.memory_space<hbm>>
      %dma_start3A_66 = tpu.memref_squeeze %dma_start3A_65 : memref<1x2x128xi32, #tpu.memory_space<hbm>> -> memref<2x128xi32, #tpu.memory_space<hbm>>
      %dma_start3A_67 = arith.constant 0 : i32
      %dma_start3A_68 = arith.constant 0 : i32
      %dma_start3A_69 = tpu.memref_slice %arg3[%add3A_63, %dma_start3A_67, %dma_start3A_68] : memref<2560x2x128xi32, #tpu.memory_space<hbm>> -> memref<1x2x128xi32, #tpu.memory_space<hbm>>
      %dma_start3A_70 = tpu.memref_squeeze %dma_start3A_69 : memref<1x2x128xi32, #tpu.memory_space<hbm>> -> memref<2x128xi32, #tpu.memory_space<hbm>>
      tpu.enqueue_dma source(%dma_start3A_70 : memref<2x128xi32, #tpu.memory_space<hbm>>) target(%arg7 : memref<2x128xi32, #tpu.memory_space<vmem>>) target_semaphore(%arg16 : memref<!tpu.dma_semaphore, #tpu.memory_space<semaphore_mem>>)
      %add3A_71 = arith.constant 3 : i32
      %add3A_72 = arith.addi %select_n3A_21, %add3A_71 : i32
      %dma_start3A_73 = arith.constant 0 : i32
      %dma_start3A_74 = arith.constant 0 : i32
      %dma_start3A_75 = tpu.memref_slice %arg3[%add3A_72, %dma_start3A_73, %dma_start3A_74] : memref<2560x2x128xi32, #tpu.memory_space<hbm>> -> memref<1x2x128xi32, #tpu.memory_space<hbm>>
      %dma_start3A_76 = tpu.memref_squeeze %dma_start3A_75 : memref<1x2x128xi32, #tpu.memory_space<hbm>> -> memref<2x128xi32, #tpu.memory_space<hbm>>
      %dma_start3A_77 = arith.constant 0 : i32
      %dma_start3A_78 = arith.constant 0 : i32
      %dma_start3A_79 = tpu.memref_slice %arg3[%add3A_72, %dma_start3A_77, %dma_start3A_78] : memref<2560x2x128xi32, #tpu.memory_space<hbm>> -> memref<1x2x128xi32, #tpu.memory_space<hbm>>
      %dma_start3A_80 = tpu.memref_squeeze %dma_start3A_79 : memref<1x2x128xi32, #tpu.memory_space<hbm>> -> memref<2x128xi32, #tpu.memory_space<hbm>>
      tpu.enqueue_dma source(%dma_start3A_80 : memref<2x128xi32, #tpu.memory_space<hbm>>) target(%arg8 : memref<2x128xi32, #tpu.memory_space<vmem>>) target_semaphore(%arg17 : memref<!tpu.dma_semaphore, #tpu.memory_space<semaphore_mem>>)
      %dma_start3A_81 = arith.constant 0 : i32
      %dma_start3A_82 = arith.constant 0 : i32
      %dma_start3A_83 = tpu.memref_slice %arg5[%dma_start3A_81, %dma_start3A_82] : memref<2x128xi32, #tpu.memory_space<vmem>> -> memref<1x128xi32, #tpu.memory_space<vmem>>
      %dma_start3A_84 = tpu.memref_squeeze %dma_start3A_83 : memref<1x128xi32, #tpu.memory_space<vmem>> -> memref<128xi32, #tpu.memory_space<vmem>>
      %dma_start3A_85 = arith.constant 0 : i32
      %dma_start3A_86 = arith.constant 0 : i32
      %dma_start3A_87 = tpu.memref_slice %arg2[%dma_start3A_85, %dma_start3A_86] : memref<10240x128xf32, #tpu.memory_space<hbm>> -> memref<10240x128xf32, #tpu.memory_space<hbm>>
      tpu.enqueue_indirect_dma source(%dma_start3A_87 : memref<10240x128xf32, #tpu.memory_space<hbm>>) target(%arg9 : memref<128x128xf32, #tpu.memory_space<vmem>>) offsets(%dma_start3A_84 : memref<128xi32, #tpu.memory_space<vmem>>) semaphore(%arg12 : memref<!tpu.dma_semaphore, #tpu.memory_space<semaphore_mem>>)
      %dma_start3A_88 = arith.constant 0 : i32
      %dma_start3A_89 = arith.constant 0 : i32
      %dma_start3A_90 = tpu.memref_slice %arg6[%dma_start3A_88, %dma_start3A_89] : memref<2x128xi32, #tpu.memory_space<vmem>> -> memref<1x128xi32, #tpu.memory_space<vmem>>
      %dma_start3A_91 = tpu.memref_squeeze %dma_start3A_90 : memref<1x128xi32, #tpu.memory_space<vmem>> -> memref<128xi32, #tpu.memory_space<vmem>>
      %dma_start3A_92 = arith.constant 0 : i32
      %dma_start3A_93 = arith.constant 0 : i32
      %dma_start3A_94 = tpu.memref_slice %arg2[%dma_start3A_92, %dma_start3A_93] : memref<10240x128xf32, #tpu.memory_space<hbm>> -> memref<10240x128xf32, #tpu.memory_space<hbm>>
      tpu.enqueue_indirect_dma source(%dma_start3A_94 : memref<10240x128xf32, #tpu.memory_space<hbm>>) target(%arg10 : memref<128x128xf32, #tpu.memory_space<vmem>>) offsets(%dma_start3A_91 : memref<128xi32, #tpu.memory_space<vmem>>) semaphore(%arg13 : memref<!tpu.dma_semaphore, #tpu.memory_space<semaphore_mem>>)
    } else {
    }
    %jit3A_24 = arith.constant 4 : i32
    %div3A = arith.divsi %select_n3A, %jit3A_24 : i32
    %sign3A = arith.constant 0 : i32
    %sign3A_25 = arith.cmpi sgt, %select_n3A, %sign3A : i32
    %sign3A_26 = arith.extui %sign3A_25 : i1 to i32
    %sign3A_27 = arith.constant 0 : i32
    %sign3A_28 = arith.cmpi slt, %select_n3A, %sign3A_27 : i32
    %sign3A_29 = arith.extui %sign3A_28 : i1 to i32
    %sign3A_30 = arith.subi %sign3A_26, %sign3A_29 : i32
    %sign3A_31 = arith.constant 0 : i32
    %sign3A_32 = arith.cmpi sgt, %jit3A_24, %sign3A_31 : i32
    %sign3A_33 = arith.extui %sign3A_32 : i1 to i32
    %sign3A_34 = arith.constant 0 : i32
    %sign3A_35 = arith.cmpi slt, %jit3A_24, %sign3A_34 : i32
    %sign3A_36 = arith.extui %sign3A_35 : i1 to i32
    %sign3A_37 = arith.subi %sign3A_33, %sign3A_36 : i32
    %ne3A = arith.cmpi ne, %sign3A_30, %sign3A_37 : i32
    %rem3A = arith.remsi %select_n3A, %jit3A_24 : i32
    %ne3A_38 = arith.constant 0 : i32
    %ne3A_39 = arith.cmpi ne, %rem3A, %ne3A_38 : i32
    %and3A = arith.andi %ne3A, %ne3A_39 : i1
    %sub3A = arith.constant 1 : i32
    %sub3A_40 = arith.subi %div3A, %sub3A : i32
    %select_n3A_41 = arith.select %and3A, %sub3A_40, %div3A : i32
    %while3A = arith.constant 0 : i32
    %while3A_42 = arith.constant 0 : i32
    %while3A_43 = arith.subi %select_n3A_41, %while3A : i32
    %while3A_44 = arith.addi %while3A, %while3A_43 : i32
    %while3A_45 = arith.constant 1 : i32
    %while3A_46 = arith.divsi %while3A_43, %while3A_45 : i32
    %while3A_47 = arith.muli %while3A_46, %while3A_45 : i32
    %while3A_48 = arith.addi %while3A, %while3A_47 : i32
    %while3A_49 = arith.constant 1 : i32
    %while3A_50 = scf.for %while3A_58 = %while3A to %while3A_48 step %while3A_49 iter_args(%while3A_59 = %while3A_42) -> (i32)  : i32 {
      %mul3A_60 = arith.constant 4 : i32
      %mul3A_61 = arith.muli %while3A_58, %mul3A_60 : i32
      %add3A_62 = arith.constant 0 : i32
      %add3A_63 = arith.addi %mul3A_61, %add3A_62 : i32
      %dma_wait3A = arith.constant 0 : i32
      %dma_wait3A_64 = arith.constant 0 : i32
      %dma_wait3A_65 = tpu.memref_slice %arg5[%dma_wait3A, %dma_wait3A_64] : memref<2x128xi32, #tpu.memory_space<vmem>> -> memref<1x128xi32, #tpu.memory_space<vmem>>
      %dma_wait3A_66 = tpu.memref_squeeze %dma_wait3A_65 : memref<1x128xi32, #tpu.memory_space<vmem>> -> memref<128xi32, #tpu.memory_space<vmem>>
      %dma_wait3A_67 = arith.constant 0 : i32
      %dma_wait3A_68 = arith.constant 0 : i32
      %dma_wait3A_69 = tpu.memref_slice %arg2[%dma_wait3A_67, %dma_wait3A_68] : memref<10240x128xf32, #tpu.memory_space<hbm>> -> memref<10240x128xf32, #tpu.memory_space<hbm>>
      tpu.wait_indirect_dma semaphore(%arg12 : memref<!tpu.dma_semaphore, #tpu.memory_space<semaphore_mem>>) src(%dma_wait3A_69 : memref<10240x128xf32, #tpu.memory_space<hbm>>) dst(%arg9 : memref<128x128xf32, #tpu.memory_space<vmem>>)
      %run_scoped3A = arith.constant 1 : i32
      "tpu.region"() ({
        %run_scoped3A_148 = tpu.sem_alloc : memref<!tpu.dma_semaphore, #tpu.memory_space<semaphore_mem>>
        %dma_start3A = arith.constant 0 : i32
        %dma_start3A_149 = tpu.memref_slice %arg5[%run_scoped3A, %dma_start3A] : memref<2x128xi32, #tpu.memory_space<vmem>> -> memref<1x128xi32, #tpu.memory_space<vmem>>
        %dma_start3A_150 = tpu.memref_squeeze %dma_start3A_149 : memref<1x128xi32, #tpu.memory_space<vmem>> -> memref<128xi32, #tpu.memory_space<vmem>>
        %dma_start3A_151 = arith.constant 0 : i32
        %dma_start3A_152 = arith.constant 0 : i32
        %dma_start3A_153 = tpu.memref_slice %arg11[%dma_start3A_151, %dma_start3A_152] : memref<10240x128xf32, #tpu.memory_space<vmem_shared>> -> memref<10240x128xf32, #tpu.memory_space<vmem_shared>>
        tpu.enqueue_indirect_dma source(%arg9 : memref<128x128xf32, #tpu.memory_space<vmem>>) target(%dma_start3A_153 : memref<10240x128xf32, #tpu.memory_space<vmem_shared>>) offsets(%dma_start3A_150 : memref<128xi32, #tpu.memory_space<vmem>>) semaphore(%run_scoped3A_148 : memref<!tpu.dma_semaphore, #tpu.memory_space<semaphore_mem>>) {add = true}
        %dma_wait3A_154 = arith.constant 0 : i32
        %dma_wait3A_155 = tpu.memref_slice %arg5[%run_scoped3A, %dma_wait3A_154] : memref<2x128xi32, #tpu.memory_space<vmem>> -> memref<1x128xi32, #tpu.memory_space<vmem>>
        %dma_wait3A_156 = tpu.memref_squeeze %dma_wait3A_155 : memref<1x128xi32, #tpu.memory_space<vmem>> -> memref<128xi32, #tpu.memory_space<vmem>>
        %dma_wait3A_157 = arith.constant 0 : i32
        %dma_wait3A_158 = arith.constant 0 : i32
        %dma_wait3A_159 = tpu.memref_slice %arg11[%dma_wait3A_157, %dma_wait3A_158] : memref<10240x128xf32, #tpu.memory_space<vmem_shared>> -> memref<10240x128xf32, #tpu.memory_space<vmem_shared>>
        tpu.wait_indirect_dma semaphore(%run_scoped3A_148 : memref<!tpu.dma_semaphore, #tpu.memory_space<semaphore_mem>>) src(%arg9 : memref<128x128xf32, #tpu.memory_space<vmem>>) dst(%dma_wait3A_159 : memref<10240x128xf32, #tpu.memory_space<vmem_shared>>)
        tpu.yield
      }) : () -> ()
      %add3A_70 = arith.constant 4 : i32
      %add3A_71 = arith.addi %add3A_63, %add3A_70 : i32
      %lt3A = arith.cmpi slt, %add3A_71, %select_n3A : i32
      %convert_element_type3A_72 = arith.extui %lt3A : i1 to i32
      %cond3A_73 = arith.constant 0 : i32
      %cond3A_74 = arith.cmpi ne, %convert_element_type3A_72, %cond3A_73 : i32
      scf.if %cond3A_74 {
        %add3A_148 = arith.addi %select_n3A_21, %add3A_63 : i32
        %add3A_149 = arith.constant 4 : i32
        %add3A_150 = arith.addi %add3A_148, %add3A_149 : i32
        %dma_start3A = arith.constant 0 : i32
        %dma_start3A_151 = arith.constant 0 : i32
        %dma_start3A_152 = tpu.memref_slice %arg3[%add3A_150, %dma_start3A, %dma_start3A_151] : memref<2560x2x128xi32, #tpu.memory_space<hbm>> -> memref<1x2x128xi32, #tpu.memory_space<hbm>>
        %dma_start3A_153 = tpu.memref_squeeze %dma_start3A_152 : memref<1x2x128xi32, #tpu.memory_space<hbm>> -> memref<2x128xi32, #tpu.memory_space<hbm>>
        %dma_start3A_154 = arith.constant 0 : i32
        %dma_start3A_155 = arith.constant 0 : i32
        %dma_start3A_156 = tpu.memref_slice %arg3[%add3A_150, %dma_start3A_154, %dma_start3A_155] : memref<2560x2x128xi32, #tpu.memory_space<hbm>> -> memref<1x2x128xi32, #tpu.memory_space<hbm>>
        %dma_start3A_157 = tpu.memref_squeeze %dma_start3A_156 : memref<1x2x128xi32, #tpu.memory_space<hbm>> -> memref<2x128xi32, #tpu.memory_space<hbm>>
        tpu.enqueue_dma source(%dma_start3A_157 : memref<2x128xi32, #tpu.memory_space<hbm>>) target(%arg5 : memref<2x128xi32, #tpu.memory_space<vmem>>) target_semaphore(%arg14 : memref<!tpu.dma_semaphore, #tpu.memory_space<semaphore_mem>>)
      } else {
      }
      %add3A_75 = arith.constant 2 : i32
      %add3A_76 = arith.addi %add3A_63, %add3A_75 : i32
      %lt3A_77 = arith.cmpi slt, %add3A_76, %select_n3A : i32
      %convert_element_type3A_78 = arith.extui %lt3A_77 : i1 to i32
      %cond3A_79 = arith.constant 0 : i32
      %cond3A_80 = arith.cmpi ne, %convert_element_type3A_78, %cond3A_79 : i32
      scf.if %cond3A_80 {
        %add3A_148 = arith.addi %select_n3A_21, %add3A_63 : i32
        %add3A_149 = arith.constant 2 : i32
        %add3A_150 = arith.addi %add3A_148, %add3A_149 : i32
        %dma_wait3A_151 = arith.constant 0 : i32
        %dma_wait3A_152 = arith.constant 0 : i32
        %dma_wait3A_153 = tpu.memref_slice %arg3[%add3A_150, %dma_wait3A_151, %dma_wait3A_152] : memref<2560x2x128xi32, #tpu.memory_space<hbm>> -> memref<1x2x128xi32, #tpu.memory_space<hbm>>
        %dma_wait3A_154 = tpu.memref_squeeze %dma_wait3A_153 : memref<1x2x128xi32, #tpu.memory_space<hbm>> -> memref<2x128xi32, #tpu.memory_space<hbm>>
        %dma_wait3A_155 = arith.constant 0 : i32
        %dma_wait3A_156 = arith.constant 0 : i32
        %dma_wait3A_157 = tpu.memref_slice %arg3[%add3A_150, %dma_wait3A_155, %dma_wait3A_156] : memref<2560x2x128xi32, #tpu.memory_space<hbm>> -> memref<1x2x128xi32, #tpu.memory_space<hbm>>
        %dma_wait3A_158 = tpu.memref_squeeze %dma_wait3A_157 : memref<1x2x128xi32, #tpu.memory_space<hbm>> -> memref<2x128xi32, #tpu.memory_space<hbm>>
        tpu.wait_dma2 semaphore(%arg16 : memref<!tpu.dma_semaphore, #tpu.memory_space<semaphore_mem>>) src(%dma_wait3A_158 : memref<2x128xi32, #tpu.memory_space<hbm>>) dst(%arg7 : memref<2x128xi32, #tpu.memory_space<vmem>>)
        %dma_start3A = arith.constant 0 : i32
        %dma_start3A_159 = arith.constant 0 : i32
        %dma_start3A_160 = tpu.memref_slice %arg7[%dma_start3A, %dma_start3A_159] : memref<2x128xi32, #tpu.memory_space<vmem>> -> memref<1x128xi32, #tpu.memory_space<vmem>>
        %dma_start3A_161 = tpu.memref_squeeze %dma_start3A_160 : memref<1x128xi32, #tpu.memory_space<vmem>> -> memref<128xi32, #tpu.memory_space<vmem>>
        %dma_start3A_162 = arith.constant 0 : i32
        %dma_start3A_163 = arith.constant 0 : i32
        %dma_start3A_164 = tpu.memref_slice %arg2[%dma_start3A_162, %dma_start3A_163] : memref<10240x128xf32, #tpu.memory_space<hbm>> -> memref<10240x128xf32, #tpu.memory_space<hbm>>
        tpu.enqueue_indirect_dma source(%dma_start3A_164 : memref<10240x128xf32, #tpu.memory_space<hbm>>) target(%arg9 : memref<128x128xf32, #tpu.memory_space<vmem>>) offsets(%dma_start3A_161 : memref<128xi32, #tpu.memory_space<vmem>>) semaphore(%arg12 : memref<!tpu.dma_semaphore, #tpu.memory_space<semaphore_mem>>)
      } else {
      }
      %add3A_81 = arith.constant 1 : i32
      %add3A_82 = arith.addi %mul3A_61, %add3A_81 : i32
      %dma_wait3A_83 = arith.constant 0 : i32
      %dma_wait3A_84 = arith.constant 0 : i32
      %dma_wait3A_85 = tpu.memref_slice %arg6[%dma_wait3A_83, %dma_wait3A_84] : memref<2x128xi32, #tpu.memory_space<vmem>> -> memref<1x128xi32, #tpu.memory_space<vmem>>
      %dma_wait3A_86 = tpu.memref_squeeze %dma_wait3A_85 : memref<1x128xi32, #tpu.memory_space<vmem>> -> memref<128xi32, #tpu.memory_space<vmem>>
      %dma_wait3A_87 = arith.constant 0 : i32
      %dma_wait3A_88 = arith.constant 0 : i32
      %dma_wait3A_89 = tpu.memref_slice %arg2[%dma_wait3A_87, %dma_wait3A_88] : memref<10240x128xf32, #tpu.memory_space<hbm>> -> memref<10240x128xf32, #tpu.memory_space<hbm>>
      tpu.wait_indirect_dma semaphore(%arg13 : memref<!tpu.dma_semaphore, #tpu.memory_space<semaphore_mem>>) src(%dma_wait3A_89 : memref<10240x128xf32, #tpu.memory_space<hbm>>) dst(%arg10 : memref<128x128xf32, #tpu.memory_space<vmem>>)
      %run_scoped3A_90 = arith.constant 1 : i32
      "tpu.region"() ({
        %run_scoped3A_148 = tpu.sem_alloc : memref<!tpu.dma_semaphore, #tpu.memory_space<semaphore_mem>>
        %dma_start3A = arith.constant 0 : i32
        %dma_start3A_149 = tpu.memref_slice %arg6[%run_scoped3A_90, %dma_start3A] : memref<2x128xi32, #tpu.memory_space<vmem>> -> memref<1x128xi32, #tpu.memory_space<vmem>>
        %dma_start3A_150 = tpu.memref_squeeze %dma_start3A_149 : memref<1x128xi32, #tpu.memory_space<vmem>> -> memref<128xi32, #tpu.memory_space<vmem>>
        %dma_start3A_151 = arith.constant 0 : i32
        %dma_start3A_152 = arith.constant 0 : i32
        %dma_start3A_153 = tpu.memref_slice %arg11[%dma_start3A_151, %dma_start3A_152] : memref<10240x128xf32, #tpu.memory_space<vmem_shared>> -> memref<10240x128xf32, #tpu.memory_space<vmem_shared>>
        tpu.enqueue_indirect_dma source(%arg10 : memref<128x128xf32, #tpu.memory_space<vmem>>) target(%dma_start3A_153 : memref<10240x128xf32, #tpu.memory_space<vmem_shared>>) offsets(%dma_start3A_150 : memref<128xi32, #tpu.memory_space<vmem>>) semaphore(%run_scoped3A_148 : memref<!tpu.dma_semaphore, #tpu.memory_space<semaphore_mem>>) {add = true}
        %dma_wait3A_154 = arith.constant 0 : i32
        %dma_wait3A_155 = tpu.memref_slice %arg6[%run_scoped3A_90, %dma_wait3A_154] : memref<2x128xi32, #tpu.memory_space<vmem>> -> memref<1x128xi32, #tpu.memory_space<vmem>>
        %dma_wait3A_156 = tpu.memref_squeeze %dma_wait3A_155 : memref<1x128xi32, #tpu.memory_space<vmem>> -> memref<128xi32, #tpu.memory_space<vmem>>
        %dma_wait3A_157 = arith.constant 0 : i32
        %dma_wait3A_158 = arith.constant 0 : i32
        %dma_wait3A_159 = tpu.memref_slice %arg11[%dma_wait3A_157, %dma_wait3A_158] : memref<10240x128xf32, #tpu.memory_space<vmem_shared>> -> memref<10240x128xf32, #tpu.memory_space<vmem_shared>>
        tpu.wait_indirect_dma semaphore(%run_scoped3A_148 : memref<!tpu.dma_semaphore, #tpu.memory_space<semaphore_mem>>) src(%arg10 : memref<128x128xf32, #tpu.memory_space<vmem>>) dst(%dma_wait3A_159 : memref<10240x128xf32, #tpu.memory_space<vmem_shared>>)
        tpu.yield
      }) : () -> ()
      %add3A_91 = arith.constant 4 : i32
      %add3A_92 = arith.addi %add3A_82, %add3A_91 : i32
      %lt3A_93 = arith.cmpi slt, %add3A_92, %select_n3A : i32
      %convert_element_type3A_94 = arith.extui %lt3A_93 : i1 to i32
      %cond3A_95 = arith.constant 0 : i32
      %cond3A_96 = arith.cmpi ne, %convert_element_type3A_94, %cond3A_95 : i32
      scf.if %cond3A_96 {
        %add3A_148 = arith.addi %select_n3A_21, %add3A_82 : i32
        %add3A_149 = arith.constant 4 : i32
        %add3A_150 = arith.addi %add3A_148, %add3A_149 : i32
        %dma_start3A = arith.constant 0 : i32
        %dma_start3A_151 = arith.constant 0 : i32
        %dma_start3A_152 = tpu.memref_slice %arg3[%add3A_150, %dma_start3A, %dma_start3A_151] : memref<2560x2x128xi32, #tpu.memory_space<hbm>> -> memref<1x2x128xi32, #tpu.memory_space<hbm>>
        %dma_start3A_153 = tpu.memref_squeeze %dma_start3A_152 : memref<1x2x128xi32, #tpu.memory_space<hbm>> -> memref<2x128xi32, #tpu.memory_space<hbm>>
        %dma_start3A_154 = arith.constant 0 : i32
        %dma_start3A_155 = arith.constant 0 : i32
        %dma_start3A_156 = tpu.memref_slice %arg3[%add3A_150, %dma_start3A_154, %dma_start3A_155] : memref<2560x2x128xi32, #tpu.memory_space<hbm>> -> memref<1x2x128xi32, #tpu.memory_space<hbm>>
        %dma_start3A_157 = tpu.memref_squeeze %dma_start3A_156 : memref<1x2x128xi32, #tpu.memory_space<hbm>> -> memref<2x128xi32, #tpu.memory_space<hbm>>
        tpu.enqueue_dma source(%dma_start3A_157 : memref<2x128xi32, #tpu.memory_space<hbm>>) target(%arg6 : memref<2x128xi32, #tpu.memory_space<vmem>>) target_semaphore(%arg15 : memref<!tpu.dma_semaphore, #tpu.memory_space<semaphore_mem>>)
      } else {
      }
      %add3A_97 = arith.constant 2 : i32
      %add3A_98 = arith.addi %add3A_82, %add3A_97 : i32
      %lt3A_99 = arith.cmpi slt, %add3A_98, %select_n3A : i32
      %convert_element_type3A_100 = arith.extui %lt3A_99 : i1 to i32
      %cond3A_101 = arith.constant 0 : i32
      %cond3A_102 = arith.cmpi ne, %convert_element_type3A_100, %cond3A_101 : i32
      scf.if %cond3A_102 {
        %add3A_148 = arith.addi %select_n3A_21, %add3A_82 : i32
        %add3A_149 = arith.constant 2 : i32
        %add3A_150 = arith.addi %add3A_148, %add3A_149 : i32
        %dma_wait3A_151 = arith.constant 0 : i32
        %dma_wait3A_152 = arith.constant 0 : i32
        %dma_wait3A_153 = tpu.memref_slice %arg3[%add3A_150, %dma_wait3A_151, %dma_wait3A_152] : memref<2560x2x128xi32, #tpu.memory_space<hbm>> -> memref<1x2x128xi32, #tpu.memory_space<hbm>>
        %dma_wait3A_154 = tpu.memref_squeeze %dma_wait3A_153 : memref<1x2x128xi32, #tpu.memory_space<hbm>> -> memref<2x128xi32, #tpu.memory_space<hbm>>
        %dma_wait3A_155 = arith.constant 0 : i32
        %dma_wait3A_156 = arith.constant 0 : i32
        %dma_wait3A_157 = tpu.memref_slice %arg3[%add3A_150, %dma_wait3A_155, %dma_wait3A_156] : memref<2560x2x128xi32, #tpu.memory_space<hbm>> -> memref<1x2x128xi32, #tpu.memory_space<hbm>>
        %dma_wait3A_158 = tpu.memref_squeeze %dma_wait3A_157 : memref<1x2x128xi32, #tpu.memory_space<hbm>> -> memref<2x128xi32, #tpu.memory_space<hbm>>
        tpu.wait_dma2 semaphore(%arg17 : memref<!tpu.dma_semaphore, #tpu.memory_space<semaphore_mem>>) src(%dma_wait3A_158 : memref<2x128xi32, #tpu.memory_space<hbm>>) dst(%arg8 : memref<2x128xi32, #tpu.memory_space<vmem>>)
        %dma_start3A = arith.constant 0 : i32
        %dma_start3A_159 = arith.constant 0 : i32
        %dma_start3A_160 = tpu.memref_slice %arg8[%dma_start3A, %dma_start3A_159] : memref<2x128xi32, #tpu.memory_space<vmem>> -> memref<1x128xi32, #tpu.memory_space<vmem>>
        %dma_start3A_161 = tpu.memref_squeeze %dma_start3A_160 : memref<1x128xi32, #tpu.memory_space<vmem>> -> memref<128xi32, #tpu.memory_space<vmem>>
        %dma_start3A_162 = arith.constant 0 : i32
        %dma_start3A_163 = arith.constant 0 : i32
        %dma_start3A_164 = tpu.memref_slice %arg2[%dma_start3A_162, %dma_start3A_163] : memref<10240x128xf32, #tpu.memory_space<hbm>> -> memref<10240x128xf32, #tpu.memory_space<hbm>>
        tpu.enqueue_indirect_dma source(%dma_start3A_164 : memref<10240x128xf32, #tpu.memory_space<hbm>>) target(%arg10 : memref<128x128xf32, #tpu.memory_space<vmem>>) offsets(%dma_start3A_161 : memref<128xi32, #tpu.memory_space<vmem>>) semaphore(%arg13 : memref<!tpu.dma_semaphore, #tpu.memory_space<semaphore_mem>>)
      } else {
      }
      %add3A_103 = arith.constant 2 : i32
      %add3A_104 = arith.addi %mul3A_61, %add3A_103 : i32
      %dma_wait3A_105 = arith.constant 0 : i32
      %dma_wait3A_106 = arith.constant 0 : i32
      %dma_wait3A_107 = tpu.memref_slice %arg7[%dma_wait3A_105, %dma_wait3A_106] : memref<2x128xi32, #tpu.memory_space<vmem>> -> memref<1x128xi32, #tpu.memory_space<vmem>>
      %dma_wait3A_108 = tpu.memref_squeeze %dma_wait3A_107 : memref<1x128xi32, #tpu.memory_space<vmem>> -> memref<128xi32, #tpu.memory_space<vmem>>
      %dma_wait3A_109 = arith.constant 0 : i32
      %dma_wait3A_110 = arith.constant 0 : i32
      %dma_wait3A_111 = tpu.memref_slice %arg2[%dma_wait3A_109, %dma_wait3A_110] : memref<10240x128xf32, #tpu.memory_space<hbm>> -> memref<10240x128xf32, #tpu.memory_space<hbm>>
      tpu.wait_indirect_dma semaphore(%arg12 : memref<!tpu.dma_semaphore, #tpu.memory_space<semaphore_mem>>) src(%dma_wait3A_111 : memref<10240x128xf32, #tpu.memory_space<hbm>>) dst(%arg9 : memref<128x128xf32, #tpu.memory_space<vmem>>)
      %run_scoped3A_112 = arith.constant 1 : i32
      "tpu.region"() ({
        %run_scoped3A_148 = tpu.sem_alloc : memref<!tpu.dma_semaphore, #tpu.memory_space<semaphore_mem>>
        %dma_start3A = arith.constant 0 : i32
        %dma_start3A_149 = tpu.memref_slice %arg7[%run_scoped3A_112, %dma_start3A] : memref<2x128xi32, #tpu.memory_space<vmem>> -> memref<1x128xi32, #tpu.memory_space<vmem>>
        %dma_start3A_150 = tpu.memref_squeeze %dma_start3A_149 : memref<1x128xi32, #tpu.memory_space<vmem>> -> memref<128xi32, #tpu.memory_space<vmem>>
        %dma_start3A_151 = arith.constant 0 : i32
        %dma_start3A_152 = arith.constant 0 : i32
        %dma_start3A_153 = tpu.memref_slice %arg11[%dma_start3A_151, %dma_start3A_152] : memref<10240x128xf32, #tpu.memory_space<vmem_shared>> -> memref<10240x128xf32, #tpu.memory_space<vmem_shared>>
        tpu.enqueue_indirect_dma source(%arg9 : memref<128x128xf32, #tpu.memory_space<vmem>>) target(%dma_start3A_153 : memref<10240x128xf32, #tpu.memory_space<vmem_shared>>) offsets(%dma_start3A_150 : memref<128xi32, #tpu.memory_space<vmem>>) semaphore(%run_scoped3A_148 : memref<!tpu.dma_semaphore, #tpu.memory_space<semaphore_mem>>) {add = true}
        %dma_wait3A_154 = arith.constant 0 : i32
        %dma_wait3A_155 = tpu.memref_slice %arg7[%run_scoped3A_112, %dma_wait3A_154] : memref<2x128xi32, #tpu.memory_space<vmem>> -> memref<1x128xi32, #tpu.memory_space<vmem>>
        %dma_wait3A_156 = tpu.memref_squeeze %dma_wait3A_155 : memref<1x128xi32, #tpu.memory_space<vmem>> -> memref<128xi32, #tpu.memory_space<vmem>>
        %dma_wait3A_157 = arith.constant 0 : i32
        %dma_wait3A_158 = arith.constant 0 : i32
        %dma_wait3A_159 = tpu.memref_slice %arg11[%dma_wait3A_157, %dma_wait3A_158] : memref<10240x128xf32, #tpu.memory_space<vmem_shared>> -> memref<10240x128xf32, #tpu.memory_space<vmem_shared>>
        tpu.wait_indirect_dma semaphore(%run_scoped3A_148 : memref<!tpu.dma_semaphore, #tpu.memory_space<semaphore_mem>>) src(%arg9 : memref<128x128xf32, #tpu.memory_space<vmem>>) dst(%dma_wait3A_159 : memref<10240x128xf32, #tpu.memory_space<vmem_shared>>)
        tpu.yield
      }) : () -> ()
      %add3A_113 = arith.constant 4 : i32
      %add3A_114 = arith.addi %add3A_104, %add3A_113 : i32
      %lt3A_115 = arith.cmpi slt, %add3A_114, %select_n3A : i32
      %convert_element_type3A_116 = arith.extui %lt3A_115 : i1 to i32
      %cond3A_117 = arith.constant 0 : i32
      %cond3A_118 = arith.cmpi ne, %convert_element_type3A_116, %cond3A_117 : i32
      scf.if %cond3A_118 {
        %add3A_148 = arith.addi %select_n3A_21, %add3A_104 : i32
        %add3A_149 = arith.constant 4 : i32
        %add3A_150 = arith.addi %add3A_148, %add3A_149 : i32
        %dma_start3A = arith.constant 0 : i32
        %dma_start3A_151 = arith.constant 0 : i32
        %dma_start3A_152 = tpu.memref_slice %arg3[%add3A_150, %dma_start3A, %dma_start3A_151] : memref<2560x2x128xi32, #tpu.memory_space<hbm>> -> memref<1x2x128xi32, #tpu.memory_space<hbm>>
        %dma_start3A_153 = tpu.memref_squeeze %dma_start3A_152 : memref<1x2x128xi32, #tpu.memory_space<hbm>> -> memref<2x128xi32, #tpu.memory_space<hbm>>
        %dma_start3A_154 = arith.constant 0 : i32
        %dma_start3A_155 = arith.constant 0 : i32
        %dma_start3A_156 = tpu.memref_slice %arg3[%add3A_150, %dma_start3A_154, %dma_start3A_155] : memref<2560x2x128xi32, #tpu.memory_space<hbm>> -> memref<1x2x128xi32, #tpu.memory_space<hbm>>
        %dma_start3A_157 = tpu.memref_squeeze %dma_start3A_156 : memref<1x2x128xi32, #tpu.memory_space<hbm>> -> memref<2x128xi32, #tpu.memory_space<hbm>>
        tpu.enqueue_dma source(%dma_start3A_157 : memref<2x128xi32, #tpu.memory_space<hbm>>) target(%arg7 : memref<2x128xi32, #tpu.memory_space<vmem>>) target_semaphore(%arg16 : memref<!tpu.dma_semaphore, #tpu.memory_space<semaphore_mem>>)
      } else {
      }
      %add3A_119 = arith.constant 2 : i32
      %add3A_120 = arith.addi %add3A_104, %add3A_119 : i32
      %lt3A_121 = arith.cmpi slt, %add3A_120, %select_n3A : i32
      %convert_element_type3A_122 = arith.extui %lt3A_121 : i1 to i32
      %cond3A_123 = arith.constant 0 : i32
      %cond3A_124 = arith.cmpi ne, %convert_element_type3A_122, %cond3A_123 : i32
      scf.if %cond3A_124 {
        %add3A_148 = arith.addi %select_n3A_21, %add3A_104 : i32
        %add3A_149 = arith.constant 2 : i32
        %add3A_150 = arith.addi %add3A_148, %add3A_149 : i32
        %dma_wait3A_151 = arith.constant 0 : i32
        %dma_wait3A_152 = arith.constant 0 : i32
        %dma_wait3A_153 = tpu.memref_slice %arg3[%add3A_150, %dma_wait3A_151, %dma_wait3A_152] : memref<2560x2x128xi32, #tpu.memory_space<hbm>> -> memref<1x2x128xi32, #tpu.memory_space<hbm>>
        %dma_wait3A_154 = tpu.memref_squeeze %dma_wait3A_153 : memref<1x2x128xi32, #tpu.memory_space<hbm>> -> memref<2x128xi32, #tpu.memory_space<hbm>>
        %dma_wait3A_155 = arith.constant 0 : i32
        %dma_wait3A_156 = arith.constant 0 : i32
        %dma_wait3A_157 = tpu.memref_slice %arg3[%add3A_150, %dma_wait3A_155, %dma_wait3A_156] : memref<2560x2x128xi32, #tpu.memory_space<hbm>> -> memref<1x2x128xi32, #tpu.memory_space<hbm>>
        %dma_wait3A_158 = tpu.memref_squeeze %dma_wait3A_157 : memref<1x2x128xi32, #tpu.memory_space<hbm>> -> memref<2x128xi32, #tpu.memory_space<hbm>>
        tpu.wait_dma2 semaphore(%arg14 : memref<!tpu.dma_semaphore, #tpu.memory_space<semaphore_mem>>) src(%dma_wait3A_158 : memref<2x128xi32, #tpu.memory_space<hbm>>) dst(%arg5 : memref<2x128xi32, #tpu.memory_space<vmem>>)
        %dma_start3A = arith.constant 0 : i32
        %dma_start3A_159 = arith.constant 0 : i32
        %dma_start3A_160 = tpu.memref_slice %arg5[%dma_start3A, %dma_start3A_159] : memref<2x128xi32, #tpu.memory_space<vmem>> -> memref<1x128xi32, #tpu.memory_space<vmem>>
        %dma_start3A_161 = tpu.memref_squeeze %dma_start3A_160 : memref<1x128xi32, #tpu.memory_space<vmem>> -> memref<128xi32, #tpu.memory_space<vmem>>
        %dma_start3A_162 = arith.constant 0 : i32
        %dma_start3A_163 = arith.constant 0 : i32
        %dma_start3A_164 = tpu.memref_slice %arg2[%dma_start3A_162, %dma_start3A_163] : memref<10240x128xf32, #tpu.memory_space<hbm>> -> memref<10240x128xf32, #tpu.memory_space<hbm>>
        tpu.enqueue_indirect_dma source(%dma_start3A_164 : memref<10240x128xf32, #tpu.memory_space<hbm>>) target(%arg9 : memref<128x128xf32, #tpu.memory_space<vmem>>) offsets(%dma_start3A_161 : memref<128xi32, #tpu.memory_space<vmem>>) semaphore(%arg12 : memref<!tpu.dma_semaphore, #tpu.memory_space<semaphore_mem>>)
      } else {
      }
      %add3A_125 = arith.constant 3 : i32
      %add3A_126 = arith.addi %mul3A_61, %add3A_125 : i32
      %dma_wait3A_127 = arith.constant 0 : i32
      %dma_wait3A_128 = arith.constant 0 : i32
      %dma_wait3A_129 = tpu.memref_slice %arg8[%dma_wait3A_127, %dma_wait3A_128] : memref<2x128xi32, #tpu.memory_space<vmem>> -> memref<1x128xi32, #tpu.memory_space<vmem>>
      %dma_wait3A_130 = tpu.memref_squeeze %dma_wait3A_129 : memref<1x128xi32, #tpu.memory_space<vmem>> -> memref<128xi32, #tpu.memory_space<vmem>>
      %dma_wait3A_131 = arith.constant 0 : i32
      %dma_wait3A_132 = arith.constant 0 : i32
      %dma_wait3A_133 = tpu.memref_slice %arg2[%dma_wait3A_131, %dma_wait3A_132] : memref<10240x128xf32, #tpu.memory_space<hbm>> -> memref<10240x128xf32, #tpu.memory_space<hbm>>
      tpu.wait_indirect_dma semaphore(%arg13 : memref<!tpu.dma_semaphore, #tpu.memory_space<semaphore_mem>>) src(%dma_wait3A_133 : memref<10240x128xf32, #tpu.memory_space<hbm>>) dst(%arg10 : memref<128x128xf32, #tpu.memory_space<vmem>>)
      %run_scoped3A_134 = arith.constant 1 : i32
      "tpu.region"() ({
        %run_scoped3A_148 = tpu.sem_alloc : memref<!tpu.dma_semaphore, #tpu.memory_space<semaphore_mem>>
        %dma_start3A = arith.constant 0 : i32
        %dma_start3A_149 = tpu.memref_slice %arg8[%run_scoped3A_134, %dma_start3A] : memref<2x128xi32, #tpu.memory_space<vmem>> -> memref<1x128xi32, #tpu.memory_space<vmem>>
        %dma_start3A_150 = tpu.memref_squeeze %dma_start3A_149 : memref<1x128xi32, #tpu.memory_space<vmem>> -> memref<128xi32, #tpu.memory_space<vmem>>
        %dma_start3A_151 = arith.constant 0 : i32
        %dma_start3A_152 = arith.constant 0 : i32
        %dma_start3A_153 = tpu.memref_slice %arg11[%dma_start3A_151, %dma_start3A_152] : memref<10240x128xf32, #tpu.memory_space<vmem_shared>> -> memref<10240x128xf32, #tpu.memory_space<vmem_shared>>
        tpu.enqueue_indirect_dma source(%arg10 : memref<128x128xf32, #tpu.memory_space<vmem>>) target(%dma_start3A_153 : memref<10240x128xf32, #tpu.memory_space<vmem_shared>>) offsets(%dma_start3A_150 : memref<128xi32, #tpu.memory_space<vmem>>) semaphore(%run_scoped3A_148 : memref<!tpu.dma_semaphore, #tpu.memory_space<semaphore_mem>>) {add = true}
        %dma_wait3A_154 = arith.constant 0 : i32
        %dma_wait3A_155 = tpu.memref_slice %arg8[%run_scoped3A_134, %dma_wait3A_154] : memref<2x128xi32, #tpu.memory_space<vmem>> -> memref<1x128xi32, #tpu.memory_space<vmem>>
        %dma_wait3A_156 = tpu.memref_squeeze %dma_wait3A_155 : memref<1x128xi32, #tpu.memory_space<vmem>> -> memref<128xi32, #tpu.memory_space<vmem>>
        %dma_wait3A_157 = arith.constant 0 : i32
        %dma_wait3A_158 = arith.constant 0 : i32
        %dma_wait3A_159 = tpu.memref_slice %arg11[%dma_wait3A_157, %dma_wait3A_158] : memref<10240x128xf32, #tpu.memory_space<vmem_shared>> -> memref<10240x128xf32, #tpu.memory_space<vmem_shared>>
        tpu.wait_indirect_dma semaphore(%run_scoped3A_148 : memref<!tpu.dma_semaphore, #tpu.memory_space<semaphore_mem>>) src(%arg10 : memref<128x128xf32, #tpu.memory_space<vmem>>) dst(%dma_wait3A_159 : memref<10240x128xf32, #tpu.memory_space<vmem_shared>>)
        tpu.yield
      }) : () -> ()
      %add3A_135 = arith.constant 4 : i32
      %add3A_136 = arith.addi %add3A_126, %add3A_135 : i32
      %lt3A_137 = arith.cmpi slt, %add3A_136, %select_n3A : i32
      %convert_element_type3A_138 = arith.extui %lt3A_137 : i1 to i32
      %cond3A_139 = arith.constant 0 : i32
      %cond3A_140 = arith.cmpi ne, %convert_element_type3A_138, %cond3A_139 : i32
      scf.if %cond3A_140 {
        %add3A_148 = arith.addi %select_n3A_21, %add3A_126 : i32
        %add3A_149 = arith.constant 4 : i32
        %add3A_150 = arith.addi %add3A_148, %add3A_149 : i32
        %dma_start3A = arith.constant 0 : i32
        %dma_start3A_151 = arith.constant 0 : i32
        %dma_start3A_152 = tpu.memref_slice %arg3[%add3A_150, %dma_start3A, %dma_start3A_151] : memref<2560x2x128xi32, #tpu.memory_space<hbm>> -> memref<1x2x128xi32, #tpu.memory_space<hbm>>
        %dma_start3A_153 = tpu.memref_squeeze %dma_start3A_152 : memref<1x2x128xi32, #tpu.memory_space<hbm>> -> memref<2x128xi32, #tpu.memory_space<hbm>>
        %dma_start3A_154 = arith.constant 0 : i32
        %dma_start3A_155 = arith.constant 0 : i32
        %dma_start3A_156 = tpu.memref_slice %arg3[%add3A_150, %dma_start3A_154, %dma_start3A_155] : memref<2560x2x128xi32, #tpu.memory_space<hbm>> -> memref<1x2x128xi32, #tpu.memory_space<hbm>>
        %dma_start3A_157 = tpu.memref_squeeze %dma_start3A_156 : memref<1x2x128xi32, #tpu.memory_space<hbm>> -> memref<2x128xi32, #tpu.memory_space<hbm>>
        tpu.enqueue_dma source(%dma_start3A_157 : memref<2x128xi32, #tpu.memory_space<hbm>>) target(%arg8 : memref<2x128xi32, #tpu.memory_space<vmem>>) target_semaphore(%arg17 : memref<!tpu.dma_semaphore, #tpu.memory_space<semaphore_mem>>)
      } else {
      }
      %add3A_141 = arith.constant 2 : i32
      %add3A_142 = arith.addi %add3A_126, %add3A_141 : i32
      %lt3A_143 = arith.cmpi slt, %add3A_142, %select_n3A : i32
      %convert_element_type3A_144 = arith.extui %lt3A_143 : i1 to i32
      %cond3A_145 = arith.constant 0 : i32
      %cond3A_146 = arith.cmpi ne, %convert_element_type3A_144, %cond3A_145 : i32
      scf.if %cond3A_146 {
        %add3A_148 = arith.addi %select_n3A_21, %add3A_126 : i32
        %add3A_149 = arith.constant 2 : i32
        %add3A_150 = arith.addi %add3A_148, %add3A_149 : i32
        %dma_wait3A_151 = arith.constant 0 : i32
        %dma_wait3A_152 = arith.constant 0 : i32
        %dma_wait3A_153 = tpu.memref_slice %arg3[%add3A_150, %dma_wait3A_151, %dma_wait3A_152] : memref<2560x2x128xi32, #tpu.memory_space<hbm>> -> memref<1x2x128xi32, #tpu.memory_space<hbm>>
        %dma_wait3A_154 = tpu.memref_squeeze %dma_wait3A_153 : memref<1x2x128xi32, #tpu.memory_space<hbm>> -> memref<2x128xi32, #tpu.memory_space<hbm>>
        %dma_wait3A_155 = arith.constant 0 : i32
        %dma_wait3A_156 = arith.constant 0 : i32
        %dma_wait3A_157 = tpu.memref_slice %arg3[%add3A_150, %dma_wait3A_155, %dma_wait3A_156] : memref<2560x2x128xi32, #tpu.memory_space<hbm>> -> memref<1x2x128xi32, #tpu.memory_space<hbm>>
        %dma_wait3A_158 = tpu.memref_squeeze %dma_wait3A_157 : memref<1x2x128xi32, #tpu.memory_space<hbm>> -> memref<2x128xi32, #tpu.memory_space<hbm>>
        tpu.wait_dma2 semaphore(%arg15 : memref<!tpu.dma_semaphore, #tpu.memory_space<semaphore_mem>>) src(%dma_wait3A_158 : memref<2x128xi32, #tpu.memory_space<hbm>>) dst(%arg6 : memref<2x128xi32, #tpu.memory_space<vmem>>)
        %dma_start3A = arith.constant 0 : i32
        %dma_start3A_159 = arith.constant 0 : i32
        %dma_start3A_160 = tpu.memref_slice %arg6[%dma_start3A, %dma_start3A_159] : memref<2x128xi32, #tpu.memory_space<vmem>> -> memref<1x128xi32, #tpu.memory_space<vmem>>
        %dma_start3A_161 = tpu.memref_squeeze %dma_start3A_160 : memref<1x128xi32, #tpu.memory_space<vmem>> -> memref<128xi32, #tpu.memory_space<vmem>>
        %dma_start3A_162 = arith.constant 0 : i32
        %dma_start3A_163 = arith.constant 0 : i32
        %dma_start3A_164 = tpu.memref_slice %arg2[%dma_start3A_162, %dma_start3A_163] : memref<10240x128xf32, #tpu.memory_space<hbm>> -> memref<10240x128xf32, #tpu.memory_space<hbm>>
        tpu.enqueue_indirect_dma source(%dma_start3A_164 : memref<10240x128xf32, #tpu.memory_space<hbm>>) target(%arg10 : memref<128x128xf32, #tpu.memory_space<vmem>>) offsets(%dma_start3A_161 : memref<128xi32, #tpu.memory_space<vmem>>) semaphore(%arg13 : memref<!tpu.dma_semaphore, #tpu.memory_space<semaphore_mem>>)
      } else {
      }
      %while3A_147 = arith.constant 0 : i32
      scf.yield %while3A_147 : i32
    }
    %while3A_51 = arith.constant 1 : i32
    %while3A_52 = scf.for %while3A_58 = %while3A_48 to %while3A_44 step %while3A_51 iter_args(%while3A_59 = %while3A_50) -> (i32)  : i32 {
      %mul3A_60 = arith.constant 4 : i32
      %mul3A_61 = arith.muli %while3A_58, %mul3A_60 : i32
      %add3A_62 = arith.constant 0 : i32
      %add3A_63 = arith.addi %mul3A_61, %add3A_62 : i32
      %dma_wait3A = arith.constant 0 : i32
      %dma_wait3A_64 = arith.constant 0 : i32
      %dma_wait3A_65 = tpu.memref_slice %arg5[%dma_wait3A, %dma_wait3A_64] : memref<2x128xi32, #tpu.memory_space<vmem>> -> memref<1x128xi32, #tpu.memory_space<vmem>>
      %dma_wait3A_66 = tpu.memref_squeeze %dma_wait3A_65 : memref<1x128xi32, #tpu.memory_space<vmem>> -> memref<128xi32, #tpu.memory_space<vmem>>
      %dma_wait3A_67 = arith.constant 0 : i32
      %dma_wait3A_68 = arith.constant 0 : i32
      %dma_wait3A_69 = tpu.memref_slice %arg2[%dma_wait3A_67, %dma_wait3A_68] : memref<10240x128xf32, #tpu.memory_space<hbm>> -> memref<10240x128xf32, #tpu.memory_space<hbm>>
      tpu.wait_indirect_dma semaphore(%arg12 : memref<!tpu.dma_semaphore, #tpu.memory_space<semaphore_mem>>) src(%dma_wait3A_69 : memref<10240x128xf32, #tpu.memory_space<hbm>>) dst(%arg9 : memref<128x128xf32, #tpu.memory_space<vmem>>)
      %run_scoped3A = arith.constant 1 : i32
      "tpu.region"() ({
        %run_scoped3A_148 = tpu.sem_alloc : memref<!tpu.dma_semaphore, #tpu.memory_space<semaphore_mem>>
        %dma_start3A = arith.constant 0 : i32
        %dma_start3A_149 = tpu.memref_slice %arg5[%run_scoped3A, %dma_start3A] : memref<2x128xi32, #tpu.memory_space<vmem>> -> memref<1x128xi32, #tpu.memory_space<vmem>>
        %dma_start3A_150 = tpu.memref_squeeze %dma_start3A_149 : memref<1x128xi32, #tpu.memory_space<vmem>> -> memref<128xi32, #tpu.memory_space<vmem>>
        %dma_start3A_151 = arith.constant 0 : i32
        %dma_start3A_152 = arith.constant 0 : i32
        %dma_start3A_153 = tpu.memref_slice %arg11[%dma_start3A_151, %dma_start3A_152] : memref<10240x128xf32, #tpu.memory_space<vmem_shared>> -> memref<10240x128xf32, #tpu.memory_space<vmem_shared>>
        tpu.enqueue_indirect_dma source(%arg9 : memref<128x128xf32, #tpu.memory_space<vmem>>) target(%dma_start3A_153 : memref<10240x128xf32, #tpu.memory_space<vmem_shared>>) offsets(%dma_start3A_150 : memref<128xi32, #tpu.memory_space<vmem>>) semaphore(%run_scoped3A_148 : memref<!tpu.dma_semaphore, #tpu.memory_space<semaphore_mem>>) {add = true}
        %dma_wait3A_154 = arith.constant 0 : i32
        %dma_wait3A_155 = tpu.memref_slice %arg5[%run_scoped3A, %dma_wait3A_154] : memref<2x128xi32, #tpu.memory_space<vmem>> -> memref<1x128xi32, #tpu.memory_space<vmem>>
        %dma_wait3A_156 = tpu.memref_squeeze %dma_wait3A_155 : memref<1x128xi32, #tpu.memory_space<vmem>> -> memref<128xi32, #tpu.memory_space<vmem>>
        %dma_wait3A_157 = arith.constant 0 : i32
        %dma_wait3A_158 = arith.constant 0 : i32
        %dma_wait3A_159 = tpu.memref_slice %arg11[%dma_wait3A_157, %dma_wait3A_158] : memref<10240x128xf32, #tpu.memory_space<vmem_shared>> -> memref<10240x128xf32, #tpu.memory_space<vmem_shared>>
        tpu.wait_indirect_dma semaphore(%run_scoped3A_148 : memref<!tpu.dma_semaphore, #tpu.memory_space<semaphore_mem>>) src(%arg9 : memref<128x128xf32, #tpu.memory_space<vmem>>) dst(%dma_wait3A_159 : memref<10240x128xf32, #tpu.memory_space<vmem_shared>>)
        tpu.yield
      }) : () -> ()
      %add3A_70 = arith.constant 4 : i32
      %add3A_71 = arith.addi %add3A_63, %add3A_70 : i32
      %lt3A = arith.cmpi slt, %add3A_71, %select_n3A : i32
      %convert_element_type3A_72 = arith.extui %lt3A : i1 to i32
      %cond3A_73 = arith.constant 0 : i32
      %cond3A_74 = arith.cmpi ne, %convert_element_type3A_72, %cond3A_73 : i32
      scf.if %cond3A_74 {
        %add3A_148 = arith.addi %select_n3A_21, %add3A_63 : i32
        %add3A_149 = arith.constant 4 : i32
        %add3A_150 = arith.addi %add3A_148, %add3A_149 : i32
        %dma_start3A = arith.constant 0 : i32
        %dma_start3A_151 = arith.constant 0 : i32
        %dma_start3A_152 = tpu.memref_slice %arg3[%add3A_150, %dma_start3A, %dma_start3A_151] : memref<2560x2x128xi32, #tpu.memory_space<hbm>> -> memref<1x2x128xi32, #tpu.memory_space<hbm>>
        %dma_start3A_153 = tpu.memref_squeeze %dma_start3A_152 : memref<1x2x128xi32, #tpu.memory_space<hbm>> -> memref<2x128xi32, #tpu.memory_space<hbm>>
        %dma_start3A_154 = arith.constant 0 : i32
        %dma_start3A_155 = arith.constant 0 : i32
        %dma_start3A_156 = tpu.memref_slice %arg3[%add3A_150, %dma_start3A_154, %dma_start3A_155] : memref<2560x2x128xi32, #tpu.memory_space<hbm>> -> memref<1x2x128xi32, #tpu.memory_space<hbm>>
        %dma_start3A_157 = tpu.memref_squeeze %dma_start3A_156 : memref<1x2x128xi32, #tpu.memory_space<hbm>> -> memref<2x128xi32, #tpu.memory_space<hbm>>
        tpu.enqueue_dma source(%dma_start3A_157 : memref<2x128xi32, #tpu.memory_space<hbm>>) target(%arg5 : memref<2x128xi32, #tpu.memory_space<vmem>>) target_semaphore(%arg14 : memref<!tpu.dma_semaphore, #tpu.memory_space<semaphore_mem>>)
      } else {
      }
      %add3A_75 = arith.constant 2 : i32
      %add3A_76 = arith.addi %add3A_63, %add3A_75 : i32
      %lt3A_77 = arith.cmpi slt, %add3A_76, %select_n3A : i32
      %convert_element_type3A_78 = arith.extui %lt3A_77 : i1 to i32
      %cond3A_79 = arith.constant 0 : i32
      %cond3A_80 = arith.cmpi ne, %convert_element_type3A_78, %cond3A_79 : i32
      scf.if %cond3A_80 {
        %add3A_148 = arith.addi %select_n3A_21, %add3A_63 : i32
        %add3A_149 = arith.constant 2 : i32
        %add3A_150 = arith.addi %add3A_148, %add3A_149 : i32
        %dma_wait3A_151 = arith.constant 0 : i32
        %dma_wait3A_152 = arith.constant 0 : i32
        %dma_wait3A_153 = tpu.memref_slice %arg3[%add3A_150, %dma_wait3A_151, %dma_wait3A_152] : memref<2560x2x128xi32, #tpu.memory_space<hbm>> -> memref<1x2x128xi32, #tpu.memory_space<hbm>>
        %dma_wait3A_154 = tpu.memref_squeeze %dma_wait3A_153 : memref<1x2x128xi32, #tpu.memory_space<hbm>> -> memref<2x128xi32, #tpu.memory_space<hbm>>
        %dma_wait3A_155 = arith.constant 0 : i32
        %dma_wait3A_156 = arith.constant 0 : i32
        %dma_wait3A_157 = tpu.memref_slice %arg3[%add3A_150, %dma_wait3A_155, %dma_wait3A_156] : memref<2560x2x128xi32, #tpu.memory_space<hbm>> -> memref<1x2x128xi32, #tpu.memory_space<hbm>>
        %dma_wait3A_158 = tpu.memref_squeeze %dma_wait3A_157 : memref<1x2x128xi32, #tpu.memory_space<hbm>> -> memref<2x128xi32, #tpu.memory_space<hbm>>
        tpu.wait_dma2 semaphore(%arg16 : memref<!tpu.dma_semaphore, #tpu.memory_space<semaphore_mem>>) src(%dma_wait3A_158 : memref<2x128xi32, #tpu.memory_space<hbm>>) dst(%arg7 : memref<2x128xi32, #tpu.memory_space<vmem>>)
        %dma_start3A = arith.constant 0 : i32
        %dma_start3A_159 = arith.constant 0 : i32
        %dma_start3A_160 = tpu.memref_slice %arg7[%dma_start3A, %dma_start3A_159] : memref<2x128xi32, #tpu.memory_space<vmem>> -> memref<1x128xi32, #tpu.memory_space<vmem>>
        %dma_start3A_161 = tpu.memref_squeeze %dma_start3A_160 : memref<1x128xi32, #tpu.memory_space<vmem>> -> memref<128xi32, #tpu.memory_space<vmem>>
        %dma_start3A_162 = arith.constant 0 : i32
        %dma_start3A_163 = arith.constant 0 : i32
        %dma_start3A_164 = tpu.memref_slice %arg2[%dma_start3A_162, %dma_start3A_163] : memref<10240x128xf32, #tpu.memory_space<hbm>> -> memref<10240x128xf32, #tpu.memory_space<hbm>>
        tpu.enqueue_indirect_dma source(%dma_start3A_164 : memref<10240x128xf32, #tpu.memory_space<hbm>>) target(%arg9 : memref<128x128xf32, #tpu.memory_space<vmem>>) offsets(%dma_start3A_161 : memref<128xi32, #tpu.memory_space<vmem>>) semaphore(%arg12 : memref<!tpu.dma_semaphore, #tpu.memory_space<semaphore_mem>>)
      } else {
      }
      %add3A_81 = arith.constant 1 : i32
      %add3A_82 = arith.addi %mul3A_61, %add3A_81 : i32
      %dma_wait3A_83 = arith.constant 0 : i32
      %dma_wait3A_84 = arith.constant 0 : i32
      %dma_wait3A_85 = tpu.memref_slice %arg6[%dma_wait3A_83, %dma_wait3A_84] : memref<2x128xi32, #tpu.memory_space<vmem>> -> memref<1x128xi32, #tpu.memory_space<vmem>>
      %dma_wait3A_86 = tpu.memref_squeeze %dma_wait3A_85 : memref<1x128xi32, #tpu.memory_space<vmem>> -> memref<128xi32, #tpu.memory_space<vmem>>
      %dma_wait3A_87 = arith.constant 0 : i32
      %dma_wait3A_88 = arith.constant 0 : i32
      %dma_wait3A_89 = tpu.memref_slice %arg2[%dma_wait3A_87, %dma_wait3A_88] : memref<10240x128xf32, #tpu.memory_space<hbm>> -> memref<10240x128xf32, #tpu.memory_space<hbm>>
      tpu.wait_indirect_dma semaphore(%arg13 : memref<!tpu.dma_semaphore, #tpu.memory_space<semaphore_mem>>) src(%dma_wait3A_89 : memref<10240x128xf32, #tpu.memory_space<hbm>>) dst(%arg10 : memref<128x128xf32, #tpu.memory_space<vmem>>)
      %run_scoped3A_90 = arith.constant 1 : i32
      "tpu.region"() ({
        %run_scoped3A_148 = tpu.sem_alloc : memref<!tpu.dma_semaphore, #tpu.memory_space<semaphore_mem>>
        %dma_start3A = arith.constant 0 : i32
        %dma_start3A_149 = tpu.memref_slice %arg6[%run_scoped3A_90, %dma_start3A] : memref<2x128xi32, #tpu.memory_space<vmem>> -> memref<1x128xi32, #tpu.memory_space<vmem>>
        %dma_start3A_150 = tpu.memref_squeeze %dma_start3A_149 : memref<1x128xi32, #tpu.memory_space<vmem>> -> memref<128xi32, #tpu.memory_space<vmem>>
        %dma_start3A_151 = arith.constant 0 : i32
        %dma_start3A_152 = arith.constant 0 : i32
        %dma_start3A_153 = tpu.memref_slice %arg11[%dma_start3A_151, %dma_start3A_152] : memref<10240x128xf32, #tpu.memory_space<vmem_shared>> -> memref<10240x128xf32, #tpu.memory_space<vmem_shared>>
        tpu.enqueue_indirect_dma source(%arg10 : memref<128x128xf32, #tpu.memory_space<vmem>>) target(%dma_start3A_153 : memref<10240x128xf32, #tpu.memory_space<vmem_shared>>) offsets(%dma_start3A_150 : memref<128xi32, #tpu.memory_space<vmem>>) semaphore(%run_scoped3A_148 : memref<!tpu.dma_semaphore, #tpu.memory_space<semaphore_mem>>) {add = true}
        %dma_wait3A_154 = arith.constant 0 : i32
        %dma_wait3A_155 = tpu.memref_slice %arg6[%run_scoped3A_90, %dma_wait3A_154] : memref<2x128xi32, #tpu.memory_space<vmem>> -> memref<1x128xi32, #tpu.memory_space<vmem>>
        %dma_wait3A_156 = tpu.memref_squeeze %dma_wait3A_155 : memref<1x128xi32, #tpu.memory_space<vmem>> -> memref<128xi32, #tpu.memory_space<vmem>>
        %dma_wait3A_157 = arith.constant 0 : i32
        %dma_wait3A_158 = arith.constant 0 : i32
        %dma_wait3A_159 = tpu.memref_slice %arg11[%dma_wait3A_157, %dma_wait3A_158] : memref<10240x128xf32, #tpu.memory_space<vmem_shared>> -> memref<10240x128xf32, #tpu.memory_space<vmem_shared>>
        tpu.wait_indirect_dma semaphore(%run_scoped3A_148 : memref<!tpu.dma_semaphore, #tpu.memory_space<semaphore_mem>>) src(%arg10 : memref<128x128xf32, #tpu.memory_space<vmem>>) dst(%dma_wait3A_159 : memref<10240x128xf32, #tpu.memory_space<vmem_shared>>)
        tpu.yield
      }) : () -> ()
      %add3A_91 = arith.constant 4 : i32
      %add3A_92 = arith.addi %add3A_82, %add3A_91 : i32
      %lt3A_93 = arith.cmpi slt, %add3A_92, %select_n3A : i32
      %convert_element_type3A_94 = arith.extui %lt3A_93 : i1 to i32
      %cond3A_95 = arith.constant 0 : i32
      %cond3A_96 = arith.cmpi ne, %convert_element_type3A_94, %cond3A_95 : i32
      scf.if %cond3A_96 {
        %add3A_148 = arith.addi %select_n3A_21, %add3A_82 : i32
        %add3A_149 = arith.constant 4 : i32
        %add3A_150 = arith.addi %add3A_148, %add3A_149 : i32
        %dma_start3A = arith.constant 0 : i32
        %dma_start3A_151 = arith.constant 0 : i32
        %dma_start3A_152 = tpu.memref_slice %arg3[%add3A_150, %dma_start3A, %dma_start3A_151] : memref<2560x2x128xi32, #tpu.memory_space<hbm>> -> memref<1x2x128xi32, #tpu.memory_space<hbm>>
        %dma_start3A_153 = tpu.memref_squeeze %dma_start3A_152 : memref<1x2x128xi32, #tpu.memory_space<hbm>> -> memref<2x128xi32, #tpu.memory_space<hbm>>
        %dma_start3A_154 = arith.constant 0 : i32
        %dma_start3A_155 = arith.constant 0 : i32
        %dma_start3A_156 = tpu.memref_slice %arg3[%add3A_150, %dma_start3A_154, %dma_start3A_155] : memref<2560x2x128xi32, #tpu.memory_space<hbm>> -> memref<1x2x128xi32, #tpu.memory_space<hbm>>
        %dma_start3A_157 = tpu.memref_squeeze %dma_start3A_156 : memref<1x2x128xi32, #tpu.memory_space<hbm>> -> memref<2x128xi32, #tpu.memory_space<hbm>>
        tpu.enqueue_dma source(%dma_start3A_157 : memref<2x128xi32, #tpu.memory_space<hbm>>) target(%arg6 : memref<2x128xi32, #tpu.memory_space<vmem>>) target_semaphore(%arg15 : memref<!tpu.dma_semaphore, #tpu.memory_space<semaphore_mem>>)
      } else {
      }
      %add3A_97 = arith.constant 2 : i32
      %add3A_98 = arith.addi %add3A_82, %add3A_97 : i32
      %lt3A_99 = arith.cmpi slt, %add3A_98, %select_n3A : i32
      %convert_element_type3A_100 = arith.extui %lt3A_99 : i1 to i32
      %cond3A_101 = arith.constant 0 : i32
      %cond3A_102 = arith.cmpi ne, %convert_element_type3A_100, %cond3A_101 : i32
      scf.if %cond3A_102 {
        %add3A_148 = arith.addi %select_n3A_21, %add3A_82 : i32
        %add3A_149 = arith.constant 2 : i32
        %add3A_150 = arith.addi %add3A_148, %add3A_149 : i32
        %dma_wait3A_151 = arith.constant 0 : i32
        %dma_wait3A_152 = arith.constant 0 : i32
        %dma_wait3A_153 = tpu.memref_slice %arg3[%add3A_150, %dma_wait3A_151, %dma_wait3A_152] : memref<2560x2x128xi32, #tpu.memory_space<hbm>> -> memref<1x2x128xi32, #tpu.memory_space<hbm>>
        %dma_wait3A_154 = tpu.memref_squeeze %dma_wait3A_153 : memref<1x2x128xi32, #tpu.memory_space<hbm>> -> memref<2x128xi32, #tpu.memory_space<hbm>>
        %dma_wait3A_155 = arith.constant 0 : i32
        %dma_wait3A_156 = arith.constant 0 : i32
        %dma_wait3A_157 = tpu.memref_slice %arg3[%add3A_150, %dma_wait3A_155, %dma_wait3A_156] : memref<2560x2x128xi32, #tpu.memory_space<hbm>> -> memref<1x2x128xi32, #tpu.memory_space<hbm>>
        %dma_wait3A_158 = tpu.memref_squeeze %dma_wait3A_157 : memref<1x2x128xi32, #tpu.memory_space<hbm>> -> memref<2x128xi32, #tpu.memory_space<hbm>>
        tpu.wait_dma2 semaphore(%arg17 : memref<!tpu.dma_semaphore, #tpu.memory_space<semaphore_mem>>) src(%dma_wait3A_158 : memref<2x128xi32, #tpu.memory_space<hbm>>) dst(%arg8 : memref<2x128xi32, #tpu.memory_space<vmem>>)
        %dma_start3A = arith.constant 0 : i32
        %dma_start3A_159 = arith.constant 0 : i32
        %dma_start3A_160 = tpu.memref_slice %arg8[%dma_start3A, %dma_start3A_159] : memref<2x128xi32, #tpu.memory_space<vmem>> -> memref<1x128xi32, #tpu.memory_space<vmem>>
        %dma_start3A_161 = tpu.memref_squeeze %dma_start3A_160 : memref<1x128xi32, #tpu.memory_space<vmem>> -> memref<128xi32, #tpu.memory_space<vmem>>
        %dma_start3A_162 = arith.constant 0 : i32
        %dma_start3A_163 = arith.constant 0 : i32
        %dma_start3A_164 = tpu.memref_slice %arg2[%dma_start3A_162, %dma_start3A_163] : memref<10240x128xf32, #tpu.memory_space<hbm>> -> memref<10240x128xf32, #tpu.memory_space<hbm>>
        tpu.enqueue_indirect_dma source(%dma_start3A_164 : memref<10240x128xf32, #tpu.memory_space<hbm>>) target(%arg10 : memref<128x128xf32, #tpu.memory_space<vmem>>) offsets(%dma_start3A_161 : memref<128xi32, #tpu.memory_space<vmem>>) semaphore(%arg13 : memref<!tpu.dma_semaphore, #tpu.memory_space<semaphore_mem>>)
      } else {
      }
      %add3A_103 = arith.constant 2 : i32
      %add3A_104 = arith.addi %mul3A_61, %add3A_103 : i32
      %dma_wait3A_105 = arith.constant 0 : i32
      %dma_wait3A_106 = arith.constant 0 : i32
      %dma_wait3A_107 = tpu.memref_slice %arg7[%dma_wait3A_105, %dma_wait3A_106] : memref<2x128xi32, #tpu.memory_space<vmem>> -> memref<1x128xi32, #tpu.memory_space<vmem>>
      %dma_wait3A_108 = tpu.memref_squeeze %dma_wait3A_107 : memref<1x128xi32, #tpu.memory_space<vmem>> -> memref<128xi32, #tpu.memory_space<vmem>>
      %dma_wait3A_109 = arith.constant 0 : i32
      %dma_wait3A_110 = arith.constant 0 : i32
      %dma_wait3A_111 = tpu.memref_slice %arg2[%dma_wait3A_109, %dma_wait3A_110] : memref<10240x128xf32, #tpu.memory_space<hbm>> -> memref<10240x128xf32, #tpu.memory_space<hbm>>
      tpu.wait_indirect_dma semaphore(%arg12 : memref<!tpu.dma_semaphore, #tpu.memory_space<semaphore_mem>>) src(%dma_wait3A_111 : memref<10240x128xf32, #tpu.memory_space<hbm>>) dst(%arg9 : memref<128x128xf32, #tpu.memory_space<vmem>>)
      %run_scoped3A_112 = arith.constant 1 : i32
      "tpu.region"() ({
        %run_scoped3A_148 = tpu.sem_alloc : memref<!tpu.dma_semaphore, #tpu.memory_space<semaphore_mem>>
        %dma_start3A = arith.constant 0 : i32
        %dma_start3A_149 = tpu.memref_slice %arg7[%run_scoped3A_112, %dma_start3A] : memref<2x128xi32, #tpu.memory_space<vmem>> -> memref<1x128xi32, #tpu.memory_space<vmem>>
        %dma_start3A_150 = tpu.memref_squeeze %dma_start3A_149 : memref<1x128xi32, #tpu.memory_space<vmem>> -> memref<128xi32, #tpu.memory_space<vmem>>
        %dma_start3A_151 = arith.constant 0 : i32
        %dma_start3A_152 = arith.constant 0 : i32
        %dma_start3A_153 = tpu.memref_slice %arg11[%dma_start3A_151, %dma_start3A_152] : memref<10240x128xf32, #tpu.memory_space<vmem_shared>> -> memref<10240x128xf32, #tpu.memory_space<vmem_shared>>
        tpu.enqueue_indirect_dma source(%arg9 : memref<128x128xf32, #tpu.memory_space<vmem>>) target(%dma_start3A_153 : memref<10240x128xf32, #tpu.memory_space<vmem_shared>>) offsets(%dma_start3A_150 : memref<128xi32, #tpu.memory_space<vmem>>) semaphore(%run_scoped3A_148 : memref<!tpu.dma_semaphore, #tpu.memory_space<semaphore_mem>>) {add = true}
        %dma_wait3A_154 = arith.constant 0 : i32
        %dma_wait3A_155 = tpu.memref_slice %arg7[%run_scoped3A_112, %dma_wait3A_154] : memref<2x128xi32, #tpu.memory_space<vmem>> -> memref<1x128xi32, #tpu.memory_space<vmem>>
        %dma_wait3A_156 = tpu.memref_squeeze %dma_wait3A_155 : memref<1x128xi32, #tpu.memory_space<vmem>> -> memref<128xi32, #tpu.memory_space<vmem>>
        %dma_wait3A_157 = arith.constant 0 : i32
        %dma_wait3A_158 = arith.constant 0 : i32
        %dma_wait3A_159 = tpu.memref_slice %arg11[%dma_wait3A_157, %dma_wait3A_158] : memref<10240x128xf32, #tpu.memory_space<vmem_shared>> -> memref<10240x128xf32, #tpu.memory_space<vmem_shared>>
        tpu.wait_indirect_dma semaphore(%run_scoped3A_148 : memref<!tpu.dma_semaphore, #tpu.memory_space<semaphore_mem>>) src(%arg9 : memref<128x128xf32, #tpu.memory_space<vmem>>) dst(%dma_wait3A_159 : memref<10240x128xf32, #tpu.memory_space<vmem_shared>>)
        tpu.yield
      }) : () -> ()
      %add3A_113 = arith.constant 4 : i32
      %add3A_114 = arith.addi %add3A_104, %add3A_113 : i32
      %lt3A_115 = arith.cmpi slt, %add3A_114, %select_n3A : i32
      %convert_element_type3A_116 = arith.extui %lt3A_115 : i1 to i32
      %cond3A_117 = arith.constant 0 : i32
      %cond3A_118 = arith.cmpi ne, %convert_element_type3A_116, %cond3A_117 : i32
      scf.if %cond3A_118 {
        %add3A_148 = arith.addi %select_n3A_21, %add3A_104 : i32
        %add3A_149 = arith.constant 4 : i32
        %add3A_150 = arith.addi %add3A_148, %add3A_149 : i32
        %dma_start3A = arith.constant 0 : i32
        %dma_start3A_151 = arith.constant 0 : i32
        %dma_start3A_152 = tpu.memref_slice %arg3[%add3A_150, %dma_start3A, %dma_start3A_151] : memref<2560x2x128xi32, #tpu.memory_space<hbm>> -> memref<1x2x128xi32, #tpu.memory_space<hbm>>
        %dma_start3A_153 = tpu.memref_squeeze %dma_start3A_152 : memref<1x2x128xi32, #tpu.memory_space<hbm>> -> memref<2x128xi32, #tpu.memory_space<hbm>>
        %dma_start3A_154 = arith.constant 0 : i32
        %dma_start3A_155 = arith.constant 0 : i32
        %dma_start3A_156 = tpu.memref_slice %arg3[%add3A_150, %dma_start3A_154, %dma_start3A_155] : memref<2560x2x128xi32, #tpu.memory_space<hbm>> -> memref<1x2x128xi32, #tpu.memory_space<hbm>>
        %dma_start3A_157 = tpu.memref_squeeze %dma_start3A_156 : memref<1x2x128xi32, #tpu.memory_space<hbm>> -> memref<2x128xi32, #tpu.memory_space<hbm>>
        tpu.enqueue_dma source(%dma_start3A_157 : memref<2x128xi32, #tpu.memory_space<hbm>>) target(%arg7 : memref<2x128xi32, #tpu.memory_space<vmem>>) target_semaphore(%arg16 : memref<!tpu.dma_semaphore, #tpu.memory_space<semaphore_mem>>)
      } else {
      }
      %add3A_119 = arith.constant 2 : i32
      %add3A_120 = arith.addi %add3A_104, %add3A_119 : i32
      %lt3A_121 = arith.cmpi slt, %add3A_120, %select_n3A : i32
      %convert_element_type3A_122 = arith.extui %lt3A_121 : i1 to i32
      %cond3A_123 = arith.constant 0 : i32
      %cond3A_124 = arith.cmpi ne, %convert_element_type3A_122, %cond3A_123 : i32
      scf.if %cond3A_124 {
        %add3A_148 = arith.addi %select_n3A_21, %add3A_104 : i32
        %add3A_149 = arith.constant 2 : i32
        %add3A_150 = arith.addi %add3A_148, %add3A_149 : i32
        %dma_wait3A_151 = arith.constant 0 : i32
        %dma_wait3A_152 = arith.constant 0 : i32
        %dma_wait3A_153 = tpu.memref_slice %arg3[%add3A_150, %dma_wait3A_151, %dma_wait3A_152] : memref<2560x2x128xi32, #tpu.memory_space<hbm>> -> memref<1x2x128xi32, #tpu.memory_space<hbm>>
        %dma_wait3A_154 = tpu.memref_squeeze %dma_wait3A_153 : memref<1x2x128xi32, #tpu.memory_space<hbm>> -> memref<2x128xi32, #tpu.memory_space<hbm>>
        %dma_wait3A_155 = arith.constant 0 : i32
        %dma_wait3A_156 = arith.constant 0 : i32
        %dma_wait3A_157 = tpu.memref_slice %arg3[%add3A_150, %dma_wait3A_155, %dma_wait3A_156] : memref<2560x2x128xi32, #tpu.memory_space<hbm>> -> memref<1x2x128xi32, #tpu.memory_space<hbm>>
        %dma_wait3A_158 = tpu.memref_squeeze %dma_wait3A_157 : memref<1x2x128xi32, #tpu.memory_space<hbm>> -> memref<2x128xi32, #tpu.memory_space<hbm>>
        tpu.wait_dma2 semaphore(%arg14 : memref<!tpu.dma_semaphore, #tpu.memory_space<semaphore_mem>>) src(%dma_wait3A_158 : memref<2x128xi32, #tpu.memory_space<hbm>>) dst(%arg5 : memref<2x128xi32, #tpu.memory_space<vmem>>)
        %dma_start3A = arith.constant 0 : i32
        %dma_start3A_159 = arith.constant 0 : i32
        %dma_start3A_160 = tpu.memref_slice %arg5[%dma_start3A, %dma_start3A_159] : memref<2x128xi32, #tpu.memory_space<vmem>> -> memref<1x128xi32, #tpu.memory_space<vmem>>
        %dma_start3A_161 = tpu.memref_squeeze %dma_start3A_160 : memref<1x128xi32, #tpu.memory_space<vmem>> -> memref<128xi32, #tpu.memory_space<vmem>>
        %dma_start3A_162 = arith.constant 0 : i32
        %dma_start3A_163 = arith.constant 0 : i32
        %dma_start3A_164 = tpu.memref_slice %arg2[%dma_start3A_162, %dma_start3A_163] : memref<10240x128xf32, #tpu.memory_space<hbm>> -> memref<10240x128xf32, #tpu.memory_space<hbm>>
        tpu.enqueue_indirect_dma source(%dma_start3A_164 : memref<10240x128xf32, #tpu.memory_space<hbm>>) target(%arg9 : memref<128x128xf32, #tpu.memory_space<vmem>>) offsets(%dma_start3A_161 : memref<128xi32, #tpu.memory_space<vmem>>) semaphore(%arg12 : memref<!tpu.dma_semaphore, #tpu.memory_space<semaphore_mem>>)
      } else {
      }
      %add3A_125 = arith.constant 3 : i32
      %add3A_126 = arith.addi %mul3A_61, %add3A_125 : i32
      %dma_wait3A_127 = arith.constant 0 : i32
      %dma_wait3A_128 = arith.constant 0 : i32
      %dma_wait3A_129 = tpu.memref_slice %arg8[%dma_wait3A_127, %dma_wait3A_128] : memref<2x128xi32, #tpu.memory_space<vmem>> -> memref<1x128xi32, #tpu.memory_space<vmem>>
      %dma_wait3A_130 = tpu.memref_squeeze %dma_wait3A_129 : memref<1x128xi32, #tpu.memory_space<vmem>> -> memref<128xi32, #tpu.memory_space<vmem>>
      %dma_wait3A_131 = arith.constant 0 : i32
      %dma_wait3A_132 = arith.constant 0 : i32
      %dma_wait3A_133 = tpu.memref_slice %arg2[%dma_wait3A_131, %dma_wait3A_132] : memref<10240x128xf32, #tpu.memory_space<hbm>> -> memref<10240x128xf32, #tpu.memory_space<hbm>>
      tpu.wait_indirect_dma semaphore(%arg13 : memref<!tpu.dma_semaphore, #tpu.memory_space<semaphore_mem>>) src(%dma_wait3A_133 : memref<10240x128xf32, #tpu.memory_space<hbm>>) dst(%arg10 : memref<128x128xf32, #tpu.memory_space<vmem>>)
      %run_scoped3A_134 = arith.constant 1 : i32
      "tpu.region"() ({
        %run_scoped3A_148 = tpu.sem_alloc : memref<!tpu.dma_semaphore, #tpu.memory_space<semaphore_mem>>
        %dma_start3A = arith.constant 0 : i32
        %dma_start3A_149 = tpu.memref_slice %arg8[%run_scoped3A_134, %dma_start3A] : memref<2x128xi32, #tpu.memory_space<vmem>> -> memref<1x128xi32, #tpu.memory_space<vmem>>
        %dma_start3A_150 = tpu.memref_squeeze %dma_start3A_149 : memref<1x128xi32, #tpu.memory_space<vmem>> -> memref<128xi32, #tpu.memory_space<vmem>>
        %dma_start3A_151 = arith.constant 0 : i32
        %dma_start3A_152 = arith.constant 0 : i32
        %dma_start3A_153 = tpu.memref_slice %arg11[%dma_start3A_151, %dma_start3A_152] : memref<10240x128xf32, #tpu.memory_space<vmem_shared>> -> memref<10240x128xf32, #tpu.memory_space<vmem_shared>>
        tpu.enqueue_indirect_dma source(%arg10 : memref<128x128xf32, #tpu.memory_space<vmem>>) target(%dma_start3A_153 : memref<10240x128xf32, #tpu.memory_space<vmem_shared>>) offsets(%dma_start3A_150 : memref<128xi32, #tpu.memory_space<vmem>>) semaphore(%run_scoped3A_148 : memref<!tpu.dma_semaphore, #tpu.memory_space<semaphore_mem>>) {add = true}
        %dma_wait3A_154 = arith.constant 0 : i32
        %dma_wait3A_155 = tpu.memref_slice %arg8[%run_scoped3A_134, %dma_wait3A_154] : memref<2x128xi32, #tpu.memory_space<vmem>> -> memref<1x128xi32, #tpu.memory_space<vmem>>
        %dma_wait3A_156 = tpu.memref_squeeze %dma_wait3A_155 : memref<1x128xi32, #tpu.memory_space<vmem>> -> memref<128xi32, #tpu.memory_space<vmem>>
        %dma_wait3A_157 = arith.constant 0 : i32
        %dma_wait3A_158 = arith.constant 0 : i32
        %dma_wait3A_159 = tpu.memref_slice %arg11[%dma_wait3A_157, %dma_wait3A_158] : memref<10240x128xf32, #tpu.memory_space<vmem_shared>> -> memref<10240x128xf32, #tpu.memory_space<vmem_shared>>
        tpu.wait_indirect_dma semaphore(%run_scoped3A_148 : memref<!tpu.dma_semaphore, #tpu.memory_space<semaphore_mem>>) src(%arg10 : memref<128x128xf32, #tpu.memory_space<vmem>>) dst(%dma_wait3A_159 : memref<10240x128xf32, #tpu.memory_space<vmem_shared>>)
        tpu.yield
      }) : () -> ()
      %add3A_135 = arith.constant 4 : i32
      %add3A_136 = arith.addi %add3A_126, %add3A_135 : i32
      %lt3A_137 = arith.cmpi slt, %add3A_136, %select_n3A : i32
      %convert_element_type3A_138 = arith.extui %lt3A_137 : i1 to i32
      %cond3A_139 = arith.constant 0 : i32
      %cond3A_140 = arith.cmpi ne, %convert_element_type3A_138, %cond3A_139 : i32
      scf.if %cond3A_140 {
        %add3A_148 = arith.addi %select_n3A_21, %add3A_126 : i32
        %add3A_149 = arith.constant 4 : i32
        %add3A_150 = arith.addi %add3A_148, %add3A_149 : i32
        %dma_start3A = arith.constant 0 : i32
        %dma_start3A_151 = arith.constant 0 : i32
        %dma_start3A_152 = tpu.memref_slice %arg3[%add3A_150, %dma_start3A, %dma_start3A_151] : memref<2560x2x128xi32, #tpu.memory_space<hbm>> -> memref<1x2x128xi32, #tpu.memory_space<hbm>>
        %dma_start3A_153 = tpu.memref_squeeze %dma_start3A_152 : memref<1x2x128xi32, #tpu.memory_space<hbm>> -> memref<2x128xi32, #tpu.memory_space<hbm>>
        %dma_start3A_154 = arith.constant 0 : i32
        %dma_start3A_155 = arith.constant 0 : i32
        %dma_start3A_156 = tpu.memref_slice %arg3[%add3A_150, %dma_start3A_154, %dma_start3A_155] : memref<2560x2x128xi32, #tpu.memory_space<hbm>> -> memref<1x2x128xi32, #tpu.memory_space<hbm>>
        %dma_start3A_157 = tpu.memref_squeeze %dma_start3A_156 : memref<1x2x128xi32, #tpu.memory_space<hbm>> -> memref<2x128xi32, #tpu.memory_space<hbm>>
        tpu.enqueue_dma source(%dma_start3A_157 : memref<2x128xi32, #tpu.memory_space<hbm>>) target(%arg8 : memref<2x128xi32, #tpu.memory_space<vmem>>) target_semaphore(%arg17 : memref<!tpu.dma_semaphore, #tpu.memory_space<semaphore_mem>>)
      } else {
      }
      %add3A_141 = arith.constant 2 : i32
      %add3A_142 = arith.addi %add3A_126, %add3A_141 : i32
      %lt3A_143 = arith.cmpi slt, %add3A_142, %select_n3A : i32
      %convert_element_type3A_144 = arith.extui %lt3A_143 : i1 to i32
      %cond3A_145 = arith.constant 0 : i32
      %cond3A_146 = arith.cmpi ne, %convert_element_type3A_144, %cond3A_145 : i32
      scf.if %cond3A_146 {
        %add3A_148 = arith.addi %select_n3A_21, %add3A_126 : i32
        %add3A_149 = arith.constant 2 : i32
        %add3A_150 = arith.addi %add3A_148, %add3A_149 : i32
        %dma_wait3A_151 = arith.constant 0 : i32
        %dma_wait3A_152 = arith.constant 0 : i32
        %dma_wait3A_153 = tpu.memref_slice %arg3[%add3A_150, %dma_wait3A_151, %dma_wait3A_152] : memref<2560x2x128xi32, #tpu.memory_space<hbm>> -> memref<1x2x128xi32, #tpu.memory_space<hbm>>
        %dma_wait3A_154 = tpu.memref_squeeze %dma_wait3A_153 : memref<1x2x128xi32, #tpu.memory_space<hbm>> -> memref<2x128xi32, #tpu.memory_space<hbm>>
        %dma_wait3A_155 = arith.constant 0 : i32
        %dma_wait3A_156 = arith.constant 0 : i32
        %dma_wait3A_157 = tpu.memref_slice %arg3[%add3A_150, %dma_wait3A_155, %dma_wait3A_156] : memref<2560x2x128xi32, #tpu.memory_space<hbm>> -> memref<1x2x128xi32, #tpu.memory_space<hbm>>
        %dma_wait3A_158 = tpu.memref_squeeze %dma_wait3A_157 : memref<1x2x128xi32, #tpu.memory_space<hbm>> -> memref<2x128xi32, #tpu.memory_space<hbm>>
        tpu.wait_dma2 semaphore(%arg15 : memref<!tpu.dma_semaphore, #tpu.memory_space<semaphore_mem>>) src(%dma_wait3A_158 : memref<2x128xi32, #tpu.memory_space<hbm>>) dst(%arg6 : memref<2x128xi32, #tpu.memory_space<vmem>>)
        %dma_start3A = arith.constant 0 : i32
        %dma_start3A_159 = arith.constant 0 : i32
        %dma_start3A_160 = tpu.memref_slice %arg6[%dma_start3A, %dma_start3A_159] : memref<2x128xi32, #tpu.memory_space<vmem>> -> memref<1x128xi32, #tpu.memory_space<vmem>>
        %dma_start3A_161 = tpu.memref_squeeze %dma_start3A_160 : memref<1x128xi32, #tpu.memory_space<vmem>> -> memref<128xi32, #tpu.memory_space<vmem>>
        %dma_start3A_162 = arith.constant 0 : i32
        %dma_start3A_163 = arith.constant 0 : i32
        %dma_start3A_164 = tpu.memref_slice %arg2[%dma_start3A_162, %dma_start3A_163] : memref<10240x128xf32, #tpu.memory_space<hbm>> -> memref<10240x128xf32, #tpu.memory_space<hbm>>
        tpu.enqueue_indirect_dma source(%dma_start3A_164 : memref<10240x128xf32, #tpu.memory_space<hbm>>) target(%arg10 : memref<128x128xf32, #tpu.memory_space<vmem>>) offsets(%dma_start3A_161 : memref<128xi32, #tpu.memory_space<vmem>>) semaphore(%arg13 : memref<!tpu.dma_semaphore, #tpu.memory_space<semaphore_mem>>)
      } else {
      }
      %while3A_147 = arith.constant 0 : i32
      scf.yield %while3A_147 : i32
    }
    %barrier3A_53 = arith.constant 0 : index
    tpu.barrier barrier_id(%barrier3A_53)
    %mul3A_54 = arith.constant 640 : i32
    %mul3A_55 = arith.muli %arg1, %mul3A_54 : i32
    %mul3A_56 = arith.constant 640 : i32
    %mul3A_57 = arith.muli %arg1, %mul3A_56 : i32
    "tpu.region"() ({
      %run_scoped3A = tpu.sem_alloc : memref<!tpu.dma_semaphore, #tpu.memory_space<semaphore_mem>>
      %dma_start3A = arith.constant 0 : i32
      %dma_start3A_58 = tpu.memref_slice %arg4[%arg0, %mul3A_57, %dma_start3A] : memref<2x10240x128xf32, #tpu.memory_space<hbm>> -> memref<1x640x128xf32, #tpu.memory_space<hbm>>
      %dma_start3A_59 = tpu.memref_squeeze %dma_start3A_58 : memref<1x640x128xf32, #tpu.memory_space<hbm>> -> memref<640x128xf32, #tpu.memory_space<hbm>>
      %dma_start3A_60 = arith.constant 0 : i32
      %dma_start3A_61 = tpu.memref_slice %arg11[%mul3A_55, %dma_start3A_60] : memref<10240x128xf32, #tpu.memory_space<vmem_shared>> -> memref<640x128xf32, #tpu.memory_space<vmem_shared>>
      tpu.enqueue_dma source(%dma_start3A_61 : memref<640x128xf32, #tpu.memory_space<vmem_shared>>) target(%dma_start3A_59 : memref<640x128xf32, #tpu.memory_space<hbm>>) target_semaphore(%run_scoped3A : memref<!tpu.dma_semaphore, #tpu.memory_space<semaphore_mem>>)
      %dma_wait3A = arith.constant 0 : i32
      %dma_wait3A_62 = tpu.memref_slice %arg4[%arg0, %mul3A_57, %dma_wait3A] : memref<2x10240x128xf32, #tpu.memory_space<hbm>> -> memref<1x640x128xf32, #tpu.memory_space<hbm>>
      %dma_wait3A_63 = tpu.memref_squeeze %dma_wait3A_62 : memref<1x640x128xf32, #tpu.memory_space<hbm>> -> memref<640x128xf32, #tpu.memory_space<hbm>>
      %dma_wait3A_64 = arith.constant 0 : i32
      %dma_wait3A_65 = tpu.memref_slice %arg11[%mul3A_55, %dma_wait3A_64] : memref<10240x128xf32, #tpu.memory_space<vmem_shared>> -> memref<640x128xf32, #tpu.memory_space<vmem_shared>>
      tpu.wait_dma2 semaphore(%run_scoped3A : memref<!tpu.dma_semaphore, #tpu.memory_space<semaphore_mem>>) src(%dma_wait3A_65 : memref<640x128xf32, #tpu.memory_space<vmem_shared>>) dst(%dma_wait3A_63 : memref<640x128xf32, #tpu.memory_space<hbm>>)
      tpu.yield
    }) : () -> ()
    return
  }
}

#map = affine_map<(d0, d1) -> (0, 0)>
#map1 = affine_map<(d0, d1) -> (0, 0, 0)>
module attributes {stable_mosaic.version = 14 : i64} {
  func.func @_sc_propagate(%arg0: i32, %arg1: i32, %arg2: memref<10240x128xf32, #tpu.memory_space<hbm>>, %arg3: memref<2560x2x128xi32, #tpu.memory_space<hbm>>, %arg4: memref<2x10240x128xf32, #tpu.memory_space<hbm>>, %arg5: memref<2x128xi32, #tpu.memory_space<vmem>>, %arg6: memref<2x128xi32, #tpu.memory_space<vmem>>, %arg7: memref<2x128xi32, #tpu.memory_space<vmem>>, %arg8: memref<2x128xi32, #tpu.memory_space<vmem>>, %arg9: memref<128x128xf32, #tpu.memory_space<vmem>>, %arg10: memref<128x128xf32, #tpu.memory_space<vmem>>, %arg11: memref<10240x128xf32, #tpu.memory_space<vmem_shared>>, %arg12: memref<!tpu.dma_semaphore, #tpu.memory_space<semaphore_mem>>, %arg13: memref<!tpu.dma_semaphore, #tpu.memory_space<semaphore_mem>>, %arg14: memref<!tpu.dma_semaphore, #tpu.memory_space<semaphore_mem>>, %arg15: memref<!tpu.dma_semaphore, #tpu.memory_space<semaphore_mem>>, %arg16: memref<!tpu.dma_semaphore, #tpu.memory_space<semaphore_mem>>, %arg17: memref<!tpu.dma_semaphore, #tpu.memory_space<semaphore_mem>>) attributes {dimension_semantics = [#tpu.dimension_semantics<core_parallel>, #tpu.dimension_semantics<subcore_parallel>], iteration_bounds = array<i64: 2, 16>, scalar_prefetch = 0 : i64, scratch_operands = 13 : i64, tpu.core_type = #tpu.core_type<sc_vector_subcore>, window_params = [{transform_indices = #map}, {transform_indices = #map1}, {transform_indices = #map1}]} {
    %scan3A = arith.constant 0 : i32
    %scan3A_0 = arith.constant 0 : i32
    %scan3A_1 = arith.constant 128 : i32
    %scan3A_2 = arith.addi %scan3A_0, %scan3A_1 : i32
    %scan3A_3 = arith.constant 1 : i32
    %scan3A_4 = scf.for %scan3A_58 = %scan3A_0 to %scan3A_2 step %scan3A_3 iter_args(%scan3A_59 = %scan3A) -> (i32)  : i32 {
      %scan3A_60 = arith.constant 0 : i32
      %scan3A_61 = arith.constant 0 : i32
      %scan3A_62 = arith.constant 8 : i32
      %scan3A_63 = arith.addi %scan3A_61, %scan3A_62 : i32
      %scan3A_64 = arith.constant 1 : i32
      %scan3A_65 = scf.for %scan3A_68 = %scan3A_61 to %scan3A_63 step %scan3A_64 iter_args(%scan3A_69 = %scan3A_60) -> (i32)  : i32 {
        %broadcast_in_dim3A = arith.constant 0.000000e+00 : f32
        %broadcast_in_dim3A_70 = vector.broadcast %broadcast_in_dim3A : f32 to vector<16xf32>
        %mul3A_71 = arith.constant 16 : i32
        %mul3A_72 = arith.muli %scan3A_68, %mul3A_71 : i32
        %swap3A = arith.index_cast %scan3A_58 : i32 to index
        %swap3A_73 = arith.index_cast %mul3A_72 : i32 to index
        %swap3A_74 = tpu.vector_load %arg9[%swap3A, %swap3A_73] {strides = array<i32>} : memref<128x128xf32, #tpu.memory_space<vmem>>, vector<1x16xf32>,
        %swap3A_75 = vector.shape_cast %swap3A_74 : vector<1x16xf32> to vector<16xf32>
        %swap3A_76 = vector.shape_cast %broadcast_in_dim3A_70 : vector<16xf32> to vector<1x16xf32>
        tpu.vector_store %arg9[%swap3A, %swap3A_73], %swap3A_76 {strides = array<i32>} : memref<128x128xf32, #tpu.memory_space<vmem>>, vector<1x16xf32>,
        %scan3A_77 = arith.constant 0 : i32
        scf.yield %scan3A_77 : i32
      }
      %scan3A_66 = arith.constant 8 : i32
      %scan3A_67 = arith.constant 0 : i32
      scf.yield %scan3A_67 : i32
    }
    %scan3A_5 = arith.constant 128 : i32
    %scan3A_6 = arith.constant 0 : i32
    %scan3A_7 = arith.constant 0 : i32
    %scan3A_8 = arith.constant 5 : i32
    %scan3A_9 = arith.addi %scan3A_7, %scan3A_8 : i32
    %scan3A_10 = arith.constant 1 : i32
    %scan3A_11 = scf.for %scan3A_58 = %scan3A_7 to %scan3A_9 step %scan3A_10 iter_args(%scan3A_59 = %scan3A_6) -> (i32)  : i32 {
      %mul3A_60 = arith.constant 640 : i32
      %mul3A_61 = arith.muli %arg1, %mul3A_60 : i32
      %mul3A_62 = arith.constant 128 : i32
      %mul3A_63 = arith.muli %scan3A_58, %mul3A_62 : i32
      %add3A_64 = arith.addi %mul3A_61, %mul3A_63 : i32
      "tpu.region"() ({
        %run_scoped3A = tpu.sem_alloc : memref<!tpu.dma_semaphore, #tpu.memory_space<semaphore_mem>>
        %dma_start3A = arith.constant 0 : i32
        %dma_start3A_66 = tpu.memref_slice %arg11[%add3A_64, %dma_start3A] : memref<10240x128xf32, #tpu.memory_space<vmem_shared>> -> memref<128x128xf32, #tpu.memory_space<vmem_shared>>
        %dma_start3A_67 = arith.constant 0 : i32
        %dma_start3A_68 = tpu.memref_slice %arg11[%add3A_64, %dma_start3A_67] : memref<10240x128xf32, #tpu.memory_space<vmem_shared>> -> memref<128x128xf32, #tpu.memory_space<vmem_shared>>
        tpu.enqueue_dma source(%arg9 : memref<128x128xf32, #tpu.memory_space<vmem>>) target(%dma_start3A_68 : memref<128x128xf32, #tpu.memory_space<vmem_shared>>) target_semaphore(%run_scoped3A : memref<!tpu.dma_semaphore, #tpu.memory_space<semaphore_mem>>)
        %dma_wait3A = arith.constant 0 : i32
        %dma_wait3A_69 = tpu.memref_slice %arg11[%add3A_64, %dma_wait3A] : memref<10240x128xf32, #tpu.memory_space<vmem_shared>> -> memref<128x128xf32, #tpu.memory_space<vmem_shared>>
        %dma_wait3A_70 = arith.constant 0 : i32
        %dma_wait3A_71 = tpu.memref_slice %arg11[%add3A_64, %dma_wait3A_70] : memref<10240x128xf32, #tpu.memory_space<vmem_shared>> -> memref<128x128xf32, #tpu.memory_space<vmem_shared>>
        tpu.wait_dma2 semaphore(%run_scoped3A : memref<!tpu.dma_semaphore, #tpu.memory_space<semaphore_mem>>) src(%arg9 : memref<128x128xf32, #tpu.memory_space<vmem>>) dst(%dma_wait3A_71 : memref<128x128xf32, #tpu.memory_space<vmem_shared>>)
        tpu.yield
      }) : () -> ()
      %scan3A_65 = arith.constant 0 : i32
      scf.yield %scan3A_65 : i32
    }
    %scan3A_12 = arith.constant 5 : i32
    %barrier3A = arith.constant 0 : index
    tpu.barrier barrier_id(%barrier3A)
    %eq3A = arith.constant 0 : i32
    %eq3A_13 = arith.cmpi eq, %arg0, %eq3A : i32
    %jit3A = arith.constant 152 : i32
    %jit3A_14 = arith.constant 8 : i32
    %select_n3A = arith.select %eq3A_13, %jit3A, %jit3A_14 : i32
    %eq3A_15 = arith.constant 0 : i32
    %eq3A_16 = arith.cmpi eq, %arg0, %eq3A_15 : i32
    %mul3A = arith.constant 152 : i32
    %mul3A_17 = arith.muli %arg1, %mul3A : i32
    %mul3A_18 = arith.constant 8 : i32
    %mul3A_19 = arith.muli %arg1, %mul3A_18 : i32
    %add3A = arith.constant 2432 : i32
    %add3A_20 = arith.addi %add3A, %mul3A_19 : i32
    %select_n3A_21 = arith.select %eq3A_16, %mul3A_17, %add3A_20 : i32
    %gt3A = arith.constant 0 : i32
    %gt3A_22 = arith.cmpi sgt, %select_n3A, %gt3A : i32
    %convert_element_type3A = arith.extui %gt3A_22 : i1 to i32
    %cond3A = arith.constant 0 : i32
    %cond3A_23 = arith.cmpi ne, %convert_element_type3A, %cond3A : i32
    scf.if %cond3A_23 {
      %add3A_58 = arith.constant 0 : i32
      %add3A_59 = arith.addi %select_n3A_21, %add3A_58 : i32
      "tpu.region"() ({
        %run_scoped3A = tpu.sem_alloc : memref<!tpu.dma_semaphore, #tpu.memory_space<semaphore_mem>>
        %dma_start3A_95 = arith.constant 0 : i32
        %dma_start3A_96 = arith.constant 0 : i32
        %dma_start3A_97 = tpu.memref_slice %arg3[%add3A_59, %dma_start3A_95, %dma_start3A_96] : memref<2560x2x128xi32, #tpu.memory_space<hbm>> -> memref<1x2x128xi32, #tpu.memory_space<hbm>>
        %dma_start3A_98 = tpu.memref_squeeze %dma_start3A_97 : memref<1x2x128xi32, #tpu.memory_space<hbm>> -> memref<2x128xi32, #tpu.memory_space<hbm>>
        %dma_start3A_99 = arith.constant 0 : i32
        %dma_start3A_100 = arith.constant 0 : i32
        %dma_start3A_101 = tpu.memref_slice %arg3[%add3A_59, %dma_start3A_99, %dma_start3A_100] : memref<2560x2x128xi32, #tpu.memory_space<hbm>> -> memref<1x2x128xi32, #tpu.memory_space<hbm>>
        %dma_start3A_102 = tpu.memref_squeeze %dma_start3A_101 : memref<1x2x128xi32, #tpu.memory_space<hbm>> -> memref<2x128xi32, #tpu.memory_space<hbm>>
        tpu.enqueue_dma source(%dma_start3A_102 : memref<2x128xi32, #tpu.memory_space<hbm>>) target(%arg5 : memref<2x128xi32, #tpu.memory_space<vmem>>) target_semaphore(%run_scoped3A : memref<!tpu.dma_semaphore, #tpu.memory_space<semaphore_mem>>)
        %dma_wait3A = arith.constant 0 : i32
        %dma_wait3A_103 = arith.constant 0 : i32
        %dma_wait3A_104 = tpu.memref_slice %arg3[%add3A_59, %dma_wait3A, %dma_wait3A_103] : memref<2560x2x128xi32, #tpu.memory_space<hbm>> -> memref<1x2x128xi32, #tpu.memory_space<hbm>>
        %dma_wait3A_105 = tpu.memref_squeeze %dma_wait3A_104 : memref<1x2x128xi32, #tpu.memory_space<hbm>> -> memref<2x128xi32, #tpu.memory_space<hbm>>
        %dma_wait3A_106 = arith.constant 0 : i32
        %dma_wait3A_107 = arith.constant 0 : i32
        %dma_wait3A_108 = tpu.memref_slice %arg3[%add3A_59, %dma_wait3A_106, %dma_wait3A_107] : memref<2560x2x128xi32, #tpu.memory_space<hbm>> -> memref<1x2x128xi32, #tpu.memory_space<hbm>>
        %dma_wait3A_109 = tpu.memref_squeeze %dma_wait3A_108 : memref<1x2x128xi32, #tpu.memory_space<hbm>> -> memref<2x128xi32, #tpu.memory_space<hbm>>
        tpu.wait_dma2 semaphore(%run_scoped3A : memref<!tpu.dma_semaphore, #tpu.memory_space<semaphore_mem>>) src(%dma_wait3A_109 : memref<2x128xi32, #tpu.memory_space<hbm>>) dst(%arg5 : memref<2x128xi32, #tpu.memory_space<vmem>>)
        tpu.yield
      }) : () -> ()
      %add3A_60 = arith.constant 1 : i32
      %add3A_61 = arith.addi %select_n3A_21, %add3A_60 : i32
      "tpu.region"() ({
        %run_scoped3A = tpu.sem_alloc : memref<!tpu.dma_semaphore, #tpu.memory_space<semaphore_mem>>
        %dma_start3A_95 = arith.constant 0 : i32
        %dma_start3A_96 = arith.constant 0 : i32
        %dma_start3A_97 = tpu.memref_slice %arg3[%add3A_61, %dma_start3A_95, %dma_start3A_96] : memref<2560x2x128xi32, #tpu.memory_space<hbm>> -> memref<1x2x128xi32, #tpu.memory_space<hbm>>
        %dma_start3A_98 = tpu.memref_squeeze %dma_start3A_97 : memref<1x2x128xi32, #tpu.memory_space<hbm>> -> memref<2x128xi32, #tpu.memory_space<hbm>>
        %dma_start3A_99 = arith.constant 0 : i32
        %dma_start3A_100 = arith.constant 0 : i32
        %dma_start3A_101 = tpu.memref_slice %arg3[%add3A_61, %dma_start3A_99, %dma_start3A_100] : memref<2560x2x128xi32, #tpu.memory_space<hbm>> -> memref<1x2x128xi32, #tpu.memory_space<hbm>>
        %dma_start3A_102 = tpu.memref_squeeze %dma_start3A_101 : memref<1x2x128xi32, #tpu.memory_space<hbm>> -> memref<2x128xi32, #tpu.memory_space<hbm>>
        tpu.enqueue_dma source(%dma_start3A_102 : memref<2x128xi32, #tpu.memory_space<hbm>>) target(%arg6 : memref<2x128xi32, #tpu.memory_space<vmem>>) target_semaphore(%run_scoped3A : memref<!tpu.dma_semaphore, #tpu.memory_space<semaphore_mem>>)
        %dma_wait3A = arith.constant 0 : i32
        %dma_wait3A_103 = arith.constant 0 : i32
        %dma_wait3A_104 = tpu.memref_slice %arg3[%add3A_61, %dma_wait3A, %dma_wait3A_103] : memref<2560x2x128xi32, #tpu.memory_space<hbm>> -> memref<1x2x128xi32, #tpu.memory_space<hbm>>
        %dma_wait3A_105 = tpu.memref_squeeze %dma_wait3A_104 : memref<1x2x128xi32, #tpu.memory_space<hbm>> -> memref<2x128xi32, #tpu.memory_space<hbm>>
        %dma_wait3A_106 = arith.constant 0 : i32
        %dma_wait3A_107 = arith.constant 0 : i32
        %dma_wait3A_108 = tpu.memref_slice %arg3[%add3A_61, %dma_wait3A_106, %dma_wait3A_107] : memref<2560x2x128xi32, #tpu.memory_space<hbm>> -> memref<1x2x128xi32, #tpu.memory_space<hbm>>
        %dma_wait3A_109 = tpu.memref_squeeze %dma_wait3A_108 : memref<1x2x128xi32, #tpu.memory_space<hbm>> -> memref<2x128xi32, #tpu.memory_space<hbm>>
        tpu.wait_dma2 semaphore(%run_scoped3A : memref<!tpu.dma_semaphore, #tpu.memory_space<semaphore_mem>>) src(%dma_wait3A_109 : memref<2x128xi32, #tpu.memory_space<hbm>>) dst(%arg6 : memref<2x128xi32, #tpu.memory_space<vmem>>)
        tpu.yield
      }) : () -> ()
      %add3A_62 = arith.constant 2 : i32
      %add3A_63 = arith.addi %select_n3A_21, %add3A_62 : i32
      %dma_start3A = arith.constant 0 : i32
      %dma_start3A_64 = arith.constant 0 : i32
      %dma_start3A_65 = tpu.memref_slice %arg3[%add3A_63, %dma_start3A, %dma_start3A_64] : memref<2560x2x128xi32, #tpu.memory_space<hbm>> -> memref<1x2x128xi32, #tpu.memory_space<hbm>>
      %dma_start3A_66 = tpu.memref_squeeze %dma_start3A_65 : memref<1x2x128xi32, #tpu.memory_space<hbm>> -> memref<2x128xi32, #tpu.memory_space<hbm>>
      %dma_start3A_67 = arith.constant 0 : i32
      %dma_start3A_68 = arith.constant 0 : i32
      %dma_start3A_69 = tpu.memref_slice %arg3[%add3A_63, %dma_start3A_67, %dma_start3A_68] : memref<2560x2x128xi32, #tpu.memory_space<hbm>> -> memref<1x2x128xi32, #tpu.memory_space<hbm>>
      %dma_start3A_70 = tpu.memref_squeeze %dma_start3A_69 : memref<1x2x128xi32, #tpu.memory_space<hbm>> -> memref<2x128xi32, #tpu.memory_space<hbm>>
      tpu.enqueue_dma source(%dma_start3A_70 : memref<2x128xi32, #tpu.memory_space<hbm>>) target(%arg7 : memref<2x128xi32, #tpu.memory_space<vmem>>) target_semaphore(%arg16 : memref<!tpu.dma_semaphore, #tpu.memory_space<semaphore_mem>>)
      %add3A_71 = arith.constant 3 : i32
      %add3A_72 = arith.addi %select_n3A_21, %add3A_71 : i32
      %dma_start3A_73 = arith.constant 0 : i32
      %dma_start3A_74 = arith.constant 0 : i32
      %dma_start3A_75 = tpu.memref_slice %arg3[%add3A_72, %dma_start3A_73, %dma_start3A_74] : memref<2560x2x128xi32, #tpu.memory_space<hbm>> -> memref<1x2x128xi32, #tpu.memory_space<hbm>>
      %dma_start3A_76 = tpu.memref_squeeze %dma_start3A_75 : memref<1x2x128xi32, #tpu.memory_space<hbm>> -> memref<2x128xi32, #tpu.memory_space<hbm>>
      %dma_start3A_77 = arith.constant 0 : i32
      %dma_start3A_78 = arith.constant 0 : i32
      %dma_start3A_79 = tpu.memref_slice %arg3[%add3A_72, %dma_start3A_77, %dma_start3A_78] : memref<2560x2x128xi32, #tpu.memory_space<hbm>> -> memref<1x2x128xi32, #tpu.memory_space<hbm>>
      %dma_start3A_80 = tpu.memref_squeeze %dma_start3A_79 : memref<1x2x128xi32, #tpu.memory_space<hbm>> -> memref<2x128xi32, #tpu.memory_space<hbm>>
      tpu.enqueue_dma source(%dma_start3A_80 : memref<2x128xi32, #tpu.memory_space<hbm>>) target(%arg8 : memref<2x128xi32, #tpu.memory_space<vmem>>) target_semaphore(%arg17 : memref<!tpu.dma_semaphore, #tpu.memory_space<semaphore_mem>>)
      %dma_start3A_81 = arith.constant 0 : i32
      %dma_start3A_82 = arith.constant 0 : i32
      %dma_start3A_83 = tpu.memref_slice %arg5[%dma_start3A_81, %dma_start3A_82] : memref<2x128xi32, #tpu.memory_space<vmem>> -> memref<1x128xi32, #tpu.memory_space<vmem>>
      %dma_start3A_84 = tpu.memref_squeeze %dma_start3A_83 : memref<1x128xi32, #tpu.memory_space<vmem>> -> memref<128xi32, #tpu.memory_space<vmem>>
      %dma_start3A_85 = arith.constant 0 : i32
      %dma_start3A_86 = arith.constant 0 : i32
      %dma_start3A_87 = tpu.memref_slice %arg2[%dma_start3A_85, %dma_start3A_86] : memref<10240x128xf32, #tpu.memory_space<hbm>> -> memref<10240x128xf32, #tpu.memory_space<hbm>>
      tpu.enqueue_indirect_dma source(%dma_start3A_87 : memref<10240x128xf32, #tpu.memory_space<hbm>>) target(%arg9 : memref<128x128xf32, #tpu.memory_space<vmem>>) offsets(%dma_start3A_84 : memref<128xi32, #tpu.memory_space<vmem>>) semaphore(%arg12 : memref<!tpu.dma_semaphore, #tpu.memory_space<semaphore_mem>>)
      %dma_start3A_88 = arith.constant 0 : i32
      %dma_start3A_89 = arith.constant 0 : i32
      %dma_start3A_90 = tpu.memref_slice %arg6[%dma_start3A_88, %dma_start3A_89] : memref<2x128xi32, #tpu.memory_space<vmem>> -> memref<1x128xi32, #tpu.memory_space<vmem>>
      %dma_start3A_91 = tpu.memref_squeeze %dma_start3A_90 : memref<1x128xi32, #tpu.memory_space<vmem>> -> memref<128xi32, #tpu.memory_space<vmem>>
      %dma_start3A_92 = arith.constant 0 : i32
      %dma_start3A_93 = arith.constant 0 : i32
      %dma_start3A_94 = tpu.memref_slice %arg2[%dma_start3A_92, %dma_start3A_93] : memref<10240x128xf32, #tpu.memory_space<hbm>> -> memref<10240x128xf32, #tpu.memory_space<hbm>>
      tpu.enqueue_indirect_dma source(%dma_start3A_94 : memref<10240x128xf32, #tpu.memory_space<hbm>>) target(%arg10 : memref<128x128xf32, #tpu.memory_space<vmem>>) offsets(%dma_start3A_91 : memref<128xi32, #tpu.memory_space<vmem>>) semaphore(%arg13 : memref<!tpu.dma_semaphore, #tpu.memory_space<semaphore_mem>>)
    } else {
    }
    %jit3A_24 = arith.constant 4 : i32
    %div3A = arith.divsi %select_n3A, %jit3A_24 : i32
    %sign3A = arith.constant 0 : i32
    %sign3A_25 = arith.cmpi sgt, %select_n3A, %sign3A : i32
    %sign3A_26 = arith.extui %sign3A_25 : i1 to i32
    %sign3A_27 = arith.constant 0 : i32
    %sign3A_28 = arith.cmpi slt, %select_n3A, %sign3A_27 : i32
    %sign3A_29 = arith.extui %sign3A_28 : i1 to i32
    %sign3A_30 = arith.subi %sign3A_26, %sign3A_29 : i32
    %sign3A_31 = arith.constant 0 : i32
    %sign3A_32 = arith.cmpi sgt, %jit3A_24, %sign3A_31 : i32
    %sign3A_33 = arith.extui %sign3A_32 : i1 to i32
    %sign3A_34 = arith.constant 0 : i32
    %sign3A_35 = arith.cmpi slt, %jit3A_24, %sign3A_34 : i32
    %sign3A_36 = arith.extui %sign3A_35 : i1 to i32
    %sign3A_37 = arith.subi %sign3A_33, %sign3A_36 : i32
    %ne3A = arith.cmpi ne, %sign3A_30, %sign3A_37 : i32
    %rem3A = arith.remsi %select_n3A, %jit3A_24 : i32
    %ne3A_38 = arith.constant 0 : i32
    %ne3A_39 = arith.cmpi ne, %rem3A, %ne3A_38 : i32
    %and3A = arith.andi %ne3A, %ne3A_39 : i1
    %sub3A = arith.constant 1 : i32
    %sub3A_40 = arith.subi %div3A, %sub3A : i32
    %select_n3A_41 = arith.select %and3A, %sub3A_40, %div3A : i32
    %while3A = arith.constant 0 : i32
    %while3A_42 = arith.constant 0 : i32
    %while3A_43 = arith.subi %select_n3A_41, %while3A : i32
    %while3A_44 = arith.addi %while3A, %while3A_43 : i32
    %while3A_45 = arith.constant 1 : i32
    %while3A_46 = arith.divsi %while3A_43, %while3A_45 : i32
    %while3A_47 = arith.muli %while3A_46, %while3A_45 : i32
    %while3A_48 = arith.addi %while3A, %while3A_47 : i32
    %while3A_49 = arith.constant 1 : i32
    %while3A_50 = scf.for %while3A_58 = %while3A to %while3A_48 step %while3A_49 iter_args(%while3A_59 = %while3A_42) -> (i32)  : i32 {
      %mul3A_60 = arith.constant 4 : i32
      %mul3A_61 = arith.muli %while3A_58, %mul3A_60 : i32
      %add3A_62 = arith.constant 0 : i32
      %add3A_63 = arith.addi %mul3A_61, %add3A_62 : i32
      %dma_wait3A = arith.constant 0 : i32
      %dma_wait3A_64 = arith.constant 0 : i32
      %dma_wait3A_65 = tpu.memref_slice %arg5[%dma_wait3A, %dma_wait3A_64] : memref<2x128xi32, #tpu.memory_space<vmem>> -> memref<1x128xi32, #tpu.memory_space<vmem>>
      %dma_wait3A_66 = tpu.memref_squeeze %dma_wait3A_65 : memref<1x128xi32, #tpu.memory_space<vmem>> -> memref<128xi32, #tpu.memory_space<vmem>>
      %dma_wait3A_67 = arith.constant 0 : i32
      %dma_wait3A_68 = arith.constant 0 : i32
      %dma_wait3A_69 = tpu.memref_slice %arg2[%dma_wait3A_67, %dma_wait3A_68] : memref<10240x128xf32, #tpu.memory_space<hbm>> -> memref<10240x128xf32, #tpu.memory_space<hbm>>
      tpu.wait_indirect_dma semaphore(%arg12 : memref<!tpu.dma_semaphore, #tpu.memory_space<semaphore_mem>>) src(%dma_wait3A_69 : memref<10240x128xf32, #tpu.memory_space<hbm>>) dst(%arg9 : memref<128x128xf32, #tpu.memory_space<vmem>>)
      %run_scoped3A = arith.constant 1 : i32
      "tpu.region"() ({
        %run_scoped3A_148 = tpu.sem_alloc : memref<!tpu.dma_semaphore, #tpu.memory_space<semaphore_mem>>
        %dma_start3A = arith.constant 0 : i32
        %dma_start3A_149 = tpu.memref_slice %arg5[%run_scoped3A, %dma_start3A] : memref<2x128xi32, #tpu.memory_space<vmem>> -> memref<1x128xi32, #tpu.memory_space<vmem>>
        %dma_start3A_150 = tpu.memref_squeeze %dma_start3A_149 : memref<1x128xi32, #tpu.memory_space<vmem>> -> memref<128xi32, #tpu.memory_space<vmem>>
        %dma_start3A_151 = arith.constant 0 : i32
        %dma_start3A_152 = arith.constant 0 : i32
        %dma_start3A_153 = tpu.memref_slice %arg11[%dma_start3A_151, %dma_start3A_152] : memref<10240x128xf32, #tpu.memory_space<vmem_shared>> -> memref<10240x128xf32, #tpu.memory_space<vmem_shared>>
        tpu.enqueue_indirect_dma source(%arg9 : memref<128x128xf32, #tpu.memory_space<vmem>>) target(%dma_start3A_153 : memref<10240x128xf32, #tpu.memory_space<vmem_shared>>) offsets(%dma_start3A_150 : memref<128xi32, #tpu.memory_space<vmem>>) semaphore(%run_scoped3A_148 : memref<!tpu.dma_semaphore, #tpu.memory_space<semaphore_mem>>) {add = true}
        %dma_wait3A_154 = arith.constant 0 : i32
        %dma_wait3A_155 = tpu.memref_slice %arg5[%run_scoped3A, %dma_wait3A_154] : memref<2x128xi32, #tpu.memory_space<vmem>> -> memref<1x128xi32, #tpu.memory_space<vmem>>
        %dma_wait3A_156 = tpu.memref_squeeze %dma_wait3A_155 : memref<1x128xi32, #tpu.memory_space<vmem>> -> memref<128xi32, #tpu.memory_space<vmem>>
        %dma_wait3A_157 = arith.constant 0 : i32
        %dma_wait3A_158 = arith.constant 0 : i32
        %dma_wait3A_159 = tpu.memref_slice %arg11[%dma_wait3A_157, %dma_wait3A_158] : memref<10240x128xf32, #tpu.memory_space<vmem_shared>> -> memref<10240x128xf32, #tpu.memory_space<vmem_shared>>
        tpu.wait_indirect_dma semaphore(%run_scoped3A_148 : memref<!tpu.dma_semaphore, #tpu.memory_space<semaphore_mem>>) src(%arg9 : memref<128x128xf32, #tpu.memory_space<vmem>>) dst(%dma_wait3A_159 : memref<10240x128xf32, #tpu.memory_space<vmem_shared>>)
        tpu.yield
      }) : () -> ()
      %add3A_70 = arith.constant 4 : i32
      %add3A_71 = arith.addi %add3A_63, %add3A_70 : i32
      %lt3A = arith.cmpi slt, %add3A_71, %select_n3A : i32
      %convert_element_type3A_72 = arith.extui %lt3A : i1 to i32
      %cond3A_73 = arith.constant 0 : i32
      %cond3A_74 = arith.cmpi ne, %convert_element_type3A_72, %cond3A_73 : i32
      scf.if %cond3A_74 {
        %add3A_148 = arith.addi %select_n3A_21, %add3A_63 : i32
        %add3A_149 = arith.constant 4 : i32
        %add3A_150 = arith.addi %add3A_148, %add3A_149 : i32
        %dma_start3A = arith.constant 0 : i32
        %dma_start3A_151 = arith.constant 0 : i32
        %dma_start3A_152 = tpu.memref_slice %arg3[%add3A_150, %dma_start3A, %dma_start3A_151] : memref<2560x2x128xi32, #tpu.memory_space<hbm>> -> memref<1x2x128xi32, #tpu.memory_space<hbm>>
        %dma_start3A_153 = tpu.memref_squeeze %dma_start3A_152 : memref<1x2x128xi32, #tpu.memory_space<hbm>> -> memref<2x128xi32, #tpu.memory_space<hbm>>
        %dma_start3A_154 = arith.constant 0 : i32
        %dma_start3A_155 = arith.constant 0 : i32
        %dma_start3A_156 = tpu.memref_slice %arg3[%add3A_150, %dma_start3A_154, %dma_start3A_155] : memref<2560x2x128xi32, #tpu.memory_space<hbm>> -> memref<1x2x128xi32, #tpu.memory_space<hbm>>
        %dma_start3A_157 = tpu.memref_squeeze %dma_start3A_156 : memref<1x2x128xi32, #tpu.memory_space<hbm>> -> memref<2x128xi32, #tpu.memory_space<hbm>>
        tpu.enqueue_dma source(%dma_start3A_157 : memref<2x128xi32, #tpu.memory_space<hbm>>) target(%arg5 : memref<2x128xi32, #tpu.memory_space<vmem>>) target_semaphore(%arg14 : memref<!tpu.dma_semaphore, #tpu.memory_space<semaphore_mem>>)
      } else {
      }
      %add3A_75 = arith.constant 2 : i32
      %add3A_76 = arith.addi %add3A_63, %add3A_75 : i32
      %lt3A_77 = arith.cmpi slt, %add3A_76, %select_n3A : i32
      %convert_element_type3A_78 = arith.extui %lt3A_77 : i1 to i32
      %cond3A_79 = arith.constant 0 : i32
      %cond3A_80 = arith.cmpi ne, %convert_element_type3A_78, %cond3A_79 : i32
      scf.if %cond3A_80 {
        %add3A_148 = arith.addi %select_n3A_21, %add3A_63 : i32
        %add3A_149 = arith.constant 2 : i32
        %add3A_150 = arith.addi %add3A_148, %add3A_149 : i32
        %dma_wait3A_151 = arith.constant 0 : i32
        %dma_wait3A_152 = arith.constant 0 : i32
        %dma_wait3A_153 = tpu.memref_slice %arg3[%add3A_150, %dma_wait3A_151, %dma_wait3A_152] : memref<2560x2x128xi32, #tpu.memory_space<hbm>> -> memref<1x2x128xi32, #tpu.memory_space<hbm>>
        %dma_wait3A_154 = tpu.memref_squeeze %dma_wait3A_153 : memref<1x2x128xi32, #tpu.memory_space<hbm>> -> memref<2x128xi32, #tpu.memory_space<hbm>>
        %dma_wait3A_155 = arith.constant 0 : i32
        %dma_wait3A_156 = arith.constant 0 : i32
        %dma_wait3A_157 = tpu.memref_slice %arg3[%add3A_150, %dma_wait3A_155, %dma_wait3A_156] : memref<2560x2x128xi32, #tpu.memory_space<hbm>> -> memref<1x2x128xi32, #tpu.memory_space<hbm>>
        %dma_wait3A_158 = tpu.memref_squeeze %dma_wait3A_157 : memref<1x2x128xi32, #tpu.memory_space<hbm>> -> memref<2x128xi32, #tpu.memory_space<hbm>>
        tpu.wait_dma2 semaphore(%arg16 : memref<!tpu.dma_semaphore, #tpu.memory_space<semaphore_mem>>) src(%dma_wait3A_158 : memref<2x128xi32, #tpu.memory_space<hbm>>) dst(%arg7 : memref<2x128xi32, #tpu.memory_space<vmem>>)
        %dma_start3A = arith.constant 0 : i32
        %dma_start3A_159 = arith.constant 0 : i32
        %dma_start3A_160 = tpu.memref_slice %arg7[%dma_start3A, %dma_start3A_159] : memref<2x128xi32, #tpu.memory_space<vmem>> -> memref<1x128xi32, #tpu.memory_space<vmem>>
        %dma_start3A_161 = tpu.memref_squeeze %dma_start3A_160 : memref<1x128xi32, #tpu.memory_space<vmem>> -> memref<128xi32, #tpu.memory_space<vmem>>
        %dma_start3A_162 = arith.constant 0 : i32
        %dma_start3A_163 = arith.constant 0 : i32
        %dma_start3A_164 = tpu.memref_slice %arg2[%dma_start3A_162, %dma_start3A_163] : memref<10240x128xf32, #tpu.memory_space<hbm>> -> memref<10240x128xf32, #tpu.memory_space<hbm>>
        tpu.enqueue_indirect_dma source(%dma_start3A_164 : memref<10240x128xf32, #tpu.memory_space<hbm>>) target(%arg9 : memref<128x128xf32, #tpu.memory_space<vmem>>) offsets(%dma_start3A_161 : memref<128xi32, #tpu.memory_space<vmem>>) semaphore(%arg12 : memref<!tpu.dma_semaphore, #tpu.memory_space<semaphore_mem>>)
      } else {
      }
      %add3A_81 = arith.constant 1 : i32
      %add3A_82 = arith.addi %mul3A_61, %add3A_81 : i32
      %dma_wait3A_83 = arith.constant 0 : i32
      %dma_wait3A_84 = arith.constant 0 : i32
      %dma_wait3A_85 = tpu.memref_slice %arg6[%dma_wait3A_83, %dma_wait3A_84] : memref<2x128xi32, #tpu.memory_space<vmem>> -> memref<1x128xi32, #tpu.memory_space<vmem>>
      %dma_wait3A_86 = tpu.memref_squeeze %dma_wait3A_85 : memref<1x128xi32, #tpu.memory_space<vmem>> -> memref<128xi32, #tpu.memory_space<vmem>>
      %dma_wait3A_87 = arith.constant 0 : i32
      %dma_wait3A_88 = arith.constant 0 : i32
      %dma_wait3A_89 = tpu.memref_slice %arg2[%dma_wait3A_87, %dma_wait3A_88] : memref<10240x128xf32, #tpu.memory_space<hbm>> -> memref<10240x128xf32, #tpu.memory_space<hbm>>
      tpu.wait_indirect_dma semaphore(%arg13 : memref<!tpu.dma_semaphore, #tpu.memory_space<semaphore_mem>>) src(%dma_wait3A_89 : memref<10240x128xf32, #tpu.memory_space<hbm>>) dst(%arg10 : memref<128x128xf32, #tpu.memory_space<vmem>>)
      %run_scoped3A_90 = arith.constant 1 : i32
      "tpu.region"() ({
        %run_scoped3A_148 = tpu.sem_alloc : memref<!tpu.dma_semaphore, #tpu.memory_space<semaphore_mem>>
        %dma_start3A = arith.constant 0 : i32
        %dma_start3A_149 = tpu.memref_slice %arg6[%run_scoped3A_90, %dma_start3A] : memref<2x128xi32, #tpu.memory_space<vmem>> -> memref<1x128xi32, #tpu.memory_space<vmem>>
        %dma_start3A_150 = tpu.memref_squeeze %dma_start3A_149 : memref<1x128xi32, #tpu.memory_space<vmem>> -> memref<128xi32, #tpu.memory_space<vmem>>
        %dma_start3A_151 = arith.constant 0 : i32
        %dma_start3A_152 = arith.constant 0 : i32
        %dma_start3A_153 = tpu.memref_slice %arg11[%dma_start3A_151, %dma_start3A_152] : memref<10240x128xf32, #tpu.memory_space<vmem_shared>> -> memref<10240x128xf32, #tpu.memory_space<vmem_shared>>
        tpu.enqueue_indirect_dma source(%arg10 : memref<128x128xf32, #tpu.memory_space<vmem>>) target(%dma_start3A_153 : memref<10240x128xf32, #tpu.memory_space<vmem_shared>>) offsets(%dma_start3A_150 : memref<128xi32, #tpu.memory_space<vmem>>) semaphore(%run_scoped3A_148 : memref<!tpu.dma_semaphore, #tpu.memory_space<semaphore_mem>>) {add = true}
        %dma_wait3A_154 = arith.constant 0 : i32
        %dma_wait3A_155 = tpu.memref_slice %arg6[%run_scoped3A_90, %dma_wait3A_154] : memref<2x128xi32, #tpu.memory_space<vmem>> -> memref<1x128xi32, #tpu.memory_space<vmem>>
        %dma_wait3A_156 = tpu.memref_squeeze %dma_wait3A_155 : memref<1x128xi32, #tpu.memory_space<vmem>> -> memref<128xi32, #tpu.memory_space<vmem>>
        %dma_wait3A_157 = arith.constant 0 : i32
        %dma_wait3A_158 = arith.constant 0 : i32
        %dma_wait3A_159 = tpu.memref_slice %arg11[%dma_wait3A_157, %dma_wait3A_158] : memref<10240x128xf32, #tpu.memory_space<vmem_shared>> -> memref<10240x128xf32, #tpu.memory_space<vmem_shared>>
        tpu.wait_indirect_dma semaphore(%run_scoped3A_148 : memref<!tpu.dma_semaphore, #tpu.memory_space<semaphore_mem>>) src(%arg10 : memref<128x128xf32, #tpu.memory_space<vmem>>) dst(%dma_wait3A_159 : memref<10240x128xf32, #tpu.memory_space<vmem_shared>>)
        tpu.yield
      }) : () -> ()
      %add3A_91 = arith.constant 4 : i32
      %add3A_92 = arith.addi %add3A_82, %add3A_91 : i32
      %lt3A_93 = arith.cmpi slt, %add3A_92, %select_n3A : i32
      %convert_element_type3A_94 = arith.extui %lt3A_93 : i1 to i32
      %cond3A_95 = arith.constant 0 : i32
      %cond3A_96 = arith.cmpi ne, %convert_element_type3A_94, %cond3A_95 : i32
      scf.if %cond3A_96 {
        %add3A_148 = arith.addi %select_n3A_21, %add3A_82 : i32
        %add3A_149 = arith.constant 4 : i32
        %add3A_150 = arith.addi %add3A_148, %add3A_149 : i32
        %dma_start3A = arith.constant 0 : i32
        %dma_start3A_151 = arith.constant 0 : i32
        %dma_start3A_152 = tpu.memref_slice %arg3[%add3A_150, %dma_start3A, %dma_start3A_151] : memref<2560x2x128xi32, #tpu.memory_space<hbm>> -> memref<1x2x128xi32, #tpu.memory_space<hbm>>
        %dma_start3A_153 = tpu.memref_squeeze %dma_start3A_152 : memref<1x2x128xi32, #tpu.memory_space<hbm>> -> memref<2x128xi32, #tpu.memory_space<hbm>>
        %dma_start3A_154 = arith.constant 0 : i32
        %dma_start3A_155 = arith.constant 0 : i32
        %dma_start3A_156 = tpu.memref_slice %arg3[%add3A_150, %dma_start3A_154, %dma_start3A_155] : memref<2560x2x128xi32, #tpu.memory_space<hbm>> -> memref<1x2x128xi32, #tpu.memory_space<hbm>>
        %dma_start3A_157 = tpu.memref_squeeze %dma_start3A_156 : memref<1x2x128xi32, #tpu.memory_space<hbm>> -> memref<2x128xi32, #tpu.memory_space<hbm>>
        tpu.enqueue_dma source(%dma_start3A_157 : memref<2x128xi32, #tpu.memory_space<hbm>>) target(%arg6 : memref<2x128xi32, #tpu.memory_space<vmem>>) target_semaphore(%arg15 : memref<!tpu.dma_semaphore, #tpu.memory_space<semaphore_mem>>)
      } else {
      }
      %add3A_97 = arith.constant 2 : i32
      %add3A_98 = arith.addi %add3A_82, %add3A_97 : i32
      %lt3A_99 = arith.cmpi slt, %add3A_98, %select_n3A : i32
      %convert_element_type3A_100 = arith.extui %lt3A_99 : i1 to i32
      %cond3A_101 = arith.constant 0 : i32
      %cond3A_102 = arith.cmpi ne, %convert_element_type3A_100, %cond3A_101 : i32
      scf.if %cond3A_102 {
        %add3A_148 = arith.addi %select_n3A_21, %add3A_82 : i32
        %add3A_149 = arith.constant 2 : i32
        %add3A_150 = arith.addi %add3A_148, %add3A_149 : i32
        %dma_wait3A_151 = arith.constant 0 : i32
        %dma_wait3A_152 = arith.constant 0 : i32
        %dma_wait3A_153 = tpu.memref_slice %arg3[%add3A_150, %dma_wait3A_151, %dma_wait3A_152] : memref<2560x2x128xi32, #tpu.memory_space<hbm>> -> memref<1x2x128xi32, #tpu.memory_space<hbm>>
        %dma_wait3A_154 = tpu.memref_squeeze %dma_wait3A_153 : memref<1x2x128xi32, #tpu.memory_space<hbm>> -> memref<2x128xi32, #tpu.memory_space<hbm>>
        %dma_wait3A_155 = arith.constant 0 : i32
        %dma_wait3A_156 = arith.constant 0 : i32
        %dma_wait3A_157 = tpu.memref_slice %arg3[%add3A_150, %dma_wait3A_155, %dma_wait3A_156] : memref<2560x2x128xi32, #tpu.memory_space<hbm>> -> memref<1x2x128xi32, #tpu.memory_space<hbm>>
        %dma_wait3A_158 = tpu.memref_squeeze %dma_wait3A_157 : memref<1x2x128xi32, #tpu.memory_space<hbm>> -> memref<2x128xi32, #tpu.memory_space<hbm>>
        tpu.wait_dma2 semaphore(%arg17 : memref<!tpu.dma_semaphore, #tpu.memory_space<semaphore_mem>>) src(%dma_wait3A_158 : memref<2x128xi32, #tpu.memory_space<hbm>>) dst(%arg8 : memref<2x128xi32, #tpu.memory_space<vmem>>)
        %dma_start3A = arith.constant 0 : i32
        %dma_start3A_159 = arith.constant 0 : i32
        %dma_start3A_160 = tpu.memref_slice %arg8[%dma_start3A, %dma_start3A_159] : memref<2x128xi32, #tpu.memory_space<vmem>> -> memref<1x128xi32, #tpu.memory_space<vmem>>
        %dma_start3A_161 = tpu.memref_squeeze %dma_start3A_160 : memref<1x128xi32, #tpu.memory_space<vmem>> -> memref<128xi32, #tpu.memory_space<vmem>>
        %dma_start3A_162 = arith.constant 0 : i32
        %dma_start3A_163 = arith.constant 0 : i32
        %dma_start3A_164 = tpu.memref_slice %arg2[%dma_start3A_162, %dma_start3A_163] : memref<10240x128xf32, #tpu.memory_space<hbm>> -> memref<10240x128xf32, #tpu.memory_space<hbm>>
        tpu.enqueue_indirect_dma source(%dma_start3A_164 : memref<10240x128xf32, #tpu.memory_space<hbm>>) target(%arg10 : memref<128x128xf32, #tpu.memory_space<vmem>>) offsets(%dma_start3A_161 : memref<128xi32, #tpu.memory_space<vmem>>) semaphore(%arg13 : memref<!tpu.dma_semaphore, #tpu.memory_space<semaphore_mem>>)
      } else {
      }
      %add3A_103 = arith.constant 2 : i32
      %add3A_104 = arith.addi %mul3A_61, %add3A_103 : i32
      %dma_wait3A_105 = arith.constant 0 : i32
      %dma_wait3A_106 = arith.constant 0 : i32
      %dma_wait3A_107 = tpu.memref_slice %arg7[%dma_wait3A_105, %dma_wait3A_106] : memref<2x128xi32, #tpu.memory_space<vmem>> -> memref<1x128xi32, #tpu.memory_space<vmem>>
      %dma_wait3A_108 = tpu.memref_squeeze %dma_wait3A_107 : memref<1x128xi32, #tpu.memory_space<vmem>> -> memref<128xi32, #tpu.memory_space<vmem>>
      %dma_wait3A_109 = arith.constant 0 : i32
      %dma_wait3A_110 = arith.constant 0 : i32
      %dma_wait3A_111 = tpu.memref_slice %arg2[%dma_wait3A_109, %dma_wait3A_110] : memref<10240x128xf32, #tpu.memory_space<hbm>> -> memref<10240x128xf32, #tpu.memory_space<hbm>>
      tpu.wait_indirect_dma semaphore(%arg12 : memref<!tpu.dma_semaphore, #tpu.memory_space<semaphore_mem>>) src(%dma_wait3A_111 : memref<10240x128xf32, #tpu.memory_space<hbm>>) dst(%arg9 : memref<128x128xf32, #tpu.memory_space<vmem>>)
      %run_scoped3A_112 = arith.constant 1 : i32
      "tpu.region"() ({
        %run_scoped3A_148 = tpu.sem_alloc : memref<!tpu.dma_semaphore, #tpu.memory_space<semaphore_mem>>
        %dma_start3A = arith.constant 0 : i32
        %dma_start3A_149 = tpu.memref_slice %arg7[%run_scoped3A_112, %dma_start3A] : memref<2x128xi32, #tpu.memory_space<vmem>> -> memref<1x128xi32, #tpu.memory_space<vmem>>
        %dma_start3A_150 = tpu.memref_squeeze %dma_start3A_149 : memref<1x128xi32, #tpu.memory_space<vmem>> -> memref<128xi32, #tpu.memory_space<vmem>>
        %dma_start3A_151 = arith.constant 0 : i32
        %dma_start3A_152 = arith.constant 0 : i32
        %dma_start3A_153 = tpu.memref_slice %arg11[%dma_start3A_151, %dma_start3A_152] : memref<10240x128xf32, #tpu.memory_space<vmem_shared>> -> memref<10240x128xf32, #tpu.memory_space<vmem_shared>>
        tpu.enqueue_indirect_dma source(%arg9 : memref<128x128xf32, #tpu.memory_space<vmem>>) target(%dma_start3A_153 : memref<10240x128xf32, #tpu.memory_space<vmem_shared>>) offsets(%dma_start3A_150 : memref<128xi32, #tpu.memory_space<vmem>>) semaphore(%run_scoped3A_148 : memref<!tpu.dma_semaphore, #tpu.memory_space<semaphore_mem>>) {add = true}
        %dma_wait3A_154 = arith.constant 0 : i32
        %dma_wait3A_155 = tpu.memref_slice %arg7[%run_scoped3A_112, %dma_wait3A_154] : memref<2x128xi32, #tpu.memory_space<vmem>> -> memref<1x128xi32, #tpu.memory_space<vmem>>
        %dma_wait3A_156 = tpu.memref_squeeze %dma_wait3A_155 : memref<1x128xi32, #tpu.memory_space<vmem>> -> memref<128xi32, #tpu.memory_space<vmem>>
        %dma_wait3A_157 = arith.constant 0 : i32
        %dma_wait3A_158 = arith.constant 0 : i32
        %dma_wait3A_159 = tpu.memref_slice %arg11[%dma_wait3A_157, %dma_wait3A_158] : memref<10240x128xf32, #tpu.memory_space<vmem_shared>> -> memref<10240x128xf32, #tpu.memory_space<vmem_shared>>
        tpu.wait_indirect_dma semaphore(%run_scoped3A_148 : memref<!tpu.dma_semaphore, #tpu.memory_space<semaphore_mem>>) src(%arg9 : memref<128x128xf32, #tpu.memory_space<vmem>>) dst(%dma_wait3A_159 : memref<10240x128xf32, #tpu.memory_space<vmem_shared>>)
        tpu.yield
      }) : () -> ()
      %add3A_113 = arith.constant 4 : i32
      %add3A_114 = arith.addi %add3A_104, %add3A_113 : i32
      %lt3A_115 = arith.cmpi slt, %add3A_114, %select_n3A : i32
      %convert_element_type3A_116 = arith.extui %lt3A_115 : i1 to i32
      %cond3A_117 = arith.constant 0 : i32
      %cond3A_118 = arith.cmpi ne, %convert_element_type3A_116, %cond3A_117 : i32
      scf.if %cond3A_118 {
        %add3A_148 = arith.addi %select_n3A_21, %add3A_104 : i32
        %add3A_149 = arith.constant 4 : i32
        %add3A_150 = arith.addi %add3A_148, %add3A_149 : i32
        %dma_start3A = arith.constant 0 : i32
        %dma_start3A_151 = arith.constant 0 : i32
        %dma_start3A_152 = tpu.memref_slice %arg3[%add3A_150, %dma_start3A, %dma_start3A_151] : memref<2560x2x128xi32, #tpu.memory_space<hbm>> -> memref<1x2x128xi32, #tpu.memory_space<hbm>>
        %dma_start3A_153 = tpu.memref_squeeze %dma_start3A_152 : memref<1x2x128xi32, #tpu.memory_space<hbm>> -> memref<2x128xi32, #tpu.memory_space<hbm>>
        %dma_start3A_154 = arith.constant 0 : i32
        %dma_start3A_155 = arith.constant 0 : i32
        %dma_start3A_156 = tpu.memref_slice %arg3[%add3A_150, %dma_start3A_154, %dma_start3A_155] : memref<2560x2x128xi32, #tpu.memory_space<hbm>> -> memref<1x2x128xi32, #tpu.memory_space<hbm>>
        %dma_start3A_157 = tpu.memref_squeeze %dma_start3A_156 : memref<1x2x128xi32, #tpu.memory_space<hbm>> -> memref<2x128xi32, #tpu.memory_space<hbm>>
        tpu.enqueue_dma source(%dma_start3A_157 : memref<2x128xi32, #tpu.memory_space<hbm>>) target(%arg7 : memref<2x128xi32, #tpu.memory_space<vmem>>) target_semaphore(%arg16 : memref<!tpu.dma_semaphore, #tpu.memory_space<semaphore_mem>>)
      } else {
      }
      %add3A_119 = arith.constant 2 : i32
      %add3A_120 = arith.addi %add3A_104, %add3A_119 : i32
      %lt3A_121 = arith.cmpi slt, %add3A_120, %select_n3A : i32
      %convert_element_type3A_122 = arith.extui %lt3A_121 : i1 to i32
      %cond3A_123 = arith.constant 0 : i32
      %cond3A_124 = arith.cmpi ne, %convert_element_type3A_122, %cond3A_123 : i32
      scf.if %cond3A_124 {
        %add3A_148 = arith.addi %select_n3A_21, %add3A_104 : i32
        %add3A_149 = arith.constant 2 : i32
        %add3A_150 = arith.addi %add3A_148, %add3A_149 : i32
        %dma_wait3A_151 = arith.constant 0 : i32
        %dma_wait3A_152 = arith.constant 0 : i32
        %dma_wait3A_153 = tpu.memref_slice %arg3[%add3A_150, %dma_wait3A_151, %dma_wait3A_152] : memref<2560x2x128xi32, #tpu.memory_space<hbm>> -> memref<1x2x128xi32, #tpu.memory_space<hbm>>
        %dma_wait3A_154 = tpu.memref_squeeze %dma_wait3A_153 : memref<1x2x128xi32, #tpu.memory_space<hbm>> -> memref<2x128xi32, #tpu.memory_space<hbm>>
        %dma_wait3A_155 = arith.constant 0 : i32
        %dma_wait3A_156 = arith.constant 0 : i32
        %dma_wait3A_157 = tpu.memref_slice %arg3[%add3A_150, %dma_wait3A_155, %dma_wait3A_156] : memref<2560x2x128xi32, #tpu.memory_space<hbm>> -> memref<1x2x128xi32, #tpu.memory_space<hbm>>
        %dma_wait3A_158 = tpu.memref_squeeze %dma_wait3A_157 : memref<1x2x128xi32, #tpu.memory_space<hbm>> -> memref<2x128xi32, #tpu.memory_space<hbm>>
        tpu.wait_dma2 semaphore(%arg14 : memref<!tpu.dma_semaphore, #tpu.memory_space<semaphore_mem>>) src(%dma_wait3A_158 : memref<2x128xi32, #tpu.memory_space<hbm>>) dst(%arg5 : memref<2x128xi32, #tpu.memory_space<vmem>>)
        %dma_start3A = arith.constant 0 : i32
        %dma_start3A_159 = arith.constant 0 : i32
        %dma_start3A_160 = tpu.memref_slice %arg5[%dma_start3A, %dma_start3A_159] : memref<2x128xi32, #tpu.memory_space<vmem>> -> memref<1x128xi32, #tpu.memory_space<vmem>>
        %dma_start3A_161 = tpu.memref_squeeze %dma_start3A_160 : memref<1x128xi32, #tpu.memory_space<vmem>> -> memref<128xi32, #tpu.memory_space<vmem>>
        %dma_start3A_162 = arith.constant 0 : i32
        %dma_start3A_163 = arith.constant 0 : i32
        %dma_start3A_164 = tpu.memref_slice %arg2[%dma_start3A_162, %dma_start3A_163] : memref<10240x128xf32, #tpu.memory_space<hbm>> -> memref<10240x128xf32, #tpu.memory_space<hbm>>
        tpu.enqueue_indirect_dma source(%dma_start3A_164 : memref<10240x128xf32, #tpu.memory_space<hbm>>) target(%arg9 : memref<128x128xf32, #tpu.memory_space<vmem>>) offsets(%dma_start3A_161 : memref<128xi32, #tpu.memory_space<vmem>>) semaphore(%arg12 : memref<!tpu.dma_semaphore, #tpu.memory_space<semaphore_mem>>)
      } else {
      }
      %add3A_125 = arith.constant 3 : i32
      %add3A_126 = arith.addi %mul3A_61, %add3A_125 : i32
      %dma_wait3A_127 = arith.constant 0 : i32
      %dma_wait3A_128 = arith.constant 0 : i32
      %dma_wait3A_129 = tpu.memref_slice %arg8[%dma_wait3A_127, %dma_wait3A_128] : memref<2x128xi32, #tpu.memory_space<vmem>> -> memref<1x128xi32, #tpu.memory_space<vmem>>
      %dma_wait3A_130 = tpu.memref_squeeze %dma_wait3A_129 : memref<1x128xi32, #tpu.memory_space<vmem>> -> memref<128xi32, #tpu.memory_space<vmem>>
      %dma_wait3A_131 = arith.constant 0 : i32
      %dma_wait3A_132 = arith.constant 0 : i32
      %dma_wait3A_133 = tpu.memref_slice %arg2[%dma_wait3A_131, %dma_wait3A_132] : memref<10240x128xf32, #tpu.memory_space<hbm>> -> memref<10240x128xf32, #tpu.memory_space<hbm>>
      tpu.wait_indirect_dma semaphore(%arg13 : memref<!tpu.dma_semaphore, #tpu.memory_space<semaphore_mem>>) src(%dma_wait3A_133 : memref<10240x128xf32, #tpu.memory_space<hbm>>) dst(%arg10 : memref<128x128xf32, #tpu.memory_space<vmem>>)
      %run_scoped3A_134 = arith.constant 1 : i32
      "tpu.region"() ({
        %run_scoped3A_148 = tpu.sem_alloc : memref<!tpu.dma_semaphore, #tpu.memory_space<semaphore_mem>>
        %dma_start3A = arith.constant 0 : i32
        %dma_start3A_149 = tpu.memref_slice %arg8[%run_scoped3A_134, %dma_start3A] : memref<2x128xi32, #tpu.memory_space<vmem>> -> memref<1x128xi32, #tpu.memory_space<vmem>>
        %dma_start3A_150 = tpu.memref_squeeze %dma_start3A_149 : memref<1x128xi32, #tpu.memory_space<vmem>> -> memref<128xi32, #tpu.memory_space<vmem>>
        %dma_start3A_151 = arith.constant 0 : i32
        %dma_start3A_152 = arith.constant 0 : i32
        %dma_start3A_153 = tpu.memref_slice %arg11[%dma_start3A_151, %dma_start3A_152] : memref<10240x128xf32, #tpu.memory_space<vmem_shared>> -> memref<10240x128xf32, #tpu.memory_space<vmem_shared>>
        tpu.enqueue_indirect_dma source(%arg10 : memref<128x128xf32, #tpu.memory_space<vmem>>) target(%dma_start3A_153 : memref<10240x128xf32, #tpu.memory_space<vmem_shared>>) offsets(%dma_start3A_150 : memref<128xi32, #tpu.memory_space<vmem>>) semaphore(%run_scoped3A_148 : memref<!tpu.dma_semaphore, #tpu.memory_space<semaphore_mem>>) {add = true}
        %dma_wait3A_154 = arith.constant 0 : i32
        %dma_wait3A_155 = tpu.memref_slice %arg8[%run_scoped3A_134, %dma_wait3A_154] : memref<2x128xi32, #tpu.memory_space<vmem>> -> memref<1x128xi32, #tpu.memory_space<vmem>>
        %dma_wait3A_156 = tpu.memref_squeeze %dma_wait3A_155 : memref<1x128xi32, #tpu.memory_space<vmem>> -> memref<128xi32, #tpu.memory_space<vmem>>
        %dma_wait3A_157 = arith.constant 0 : i32
        %dma_wait3A_158 = arith.constant 0 : i32
        %dma_wait3A_159 = tpu.memref_slice %arg11[%dma_wait3A_157, %dma_wait3A_158] : memref<10240x128xf32, #tpu.memory_space<vmem_shared>> -> memref<10240x128xf32, #tpu.memory_space<vmem_shared>>
        tpu.wait_indirect_dma semaphore(%run_scoped3A_148 : memref<!tpu.dma_semaphore, #tpu.memory_space<semaphore_mem>>) src(%arg10 : memref<128x128xf32, #tpu.memory_space<vmem>>) dst(%dma_wait3A_159 : memref<10240x128xf32, #tpu.memory_space<vmem_shared>>)
        tpu.yield
      }) : () -> ()
      %add3A_135 = arith.constant 4 : i32
      %add3A_136 = arith.addi %add3A_126, %add3A_135 : i32
      %lt3A_137 = arith.cmpi slt, %add3A_136, %select_n3A : i32
      %convert_element_type3A_138 = arith.extui %lt3A_137 : i1 to i32
      %cond3A_139 = arith.constant 0 : i32
      %cond3A_140 = arith.cmpi ne, %convert_element_type3A_138, %cond3A_139 : i32
      scf.if %cond3A_140 {
        %add3A_148 = arith.addi %select_n3A_21, %add3A_126 : i32
        %add3A_149 = arith.constant 4 : i32
        %add3A_150 = arith.addi %add3A_148, %add3A_149 : i32
        %dma_start3A = arith.constant 0 : i32
        %dma_start3A_151 = arith.constant 0 : i32
        %dma_start3A_152 = tpu.memref_slice %arg3[%add3A_150, %dma_start3A, %dma_start3A_151] : memref<2560x2x128xi32, #tpu.memory_space<hbm>> -> memref<1x2x128xi32, #tpu.memory_space<hbm>>
        %dma_start3A_153 = tpu.memref_squeeze %dma_start3A_152 : memref<1x2x128xi32, #tpu.memory_space<hbm>> -> memref<2x128xi32, #tpu.memory_space<hbm>>
        %dma_start3A_154 = arith.constant 0 : i32
        %dma_start3A_155 = arith.constant 0 : i32
        %dma_start3A_156 = tpu.memref_slice %arg3[%add3A_150, %dma_start3A_154, %dma_start3A_155] : memref<2560x2x128xi32, #tpu.memory_space<hbm>> -> memref<1x2x128xi32, #tpu.memory_space<hbm>>
        %dma_start3A_157 = tpu.memref_squeeze %dma_start3A_156 : memref<1x2x128xi32, #tpu.memory_space<hbm>> -> memref<2x128xi32, #tpu.memory_space<hbm>>
        tpu.enqueue_dma source(%dma_start3A_157 : memref<2x128xi32, #tpu.memory_space<hbm>>) target(%arg8 : memref<2x128xi32, #tpu.memory_space<vmem>>) target_semaphore(%arg17 : memref<!tpu.dma_semaphore, #tpu.memory_space<semaphore_mem>>)
      } else {
      }
      %add3A_141 = arith.constant 2 : i32
      %add3A_142 = arith.addi %add3A_126, %add3A_141 : i32
      %lt3A_143 = arith.cmpi slt, %add3A_142, %select_n3A : i32
      %convert_element_type3A_144 = arith.extui %lt3A_143 : i1 to i32
      %cond3A_145 = arith.constant 0 : i32
      %cond3A_146 = arith.cmpi ne, %convert_element_type3A_144, %cond3A_145 : i32
      scf.if %cond3A_146 {
        %add3A_148 = arith.addi %select_n3A_21, %add3A_126 : i32
        %add3A_149 = arith.constant 2 : i32
        %add3A_150 = arith.addi %add3A_148, %add3A_149 : i32
        %dma_wait3A_151 = arith.constant 0 : i32
        %dma_wait3A_152 = arith.constant 0 : i32
        %dma_wait3A_153 = tpu.memref_slice %arg3[%add3A_150, %dma_wait3A_151, %dma_wait3A_152] : memref<2560x2x128xi32, #tpu.memory_space<hbm>> -> memref<1x2x128xi32, #tpu.memory_space<hbm>>
        %dma_wait3A_154 = tpu.memref_squeeze %dma_wait3A_153 : memref<1x2x128xi32, #tpu.memory_space<hbm>> -> memref<2x128xi32, #tpu.memory_space<hbm>>
        %dma_wait3A_155 = arith.constant 0 : i32
        %dma_wait3A_156 = arith.constant 0 : i32
        %dma_wait3A_157 = tpu.memref_slice %arg3[%add3A_150, %dma_wait3A_155, %dma_wait3A_156] : memref<2560x2x128xi32, #tpu.memory_space<hbm>> -> memref<1x2x128xi32, #tpu.memory_space<hbm>>
        %dma_wait3A_158 = tpu.memref_squeeze %dma_wait3A_157 : memref<1x2x128xi32, #tpu.memory_space<hbm>> -> memref<2x128xi32, #tpu.memory_space<hbm>>
        tpu.wait_dma2 semaphore(%arg15 : memref<!tpu.dma_semaphore, #tpu.memory_space<semaphore_mem>>) src(%dma_wait3A_158 : memref<2x128xi32, #tpu.memory_space<hbm>>) dst(%arg6 : memref<2x128xi32, #tpu.memory_space<vmem>>)
        %dma_start3A = arith.constant 0 : i32
        %dma_start3A_159 = arith.constant 0 : i32
        %dma_start3A_160 = tpu.memref_slice %arg6[%dma_start3A, %dma_start3A_159] : memref<2x128xi32, #tpu.memory_space<vmem>> -> memref<1x128xi32, #tpu.memory_space<vmem>>
        %dma_start3A_161 = tpu.memref_squeeze %dma_start3A_160 : memref<1x128xi32, #tpu.memory_space<vmem>> -> memref<128xi32, #tpu.memory_space<vmem>>
        %dma_start3A_162 = arith.constant 0 : i32
        %dma_start3A_163 = arith.constant 0 : i32
        %dma_start3A_164 = tpu.memref_slice %arg2[%dma_start3A_162, %dma_start3A_163] : memref<10240x128xf32, #tpu.memory_space<hbm>> -> memref<10240x128xf32, #tpu.memory_space<hbm>>
        tpu.enqueue_indirect_dma source(%dma_start3A_164 : memref<10240x128xf32, #tpu.memory_space<hbm>>) target(%arg10 : memref<128x128xf32, #tpu.memory_space<vmem>>) offsets(%dma_start3A_161 : memref<128xi32, #tpu.memory_space<vmem>>) semaphore(%arg13 : memref<!tpu.dma_semaphore, #tpu.memory_space<semaphore_mem>>)
      } else {
      }
      %while3A_147 = arith.constant 0 : i32
      scf.yield %while3A_147 : i32
    }
    %while3A_51 = arith.constant 1 : i32
    %while3A_52 = scf.for %while3A_58 = %while3A_48 to %while3A_44 step %while3A_51 iter_args(%while3A_59 = %while3A_50) -> (i32)  : i32 {
      %mul3A_60 = arith.constant 4 : i32
      %mul3A_61 = arith.muli %while3A_58, %mul3A_60 : i32
      %add3A_62 = arith.constant 0 : i32
      %add3A_63 = arith.addi %mul3A_61, %add3A_62 : i32
      %dma_wait3A = arith.constant 0 : i32
      %dma_wait3A_64 = arith.constant 0 : i32
      %dma_wait3A_65 = tpu.memref_slice %arg5[%dma_wait3A, %dma_wait3A_64] : memref<2x128xi32, #tpu.memory_space<vmem>> -> memref<1x128xi32, #tpu.memory_space<vmem>>
      %dma_wait3A_66 = tpu.memref_squeeze %dma_wait3A_65 : memref<1x128xi32, #tpu.memory_space<vmem>> -> memref<128xi32, #tpu.memory_space<vmem>>
      %dma_wait3A_67 = arith.constant 0 : i32
      %dma_wait3A_68 = arith.constant 0 : i32
      %dma_wait3A_69 = tpu.memref_slice %arg2[%dma_wait3A_67, %dma_wait3A_68] : memref<10240x128xf32, #tpu.memory_space<hbm>> -> memref<10240x128xf32, #tpu.memory_space<hbm>>
      tpu.wait_indirect_dma semaphore(%arg12 : memref<!tpu.dma_semaphore, #tpu.memory_space<semaphore_mem>>) src(%dma_wait3A_69 : memref<10240x128xf32, #tpu.memory_space<hbm>>) dst(%arg9 : memref<128x128xf32, #tpu.memory_space<vmem>>)
      %run_scoped3A = arith.constant 1 : i32
      "tpu.region"() ({
        %run_scoped3A_148 = tpu.sem_alloc : memref<!tpu.dma_semaphore, #tpu.memory_space<semaphore_mem>>
        %dma_start3A = arith.constant 0 : i32
        %dma_start3A_149 = tpu.memref_slice %arg5[%run_scoped3A, %dma_start3A] : memref<2x128xi32, #tpu.memory_space<vmem>> -> memref<1x128xi32, #tpu.memory_space<vmem>>
        %dma_start3A_150 = tpu.memref_squeeze %dma_start3A_149 : memref<1x128xi32, #tpu.memory_space<vmem>> -> memref<128xi32, #tpu.memory_space<vmem>>
        %dma_start3A_151 = arith.constant 0 : i32
        %dma_start3A_152 = arith.constant 0 : i32
        %dma_start3A_153 = tpu.memref_slice %arg11[%dma_start3A_151, %dma_start3A_152] : memref<10240x128xf32, #tpu.memory_space<vmem_shared>> -> memref<10240x128xf32, #tpu.memory_space<vmem_shared>>
        tpu.enqueue_indirect_dma source(%arg9 : memref<128x128xf32, #tpu.memory_space<vmem>>) target(%dma_start3A_153 : memref<10240x128xf32, #tpu.memory_space<vmem_shared>>) offsets(%dma_start3A_150 : memref<128xi32, #tpu.memory_space<vmem>>) semaphore(%run_scoped3A_148 : memref<!tpu.dma_semaphore, #tpu.memory_space<semaphore_mem>>) {add = true}
        %dma_wait3A_154 = arith.constant 0 : i32
        %dma_wait3A_155 = tpu.memref_slice %arg5[%run_scoped3A, %dma_wait3A_154] : memref<2x128xi32, #tpu.memory_space<vmem>> -> memref<1x128xi32, #tpu.memory_space<vmem>>
        %dma_wait3A_156 = tpu.memref_squeeze %dma_wait3A_155 : memref<1x128xi32, #tpu.memory_space<vmem>> -> memref<128xi32, #tpu.memory_space<vmem>>
        %dma_wait3A_157 = arith.constant 0 : i32
        %dma_wait3A_158 = arith.constant 0 : i32
        %dma_wait3A_159 = tpu.memref_slice %arg11[%dma_wait3A_157, %dma_wait3A_158] : memref<10240x128xf32, #tpu.memory_space<vmem_shared>> -> memref<10240x128xf32, #tpu.memory_space<vmem_shared>>
        tpu.wait_indirect_dma semaphore(%run_scoped3A_148 : memref<!tpu.dma_semaphore, #tpu.memory_space<semaphore_mem>>) src(%arg9 : memref<128x128xf32, #tpu.memory_space<vmem>>) dst(%dma_wait3A_159 : memref<10240x128xf32, #tpu.memory_space<vmem_shared>>)
        tpu.yield
      }) : () -> ()
      %add3A_70 = arith.constant 4 : i32
      %add3A_71 = arith.addi %add3A_63, %add3A_70 : i32
      %lt3A = arith.cmpi slt, %add3A_71, %select_n3A : i32
      %convert_element_type3A_72 = arith.extui %lt3A : i1 to i32
      %cond3A_73 = arith.constant 0 : i32
      %cond3A_74 = arith.cmpi ne, %convert_element_type3A_72, %cond3A_73 : i32
      scf.if %cond3A_74 {
        %add3A_148 = arith.addi %select_n3A_21, %add3A_63 : i32
        %add3A_149 = arith.constant 4 : i32
        %add3A_150 = arith.addi %add3A_148, %add3A_149 : i32
        %dma_start3A = arith.constant 0 : i32
        %dma_start3A_151 = arith.constant 0 : i32
        %dma_start3A_152 = tpu.memref_slice %arg3[%add3A_150, %dma_start3A, %dma_start3A_151] : memref<2560x2x128xi32, #tpu.memory_space<hbm>> -> memref<1x2x128xi32, #tpu.memory_space<hbm>>
        %dma_start3A_153 = tpu.memref_squeeze %dma_start3A_152 : memref<1x2x128xi32, #tpu.memory_space<hbm>> -> memref<2x128xi32, #tpu.memory_space<hbm>>
        %dma_start3A_154 = arith.constant 0 : i32
        %dma_start3A_155 = arith.constant 0 : i32
        %dma_start3A_156 = tpu.memref_slice %arg3[%add3A_150, %dma_start3A_154, %dma_start3A_155] : memref<2560x2x128xi32, #tpu.memory_space<hbm>> -> memref<1x2x128xi32, #tpu.memory_space<hbm>>
        %dma_start3A_157 = tpu.memref_squeeze %dma_start3A_156 : memref<1x2x128xi32, #tpu.memory_space<hbm>> -> memref<2x128xi32, #tpu.memory_space<hbm>>
        tpu.enqueue_dma source(%dma_start3A_157 : memref<2x128xi32, #tpu.memory_space<hbm>>) target(%arg5 : memref<2x128xi32, #tpu.memory_space<vmem>>) target_semaphore(%arg14 : memref<!tpu.dma_semaphore, #tpu.memory_space<semaphore_mem>>)
      } else {
      }
      %add3A_75 = arith.constant 2 : i32
      %add3A_76 = arith.addi %add3A_63, %add3A_75 : i32
      %lt3A_77 = arith.cmpi slt, %add3A_76, %select_n3A : i32
      %convert_element_type3A_78 = arith.extui %lt3A_77 : i1 to i32
      %cond3A_79 = arith.constant 0 : i32
      %cond3A_80 = arith.cmpi ne, %convert_element_type3A_78, %cond3A_79 : i32
      scf.if %cond3A_80 {
        %add3A_148 = arith.addi %select_n3A_21, %add3A_63 : i32
        %add3A_149 = arith.constant 2 : i32
        %add3A_150 = arith.addi %add3A_148, %add3A_149 : i32
        %dma_wait3A_151 = arith.constant 0 : i32
        %dma_wait3A_152 = arith.constant 0 : i32
        %dma_wait3A_153 = tpu.memref_slice %arg3[%add3A_150, %dma_wait3A_151, %dma_wait3A_152] : memref<2560x2x128xi32, #tpu.memory_space<hbm>> -> memref<1x2x128xi32, #tpu.memory_space<hbm>>
        %dma_wait3A_154 = tpu.memref_squeeze %dma_wait3A_153 : memref<1x2x128xi32, #tpu.memory_space<hbm>> -> memref<2x128xi32, #tpu.memory_space<hbm>>
        %dma_wait3A_155 = arith.constant 0 : i32
        %dma_wait3A_156 = arith.constant 0 : i32
        %dma_wait3A_157 = tpu.memref_slice %arg3[%add3A_150, %dma_wait3A_155, %dma_wait3A_156] : memref<2560x2x128xi32, #tpu.memory_space<hbm>> -> memref<1x2x128xi32, #tpu.memory_space<hbm>>
        %dma_wait3A_158 = tpu.memref_squeeze %dma_wait3A_157 : memref<1x2x128xi32, #tpu.memory_space<hbm>> -> memref<2x128xi32, #tpu.memory_space<hbm>>
        tpu.wait_dma2 semaphore(%arg16 : memref<!tpu.dma_semaphore, #tpu.memory_space<semaphore_mem>>) src(%dma_wait3A_158 : memref<2x128xi32, #tpu.memory_space<hbm>>) dst(%arg7 : memref<2x128xi32, #tpu.memory_space<vmem>>)
        %dma_start3A = arith.constant 0 : i32
        %dma_start3A_159 = arith.constant 0 : i32
        %dma_start3A_160 = tpu.memref_slice %arg7[%dma_start3A, %dma_start3A_159] : memref<2x128xi32, #tpu.memory_space<vmem>> -> memref<1x128xi32, #tpu.memory_space<vmem>>
        %dma_start3A_161 = tpu.memref_squeeze %dma_start3A_160 : memref<1x128xi32, #tpu.memory_space<vmem>> -> memref<128xi32, #tpu.memory_space<vmem>>
        %dma_start3A_162 = arith.constant 0 : i32
        %dma_start3A_163 = arith.constant 0 : i32
        %dma_start3A_164 = tpu.memref_slice %arg2[%dma_start3A_162, %dma_start3A_163] : memref<10240x128xf32, #tpu.memory_space<hbm>> -> memref<10240x128xf32, #tpu.memory_space<hbm>>
        tpu.enqueue_indirect_dma source(%dma_start3A_164 : memref<10240x128xf32, #tpu.memory_space<hbm>>) target(%arg9 : memref<128x128xf32, #tpu.memory_space<vmem>>) offsets(%dma_start3A_161 : memref<128xi32, #tpu.memory_space<vmem>>) semaphore(%arg12 : memref<!tpu.dma_semaphore, #tpu.memory_space<semaphore_mem>>)
      } else {
      }
      %add3A_81 = arith.constant 1 : i32
      %add3A_82 = arith.addi %mul3A_61, %add3A_81 : i32
      %dma_wait3A_83 = arith.constant 0 : i32
      %dma_wait3A_84 = arith.constant 0 : i32
      %dma_wait3A_85 = tpu.memref_slice %arg6[%dma_wait3A_83, %dma_wait3A_84] : memref<2x128xi32, #tpu.memory_space<vmem>> -> memref<1x128xi32, #tpu.memory_space<vmem>>
      %dma_wait3A_86 = tpu.memref_squeeze %dma_wait3A_85 : memref<1x128xi32, #tpu.memory_space<vmem>> -> memref<128xi32, #tpu.memory_space<vmem>>
      %dma_wait3A_87 = arith.constant 0 : i32
      %dma_wait3A_88 = arith.constant 0 : i32
      %dma_wait3A_89 = tpu.memref_slice %arg2[%dma_wait3A_87, %dma_wait3A_88] : memref<10240x128xf32, #tpu.memory_space<hbm>> -> memref<10240x128xf32, #tpu.memory_space<hbm>>
      tpu.wait_indirect_dma semaphore(%arg13 : memref<!tpu.dma_semaphore, #tpu.memory_space<semaphore_mem>>) src(%dma_wait3A_89 : memref<10240x128xf32, #tpu.memory_space<hbm>>) dst(%arg10 : memref<128x128xf32, #tpu.memory_space<vmem>>)
      %run_scoped3A_90 = arith.constant 1 : i32
      "tpu.region"() ({
        %run_scoped3A_148 = tpu.sem_alloc : memref<!tpu.dma_semaphore, #tpu.memory_space<semaphore_mem>>
        %dma_start3A = arith.constant 0 : i32
        %dma_start3A_149 = tpu.memref_slice %arg6[%run_scoped3A_90, %dma_start3A] : memref<2x128xi32, #tpu.memory_space<vmem>> -> memref<1x128xi32, #tpu.memory_space<vmem>>
        %dma_start3A_150 = tpu.memref_squeeze %dma_start3A_149 : memref<1x128xi32, #tpu.memory_space<vmem>> -> memref<128xi32, #tpu.memory_space<vmem>>
        %dma_start3A_151 = arith.constant 0 : i32
        %dma_start3A_152 = arith.constant 0 : i32
        %dma_start3A_153 = tpu.memref_slice %arg11[%dma_start3A_151, %dma_start3A_152] : memref<10240x128xf32, #tpu.memory_space<vmem_shared>> -> memref<10240x128xf32, #tpu.memory_space<vmem_shared>>
        tpu.enqueue_indirect_dma source(%arg10 : memref<128x128xf32, #tpu.memory_space<vmem>>) target(%dma_start3A_153 : memref<10240x128xf32, #tpu.memory_space<vmem_shared>>) offsets(%dma_start3A_150 : memref<128xi32, #tpu.memory_space<vmem>>) semaphore(%run_scoped3A_148 : memref<!tpu.dma_semaphore, #tpu.memory_space<semaphore_mem>>) {add = true}
        %dma_wait3A_154 = arith.constant 0 : i32
        %dma_wait3A_155 = tpu.memref_slice %arg6[%run_scoped3A_90, %dma_wait3A_154] : memref<2x128xi32, #tpu.memory_space<vmem>> -> memref<1x128xi32, #tpu.memory_space<vmem>>
        %dma_wait3A_156 = tpu.memref_squeeze %dma_wait3A_155 : memref<1x128xi32, #tpu.memory_space<vmem>> -> memref<128xi32, #tpu.memory_space<vmem>>
        %dma_wait3A_157 = arith.constant 0 : i32
        %dma_wait3A_158 = arith.constant 0 : i32
        %dma_wait3A_159 = tpu.memref_slice %arg11[%dma_wait3A_157, %dma_wait3A_158] : memref<10240x128xf32, #tpu.memory_space<vmem_shared>> -> memref<10240x128xf32, #tpu.memory_space<vmem_shared>>
        tpu.wait_indirect_dma semaphore(%run_scoped3A_148 : memref<!tpu.dma_semaphore, #tpu.memory_space<semaphore_mem>>) src(%arg10 : memref<128x128xf32, #tpu.memory_space<vmem>>) dst(%dma_wait3A_159 : memref<10240x128xf32, #tpu.memory_space<vmem_shared>>)
        tpu.yield
      }) : () -> ()
      %add3A_91 = arith.constant 4 : i32
      %add3A_92 = arith.addi %add3A_82, %add3A_91 : i32
      %lt3A_93 = arith.cmpi slt, %add3A_92, %select_n3A : i32
      %convert_element_type3A_94 = arith.extui %lt3A_93 : i1 to i32
      %cond3A_95 = arith.constant 0 : i32
      %cond3A_96 = arith.cmpi ne, %convert_element_type3A_94, %cond3A_95 : i32
      scf.if %cond3A_96 {
        %add3A_148 = arith.addi %select_n3A_21, %add3A_82 : i32
        %add3A_149 = arith.constant 4 : i32
        %add3A_150 = arith.addi %add3A_148, %add3A_149 : i32
        %dma_start3A = arith.constant 0 : i32
        %dma_start3A_151 = arith.constant 0 : i32
        %dma_start3A_152 = tpu.memref_slice %arg3[%add3A_150, %dma_start3A, %dma_start3A_151] : memref<2560x2x128xi32, #tpu.memory_space<hbm>> -> memref<1x2x128xi32, #tpu.memory_space<hbm>>
        %dma_start3A_153 = tpu.memref_squeeze %dma_start3A_152 : memref<1x2x128xi32, #tpu.memory_space<hbm>> -> memref<2x128xi32, #tpu.memory_space<hbm>>
        %dma_start3A_154 = arith.constant 0 : i32
        %dma_start3A_155 = arith.constant 0 : i32
        %dma_start3A_156 = tpu.memref_slice %arg3[%add3A_150, %dma_start3A_154, %dma_start3A_155] : memref<2560x2x128xi32, #tpu.memory_space<hbm>> -> memref<1x2x128xi32, #tpu.memory_space<hbm>>
        %dma_start3A_157 = tpu.memref_squeeze %dma_start3A_156 : memref<1x2x128xi32, #tpu.memory_space<hbm>> -> memref<2x128xi32, #tpu.memory_space<hbm>>
        tpu.enqueue_dma source(%dma_start3A_157 : memref<2x128xi32, #tpu.memory_space<hbm>>) target(%arg6 : memref<2x128xi32, #tpu.memory_space<vmem>>) target_semaphore(%arg15 : memref<!tpu.dma_semaphore, #tpu.memory_space<semaphore_mem>>)
      } else {
      }
      %add3A_97 = arith.constant 2 : i32
      %add3A_98 = arith.addi %add3A_82, %add3A_97 : i32
      %lt3A_99 = arith.cmpi slt, %add3A_98, %select_n3A : i32
      %convert_element_type3A_100 = arith.extui %lt3A_99 : i1 to i32
      %cond3A_101 = arith.constant 0 : i32
      %cond3A_102 = arith.cmpi ne, %convert_element_type3A_100, %cond3A_101 : i32
      scf.if %cond3A_102 {
        %add3A_148 = arith.addi %select_n3A_21, %add3A_82 : i32
        %add3A_149 = arith.constant 2 : i32
        %add3A_150 = arith.addi %add3A_148, %add3A_149 : i32
        %dma_wait3A_151 = arith.constant 0 : i32
        %dma_wait3A_152 = arith.constant 0 : i32
        %dma_wait3A_153 = tpu.memref_slice %arg3[%add3A_150, %dma_wait3A_151, %dma_wait3A_152] : memref<2560x2x128xi32, #tpu.memory_space<hbm>> -> memref<1x2x128xi32, #tpu.memory_space<hbm>>
        %dma_wait3A_154 = tpu.memref_squeeze %dma_wait3A_153 : memref<1x2x128xi32, #tpu.memory_space<hbm>> -> memref<2x128xi32, #tpu.memory_space<hbm>>
        %dma_wait3A_155 = arith.constant 0 : i32
        %dma_wait3A_156 = arith.constant 0 : i32
        %dma_wait3A_157 = tpu.memref_slice %arg3[%add3A_150, %dma_wait3A_155, %dma_wait3A_156] : memref<2560x2x128xi32, #tpu.memory_space<hbm>> -> memref<1x2x128xi32, #tpu.memory_space<hbm>>
        %dma_wait3A_158 = tpu.memref_squeeze %dma_wait3A_157 : memref<1x2x128xi32, #tpu.memory_space<hbm>> -> memref<2x128xi32, #tpu.memory_space<hbm>>
        tpu.wait_dma2 semaphore(%arg17 : memref<!tpu.dma_semaphore, #tpu.memory_space<semaphore_mem>>) src(%dma_wait3A_158 : memref<2x128xi32, #tpu.memory_space<hbm>>) dst(%arg8 : memref<2x128xi32, #tpu.memory_space<vmem>>)
        %dma_start3A = arith.constant 0 : i32
        %dma_start3A_159 = arith.constant 0 : i32
        %dma_start3A_160 = tpu.memref_slice %arg8[%dma_start3A, %dma_start3A_159] : memref<2x128xi32, #tpu.memory_space<vmem>> -> memref<1x128xi32, #tpu.memory_space<vmem>>
        %dma_start3A_161 = tpu.memref_squeeze %dma_start3A_160 : memref<1x128xi32, #tpu.memory_space<vmem>> -> memref<128xi32, #tpu.memory_space<vmem>>
        %dma_start3A_162 = arith.constant 0 : i32
        %dma_start3A_163 = arith.constant 0 : i32
        %dma_start3A_164 = tpu.memref_slice %arg2[%dma_start3A_162, %dma_start3A_163] : memref<10240x128xf32, #tpu.memory_space<hbm>> -> memref<10240x128xf32, #tpu.memory_space<hbm>>
        tpu.enqueue_indirect_dma source(%dma_start3A_164 : memref<10240x128xf32, #tpu.memory_space<hbm>>) target(%arg10 : memref<128x128xf32, #tpu.memory_space<vmem>>) offsets(%dma_start3A_161 : memref<128xi32, #tpu.memory_space<vmem>>) semaphore(%arg13 : memref<!tpu.dma_semaphore, #tpu.memory_space<semaphore_mem>>)
      } else {
      }
      %add3A_103 = arith.constant 2 : i32
      %add3A_104 = arith.addi %mul3A_61, %add3A_103 : i32
      %dma_wait3A_105 = arith.constant 0 : i32
      %dma_wait3A_106 = arith.constant 0 : i32
      %dma_wait3A_107 = tpu.memref_slice %arg7[%dma_wait3A_105, %dma_wait3A_106] : memref<2x128xi32, #tpu.memory_space<vmem>> -> memref<1x128xi32, #tpu.memory_space<vmem>>
      %dma_wait3A_108 = tpu.memref_squeeze %dma_wait3A_107 : memref<1x128xi32, #tpu.memory_space<vmem>> -> memref<128xi32, #tpu.memory_space<vmem>>
      %dma_wait3A_109 = arith.constant 0 : i32
      %dma_wait3A_110 = arith.constant 0 : i32
      %dma_wait3A_111 = tpu.memref_slice %arg2[%dma_wait3A_109, %dma_wait3A_110] : memref<10240x128xf32, #tpu.memory_space<hbm>> -> memref<10240x128xf32, #tpu.memory_space<hbm>>
      tpu.wait_indirect_dma semaphore(%arg12 : memref<!tpu.dma_semaphore, #tpu.memory_space<semaphore_mem>>) src(%dma_wait3A_111 : memref<10240x128xf32, #tpu.memory_space<hbm>>) dst(%arg9 : memref<128x128xf32, #tpu.memory_space<vmem>>)
      %run_scoped3A_112 = arith.constant 1 : i32
      "tpu.region"() ({
        %run_scoped3A_148 = tpu.sem_alloc : memref<!tpu.dma_semaphore, #tpu.memory_space<semaphore_mem>>
        %dma_start3A = arith.constant 0 : i32
        %dma_start3A_149 = tpu.memref_slice %arg7[%run_scoped3A_112, %dma_start3A] : memref<2x128xi32, #tpu.memory_space<vmem>> -> memref<1x128xi32, #tpu.memory_space<vmem>>
        %dma_start3A_150 = tpu.memref_squeeze %dma_start3A_149 : memref<1x128xi32, #tpu.memory_space<vmem>> -> memref<128xi32, #tpu.memory_space<vmem>>
        %dma_start3A_151 = arith.constant 0 : i32
        %dma_start3A_152 = arith.constant 0 : i32
        %dma_start3A_153 = tpu.memref_slice %arg11[%dma_start3A_151, %dma_start3A_152] : memref<10240x128xf32, #tpu.memory_space<vmem_shared>> -> memref<10240x128xf32, #tpu.memory_space<vmem_shared>>
        tpu.enqueue_indirect_dma source(%arg9 : memref<128x128xf32, #tpu.memory_space<vmem>>) target(%dma_start3A_153 : memref<10240x128xf32, #tpu.memory_space<vmem_shared>>) offsets(%dma_start3A_150 : memref<128xi32, #tpu.memory_space<vmem>>) semaphore(%run_scoped3A_148 : memref<!tpu.dma_semaphore, #tpu.memory_space<semaphore_mem>>) {add = true}
        %dma_wait3A_154 = arith.constant 0 : i32
        %dma_wait3A_155 = tpu.memref_slice %arg7[%run_scoped3A_112, %dma_wait3A_154] : memref<2x128xi32, #tpu.memory_space<vmem>> -> memref<1x128xi32, #tpu.memory_space<vmem>>
        %dma_wait3A_156 = tpu.memref_squeeze %dma_wait3A_155 : memref<1x128xi32, #tpu.memory_space<vmem>> -> memref<128xi32, #tpu.memory_space<vmem>>
        %dma_wait3A_157 = arith.constant 0 : i32
        %dma_wait3A_158 = arith.constant 0 : i32
        %dma_wait3A_159 = tpu.memref_slice %arg11[%dma_wait3A_157, %dma_wait3A_158] : memref<10240x128xf32, #tpu.memory_space<vmem_shared>> -> memref<10240x128xf32, #tpu.memory_space<vmem_shared>>
        tpu.wait_indirect_dma semaphore(%run_scoped3A_148 : memref<!tpu.dma_semaphore, #tpu.memory_space<semaphore_mem>>) src(%arg9 : memref<128x128xf32, #tpu.memory_space<vmem>>) dst(%dma_wait3A_159 : memref<10240x128xf32, #tpu.memory_space<vmem_shared>>)
        tpu.yield
      }) : () -> ()
      %add3A_113 = arith.constant 4 : i32
      %add3A_114 = arith.addi %add3A_104, %add3A_113 : i32
      %lt3A_115 = arith.cmpi slt, %add3A_114, %select_n3A : i32
      %convert_element_type3A_116 = arith.extui %lt3A_115 : i1 to i32
      %cond3A_117 = arith.constant 0 : i32
      %cond3A_118 = arith.cmpi ne, %convert_element_type3A_116, %cond3A_117 : i32
      scf.if %cond3A_118 {
        %add3A_148 = arith.addi %select_n3A_21, %add3A_104 : i32
        %add3A_149 = arith.constant 4 : i32
        %add3A_150 = arith.addi %add3A_148, %add3A_149 : i32
        %dma_start3A = arith.constant 0 : i32
        %dma_start3A_151 = arith.constant 0 : i32
        %dma_start3A_152 = tpu.memref_slice %arg3[%add3A_150, %dma_start3A, %dma_start3A_151] : memref<2560x2x128xi32, #tpu.memory_space<hbm>> -> memref<1x2x128xi32, #tpu.memory_space<hbm>>
        %dma_start3A_153 = tpu.memref_squeeze %dma_start3A_152 : memref<1x2x128xi32, #tpu.memory_space<hbm>> -> memref<2x128xi32, #tpu.memory_space<hbm>>
        %dma_start3A_154 = arith.constant 0 : i32
        %dma_start3A_155 = arith.constant 0 : i32
        %dma_start3A_156 = tpu.memref_slice %arg3[%add3A_150, %dma_start3A_154, %dma_start3A_155] : memref<2560x2x128xi32, #tpu.memory_space<hbm>> -> memref<1x2x128xi32, #tpu.memory_space<hbm>>
        %dma_start3A_157 = tpu.memref_squeeze %dma_start3A_156 : memref<1x2x128xi32, #tpu.memory_space<hbm>> -> memref<2x128xi32, #tpu.memory_space<hbm>>
        tpu.enqueue_dma source(%dma_start3A_157 : memref<2x128xi32, #tpu.memory_space<hbm>>) target(%arg7 : memref<2x128xi32, #tpu.memory_space<vmem>>) target_semaphore(%arg16 : memref<!tpu.dma_semaphore, #tpu.memory_space<semaphore_mem>>)
      } else {
      }
      %add3A_119 = arith.constant 2 : i32
      %add3A_120 = arith.addi %add3A_104, %add3A_119 : i32
      %lt3A_121 = arith.cmpi slt, %add3A_120, %select_n3A : i32
      %convert_element_type3A_122 = arith.extui %lt3A_121 : i1 to i32
      %cond3A_123 = arith.constant 0 : i32
      %cond3A_124 = arith.cmpi ne, %convert_element_type3A_122, %cond3A_123 : i32
      scf.if %cond3A_124 {
        %add3A_148 = arith.addi %select_n3A_21, %add3A_104 : i32
        %add3A_149 = arith.constant 2 : i32
        %add3A_150 = arith.addi %add3A_148, %add3A_149 : i32
        %dma_wait3A_151 = arith.constant 0 : i32
        %dma_wait3A_152 = arith.constant 0 : i32
        %dma_wait3A_153 = tpu.memref_slice %arg3[%add3A_150, %dma_wait3A_151, %dma_wait3A_152] : memref<2560x2x128xi32, #tpu.memory_space<hbm>> -> memref<1x2x128xi32, #tpu.memory_space<hbm>>
        %dma_wait3A_154 = tpu.memref_squeeze %dma_wait3A_153 : memref<1x2x128xi32, #tpu.memory_space<hbm>> -> memref<2x128xi32, #tpu.memory_space<hbm>>
        %dma_wait3A_155 = arith.constant 0 : i32
        %dma_wait3A_156 = arith.constant 0 : i32
        %dma_wait3A_157 = tpu.memref_slice %arg3[%add3A_150, %dma_wait3A_155, %dma_wait3A_156] : memref<2560x2x128xi32, #tpu.memory_space<hbm>> -> memref<1x2x128xi32, #tpu.memory_space<hbm>>
        %dma_wait3A_158 = tpu.memref_squeeze %dma_wait3A_157 : memref<1x2x128xi32, #tpu.memory_space<hbm>> -> memref<2x128xi32, #tpu.memory_space<hbm>>
        tpu.wait_dma2 semaphore(%arg14 : memref<!tpu.dma_semaphore, #tpu.memory_space<semaphore_mem>>) src(%dma_wait3A_158 : memref<2x128xi32, #tpu.memory_space<hbm>>) dst(%arg5 : memref<2x128xi32, #tpu.memory_space<vmem>>)
        %dma_start3A = arith.constant 0 : i32
        %dma_start3A_159 = arith.constant 0 : i32
        %dma_start3A_160 = tpu.memref_slice %arg5[%dma_start3A, %dma_start3A_159] : memref<2x128xi32, #tpu.memory_space<vmem>> -> memref<1x128xi32, #tpu.memory_space<vmem>>
        %dma_start3A_161 = tpu.memref_squeeze %dma_start3A_160 : memref<1x128xi32, #tpu.memory_space<vmem>> -> memref<128xi32, #tpu.memory_space<vmem>>
        %dma_start3A_162 = arith.constant 0 : i32
        %dma_start3A_163 = arith.constant 0 : i32
        %dma_start3A_164 = tpu.memref_slice %arg2[%dma_start3A_162, %dma_start3A_163] : memref<10240x128xf32, #tpu.memory_space<hbm>> -> memref<10240x128xf32, #tpu.memory_space<hbm>>
        tpu.enqueue_indirect_dma source(%dma_start3A_164 : memref<10240x128xf32, #tpu.memory_space<hbm>>) target(%arg9 : memref<128x128xf32, #tpu.memory_space<vmem>>) offsets(%dma_start3A_161 : memref<128xi32, #tpu.memory_space<vmem>>) semaphore(%arg12 : memref<!tpu.dma_semaphore, #tpu.memory_space<semaphore_mem>>)
      } else {
      }
      %add3A_125 = arith.constant 3 : i32
      %add3A_126 = arith.addi %mul3A_61, %add3A_125 : i32
      %dma_wait3A_127 = arith.constant 0 : i32
      %dma_wait3A_128 = arith.constant 0 : i32
      %dma_wait3A_129 = tpu.memref_slice %arg8[%dma_wait3A_127, %dma_wait3A_128] : memref<2x128xi32, #tpu.memory_space<vmem>> -> memref<1x128xi32, #tpu.memory_space<vmem>>
      %dma_wait3A_130 = tpu.memref_squeeze %dma_wait3A_129 : memref<1x128xi32, #tpu.memory_space<vmem>> -> memref<128xi32, #tpu.memory_space<vmem>>
      %dma_wait3A_131 = arith.constant 0 : i32
      %dma_wait3A_132 = arith.constant 0 : i32
      %dma_wait3A_133 = tpu.memref_slice %arg2[%dma_wait3A_131, %dma_wait3A_132] : memref<10240x128xf32, #tpu.memory_space<hbm>> -> memref<10240x128xf32, #tpu.memory_space<hbm>>
      tpu.wait_indirect_dma semaphore(%arg13 : memref<!tpu.dma_semaphore, #tpu.memory_space<semaphore_mem>>) src(%dma_wait3A_133 : memref<10240x128xf32, #tpu.memory_space<hbm>>) dst(%arg10 : memref<128x128xf32, #tpu.memory_space<vmem>>)
      %run_scoped3A_134 = arith.constant 1 : i32
      "tpu.region"() ({
        %run_scoped3A_148 = tpu.sem_alloc : memref<!tpu.dma_semaphore, #tpu.memory_space<semaphore_mem>>
        %dma_start3A = arith.constant 0 : i32
        %dma_start3A_149 = tpu.memref_slice %arg8[%run_scoped3A_134, %dma_start3A] : memref<2x128xi32, #tpu.memory_space<vmem>> -> memref<1x128xi32, #tpu.memory_space<vmem>>
        %dma_start3A_150 = tpu.memref_squeeze %dma_start3A_149 : memref<1x128xi32, #tpu.memory_space<vmem>> -> memref<128xi32, #tpu.memory_space<vmem>>
        %dma_start3A_151 = arith.constant 0 : i32
        %dma_start3A_152 = arith.constant 0 : i32
        %dma_start3A_153 = tpu.memref_slice %arg11[%dma_start3A_151, %dma_start3A_152] : memref<10240x128xf32, #tpu.memory_space<vmem_shared>> -> memref<10240x128xf32, #tpu.memory_space<vmem_shared>>
        tpu.enqueue_indirect_dma source(%arg10 : memref<128x128xf32, #tpu.memory_space<vmem>>) target(%dma_start3A_153 : memref<10240x128xf32, #tpu.memory_space<vmem_shared>>) offsets(%dma_start3A_150 : memref<128xi32, #tpu.memory_space<vmem>>) semaphore(%run_scoped3A_148 : memref<!tpu.dma_semaphore, #tpu.memory_space<semaphore_mem>>) {add = true}
        %dma_wait3A_154 = arith.constant 0 : i32
        %dma_wait3A_155 = tpu.memref_slice %arg8[%run_scoped3A_134, %dma_wait3A_154] : memref<2x128xi32, #tpu.memory_space<vmem>> -> memref<1x128xi32, #tpu.memory_space<vmem>>
        %dma_wait3A_156 = tpu.memref_squeeze %dma_wait3A_155 : memref<1x128xi32, #tpu.memory_space<vmem>> -> memref<128xi32, #tpu.memory_space<vmem>>
        %dma_wait3A_157 = arith.constant 0 : i32
        %dma_wait3A_158 = arith.constant 0 : i32
        %dma_wait3A_159 = tpu.memref_slice %arg11[%dma_wait3A_157, %dma_wait3A_158] : memref<10240x128xf32, #tpu.memory_space<vmem_shared>> -> memref<10240x128xf32, #tpu.memory_space<vmem_shared>>
        tpu.wait_indirect_dma semaphore(%run_scoped3A_148 : memref<!tpu.dma_semaphore, #tpu.memory_space<semaphore_mem>>) src(%arg10 : memref<128x128xf32, #tpu.memory_space<vmem>>) dst(%dma_wait3A_159 : memref<10240x128xf32, #tpu.memory_space<vmem_shared>>)
        tpu.yield
      }) : () -> ()
      %add3A_135 = arith.constant 4 : i32
      %add3A_136 = arith.addi %add3A_126, %add3A_135 : i32
      %lt3A_137 = arith.cmpi slt, %add3A_136, %select_n3A : i32
      %convert_element_type3A_138 = arith.extui %lt3A_137 : i1 to i32
      %cond3A_139 = arith.constant 0 : i32
      %cond3A_140 = arith.cmpi ne, %convert_element_type3A_138, %cond3A_139 : i32
      scf.if %cond3A_140 {
        %add3A_148 = arith.addi %select_n3A_21, %add3A_126 : i32
        %add3A_149 = arith.constant 4 : i32
        %add3A_150 = arith.addi %add3A_148, %add3A_149 : i32
        %dma_start3A = arith.constant 0 : i32
        %dma_start3A_151 = arith.constant 0 : i32
        %dma_start3A_152 = tpu.memref_slice %arg3[%add3A_150, %dma_start3A, %dma_start3A_151] : memref<2560x2x128xi32, #tpu.memory_space<hbm>> -> memref<1x2x128xi32, #tpu.memory_space<hbm>>
        %dma_start3A_153 = tpu.memref_squeeze %dma_start3A_152 : memref<1x2x128xi32, #tpu.memory_space<hbm>> -> memref<2x128xi32, #tpu.memory_space<hbm>>
        %dma_start3A_154 = arith.constant 0 : i32
        %dma_start3A_155 = arith.constant 0 : i32
        %dma_start3A_156 = tpu.memref_slice %arg3[%add3A_150, %dma_start3A_154, %dma_start3A_155] : memref<2560x2x128xi32, #tpu.memory_space<hbm>> -> memref<1x2x128xi32, #tpu.memory_space<hbm>>
        %dma_start3A_157 = tpu.memref_squeeze %dma_start3A_156 : memref<1x2x128xi32, #tpu.memory_space<hbm>> -> memref<2x128xi32, #tpu.memory_space<hbm>>
        tpu.enqueue_dma source(%dma_start3A_157 : memref<2x128xi32, #tpu.memory_space<hbm>>) target(%arg8 : memref<2x128xi32, #tpu.memory_space<vmem>>) target_semaphore(%arg17 : memref<!tpu.dma_semaphore, #tpu.memory_space<semaphore_mem>>)
      } else {
      }
      %add3A_141 = arith.constant 2 : i32
      %add3A_142 = arith.addi %add3A_126, %add3A_141 : i32
      %lt3A_143 = arith.cmpi slt, %add3A_142, %select_n3A : i32
      %convert_element_type3A_144 = arith.extui %lt3A_143 : i1 to i32
      %cond3A_145 = arith.constant 0 : i32
      %cond3A_146 = arith.cmpi ne, %convert_element_type3A_144, %cond3A_145 : i32
      scf.if %cond3A_146 {
        %add3A_148 = arith.addi %select_n3A_21, %add3A_126 : i32
        %add3A_149 = arith.constant 2 : i32
        %add3A_150 = arith.addi %add3A_148, %add3A_149 : i32
        %dma_wait3A_151 = arith.constant 0 : i32
        %dma_wait3A_152 = arith.constant 0 : i32
        %dma_wait3A_153 = tpu.memref_slice %arg3[%add3A_150, %dma_wait3A_151, %dma_wait3A_152] : memref<2560x2x128xi32, #tpu.memory_space<hbm>> -> memref<1x2x128xi32, #tpu.memory_space<hbm>>
        %dma_wait3A_154 = tpu.memref_squeeze %dma_wait3A_153 : memref<1x2x128xi32, #tpu.memory_space<hbm>> -> memref<2x128xi32, #tpu.memory_space<hbm>>
        %dma_wait3A_155 = arith.constant 0 : i32
        %dma_wait3A_156 = arith.constant 0 : i32
        %dma_wait3A_157 = tpu.memref_slice %arg3[%add3A_150, %dma_wait3A_155, %dma_wait3A_156] : memref<2560x2x128xi32, #tpu.memory_space<hbm>> -> memref<1x2x128xi32, #tpu.memory_space<hbm>>
        %dma_wait3A_158 = tpu.memref_squeeze %dma_wait3A_157 : memref<1x2x128xi32, #tpu.memory_space<hbm>> -> memref<2x128xi32, #tpu.memory_space<hbm>>
        tpu.wait_dma2 semaphore(%arg15 : memref<!tpu.dma_semaphore, #tpu.memory_space<semaphore_mem>>) src(%dma_wait3A_158 : memref<2x128xi32, #tpu.memory_space<hbm>>) dst(%arg6 : memref<2x128xi32, #tpu.memory_space<vmem>>)
        %dma_start3A = arith.constant 0 : i32
        %dma_start3A_159 = arith.constant 0 : i32
        %dma_start3A_160 = tpu.memref_slice %arg6[%dma_start3A, %dma_start3A_159] : memref<2x128xi32, #tpu.memory_space<vmem>> -> memref<1x128xi32, #tpu.memory_space<vmem>>
        %dma_start3A_161 = tpu.memref_squeeze %dma_start3A_160 : memref<1x128xi32, #tpu.memory_space<vmem>> -> memref<128xi32, #tpu.memory_space<vmem>>
        %dma_start3A_162 = arith.constant 0 : i32
        %dma_start3A_163 = arith.constant 0 : i32
        %dma_start3A_164 = tpu.memref_slice %arg2[%dma_start3A_162, %dma_start3A_163] : memref<10240x128xf32, #tpu.memory_space<hbm>> -> memref<10240x128xf32, #tpu.memory_space<hbm>>
        tpu.enqueue_indirect_dma source(%dma_start3A_164 : memref<10240x128xf32, #tpu.memory_space<hbm>>) target(%arg10 : memref<128x128xf32, #tpu.memory_space<vmem>>) offsets(%dma_start3A_161 : memref<128xi32, #tpu.memory_space<vmem>>) semaphore(%arg13 : memref<!tpu.dma_semaphore, #tpu.memory_space<semaphore_mem>>)
      } else {
      }
      %while3A_147 = arith.constant 0 : i32
      scf.yield %while3A_147 : i32
    }
    %barrier3A_53 = arith.constant 0 : index
    tpu.barrier barrier_id(%barrier3A_53)
    %mul3A_54 = arith.constant 640 : i32
    %mul3A_55 = arith.muli %arg1, %mul3A_54 : i32
    %mul3A_56 = arith.constant 640 : i32
    %mul3A_57 = arith.muli %arg1, %mul3A_56 : i32
    "tpu.region"() ({
      %run_scoped3A = tpu.sem_alloc : memref<!tpu.dma_semaphore, #tpu.memory_space<semaphore_mem>>
      %dma_start3A = arith.constant 0 : i32
      %dma_start3A_58 = tpu.memref_slice %arg4[%arg0, %mul3A_57, %dma_start3A] : memref<2x10240x128xf32, #tpu.memory_space<hbm>> -> memref<1x640x128xf32, #tpu.memory_space<hbm>>
      %dma_start3A_59 = tpu.memref_squeeze %dma_start3A_58 : memref<1x640x128xf32, #tpu.memory_space<hbm>> -> memref<640x128xf32, #tpu.memory_space<hbm>>
      %dma_start3A_60 = arith.constant 0 : i32
      %dma_start3A_61 = tpu.memref_slice %arg11[%mul3A_55, %dma_start3A_60] : memref<10240x128xf32, #tpu.memory_space<vmem_shared>> -> memref<640x128xf32, #tpu.memory_space<vmem_shared>>
      tpu.enqueue_dma source(%dma_start3A_61 : memref<640x128xf32, #tpu.memory_space<vmem_shared>>) target(%dma_start3A_59 : memref<640x128xf32, #tpu.memory_space<hbm>>) target_semaphore(%run_scoped3A : memref<!tpu.dma_semaphore, #tpu.memory_space<semaphore_mem>>)
      %dma_wait3A = arith.constant 0 : i32
      %dma_wait3A_62 = tpu.memref_slice %arg4[%arg0, %mul3A_57, %dma_wait3A] : memref<2x10240x128xf32, #tpu.memory_space<hbm>> -> memref<1x640x128xf32, #tpu.memory_space<hbm>>
      %dma_wait3A_63 = tpu.memref_squeeze %dma_wait3A_62 : memref<1x640x128xf32, #tpu.memory_space<hbm>> -> memref<640x128xf32, #tpu.memory_space<hbm>>
      %dma_wait3A_64 = arith.constant 0 : i32
      %dma_wait3A_65 = tpu.memref_slice %arg11[%mul3A_55, %dma_wait3A_64] : memref<10240x128xf32, #tpu.memory_space<vmem_shared>> -> memref<640x128xf32, #tpu.memory_space<vmem_shared>>
      tpu.wait_dma2 semaphore(%run_scoped3A : memref<!tpu.dma_semaphore, #tpu.memory_space<semaphore_mem>>) src(%dma_wait3A_65 : memref<640x128xf32, #tpu.memory_space<vmem_shared>>) dst(%dma_wait3A_63 : memref<640x128xf32, #tpu.memory_space<hbm>>)
      tpu.yield
    }) : () -> ()
    return
  }
}

module attributes {stable_mosaic.version = 14 : i64} {
  func.func @body(%arg0: memref<10240x128xf32, #tpu.memory_space<vmem>>, %arg1: memref<128x128xf32, #tpu.memory_space<vmem>>, %arg2: memref<10240x1xf32, #tpu.memory_space<vmem>>, %arg3: memref<10240x128xf32, #tpu.memory_space<vmem>>) attributes {dimension_semantics = [], scalar_prefetch = 0 : i64, scratch_operands = 0 : i64, tpu.core_type = #tpu.core_type<tc>} {
    %get3A = arith.constant 0 : index
    %get3A_0 = arith.constant 0 : index
    %get3A_1 = vector.load %arg2[%get3A, %get3A_0] : memref<10240x1xf32, #tpu.memory_space<vmem>>, vector<10240x1xf32>
    %rsqrt3A = math.rsqrt %get3A_1 : vector<10240x1xf32>
    %get3A_2 = arith.constant 0 : index
    %get3A_3 = arith.constant 0 : index
    %get3A_4 = vector.load %arg0[%get3A_2, %get3A_3] : memref<10240x128xf32, #tpu.memory_space<vmem>>, vector<10240x128xf32>
    %get3A_5 = arith.constant 0 : index
    %get3A_6 = arith.constant 0 : index
    %get3A_7 = vector.load %arg1[%get3A_5, %get3A_6] : memref<128x128xf32, #tpu.memory_space<vmem>>, vector<128x128xf32>
    %dot_general3A = arith.constant dense<0.000000e+00> : vector<10240x128xf32>
    %dot_general3A_8 = tpu.matmul %get3A_4, %get3A_7, %dot_general3A {dimension_numbers = #tpu.dot_dimension_numbers<[1], [0], [0], [1], [0, 0, 1, 1], [], []>, transpose_lhs_hint = false} : vector<10240x128xf32>, vector<128x128xf32>, vector<10240x128xf32> -> vector<10240x128xf32>
    %mul3A = vector.broadcast %rsqrt3A : vector<10240x1xf32> to vector<10240x128xf32>
    %mul3A_9 = arith.mulf %dot_general3A_8, %mul3A : vector<10240x128xf32>
    %swap3A = arith.constant 0 : index
    %swap3A_10 = arith.constant 0 : index
    %swap3A_11 = vector.load %arg3[%swap3A, %swap3A_10] : memref<10240x128xf32, #tpu.memory_space<vmem>>, vector<10240x128xf32>
    tpu.vector_store %arg3[%swap3A, %swap3A_10], %mul3A_9 {strides = array<i32>} : memref<10240x128xf32, #tpu.memory_space<vmem>>, vector<10240x128xf32>,
    return
  }
}

module attributes {stable_mosaic.version = 14 : i64} {
  func.func @body(%arg0: memref<2x10240x128xf32, #tpu.memory_space<vmem>>, %arg1: memref<10240x128xf32, #tpu.memory_space<vmem>>, %arg2: memref<10240x1xf32, #tpu.memory_space<vmem>>, %arg3: memref<1x128xf32, #tpu.memory_space<vmem>>, %arg4: memref<128x128xf32, #tpu.memory_space<vmem>>, %arg5: memref<10240x128xf32, #tpu.memory_space<vmem>>) attributes {dimension_semantics = [], scalar_prefetch = 0 : i64, scratch_operands = 0 : i64, tpu.core_type = #tpu.core_type<tc>} {
    %get3A = arith.constant 0 : index
    %get3A_0 = arith.constant 0 : index
    %get3A_1 = vector.load %arg2[%get3A, %get3A_0] : memref<10240x1xf32, #tpu.memory_space<vmem>>, vector<10240x1xf32>
    %rsqrt3A = math.rsqrt %get3A_1 : vector<10240x1xf32>
    %get3A_2 = arith.constant 0 : index
    %get3A_3 = arith.constant 0 : index
    %get3A_4 = arith.constant 0 : index
    %get3A_5 = vector.load %arg0[%get3A_2, %get3A_3, %get3A_4] : memref<2x10240x128xf32, #tpu.memory_space<vmem>>, vector<1x10240x128xf32>
    %get3A_6 = vector.shape_cast %get3A_5 : vector<1x10240x128xf32> to vector<10240x128xf32>
    %get3A_7 = arith.constant 1 : index
    %get3A_8 = arith.constant 0 : index
    %get3A_9 = arith.constant 0 : index
    %get3A_10 = vector.load %arg0[%get3A_7, %get3A_8, %get3A_9] : memref<2x10240x128xf32, #tpu.memory_space<vmem>>, vector<1x10240x128xf32>
    %get3A_11 = vector.shape_cast %get3A_10 : vector<1x10240x128xf32> to vector<10240x128xf32>
    %add3A = arith.addf %get3A_6, %get3A_11 : vector<10240x128xf32>
    %get3A_12 = arith.constant 0 : index
    %get3A_13 = arith.constant 0 : index
    %get3A_14 = vector.load %arg1[%get3A_12, %get3A_13] : memref<10240x128xf32, #tpu.memory_space<vmem>>, vector<10240x128xf32>
    %add3A_15 = arith.addf %add3A, %get3A_14 : vector<10240x128xf32>
    %mul3A = vector.broadcast %rsqrt3A : vector<10240x1xf32> to vector<10240x128xf32>
    %mul3A_16 = arith.mulf %add3A_15, %mul3A : vector<10240x128xf32>
    %get3A_17 = arith.constant 0 : index
    %get3A_18 = arith.constant 0 : index
    %get3A_19 = vector.load %arg3[%get3A_17, %get3A_18] : memref<1x128xf32, #tpu.memory_space<vmem>>, vector<1x128xf32>
    %add3A_20 = vector.broadcast %get3A_19 : vector<1x128xf32> to vector<10240x128xf32>
    %add3A_21 = arith.addf %mul3A_16, %add3A_20 : vector<10240x128xf32>
    %max3A = arith.constant 0.000000e+00 : f32
    %max3A_22 = vector.broadcast %max3A : f32 to vector<10240x128xf32>
    %max3A_23 = arith.maximumf %add3A_21, %max3A_22 : vector<10240x128xf32>
    %iota3A = tpu.iota {dimensions = array<i32: 0>} : vector<10240x1xi32>
    %lt3A = arith.constant 10000 : i32
    %lt3A_24 = vector.broadcast %lt3A : i32 to vector<10240x1xi32>
    %lt3A_25 = arith.cmpi slt, %iota3A, %lt3A_24 : vector<10240x1xi32>
    %jit3A = arith.constant 0.000000e+00 : f32
    %broadcast_in_dim3A = vector.shape_cast %lt3A_25 : vector<10240x1xi1> to vector<10240x1xi1>
    %broadcast_in_dim3A_26 = vector.broadcast %broadcast_in_dim3A : vector<10240x1xi1> to vector<10240x128xi1>
    %broadcast_in_dim3A_27 = vector.broadcast %jit3A : f32 to vector<10240x128xf32>
    %select_n3A = arith.select %broadcast_in_dim3A_26, %max3A_23, %broadcast_in_dim3A_27 : vector<10240x128xi1>, vector<10240x128xf32>
    %get3A_28 = arith.constant 0 : index
    %get3A_29 = arith.constant 0 : index
    %get3A_30 = vector.load %arg4[%get3A_28, %get3A_29] : memref<128x128xf32, #tpu.memory_space<vmem>>, vector<128x128xf32>
    %dot_general3A = arith.constant dense<0.000000e+00> : vector<10240x128xf32>
    %dot_general3A_31 = tpu.matmul %select_n3A, %get3A_30, %dot_general3A {dimension_numbers = #tpu.dot_dimension_numbers<[1], [0], [0], [1], [0, 0, 1, 1], [], []>, transpose_lhs_hint = false} : vector<10240x128xf32>, vector<128x128xf32>, vector<10240x128xf32> -> vector<10240x128xf32>
    %mul3A_32 = vector.broadcast %rsqrt3A : vector<10240x1xf32> to vector<10240x128xf32>
    %mul3A_33 = arith.mulf %dot_general3A_31, %mul3A_32 : vector<10240x128xf32>
    %swap3A = arith.constant 0 : index
    %swap3A_34 = arith.constant 0 : index
    %swap3A_35 = vector.load %arg5[%swap3A, %swap3A_34] : memref<10240x128xf32, #tpu.memory_space<vmem>>, vector<10240x128xf32>
    tpu.vector_store %arg5[%swap3A, %swap3A_34], %mul3A_33 {strides = array<i32>} : memref<10240x128xf32, #tpu.memory_space<vmem>>, vector<10240x128xf32>,
    return
  }
}

module attributes {stable_mosaic.version = 14 : i64} {
  func.func @body(%arg0: memref<2x10240x128xf32, #tpu.memory_space<vmem>>, %arg1: memref<10240x128xf32, #tpu.memory_space<vmem>>, %arg2: memref<10240x1xf32, #tpu.memory_space<vmem>>, %arg3: memref<1x128xf32, #tpu.memory_space<vmem>>, %arg4: memref<1x10240xi32, #tpu.memory_space<vmem>>, %arg5: memref<128x2xf32, #tpu.memory_space<vmem>>, %arg6: memref<1x2xf32, #tpu.memory_space<vmem>>, %arg7: memref<64x2xf32, #tpu.memory_space<vmem>>) attributes {dimension_semantics = [], scalar_prefetch = 0 : i64, scratch_operands = 0 : i64, tpu.core_type = #tpu.core_type<tc>} {
    %get3A = arith.constant 0 : index
    %get3A_0 = arith.constant 0 : index
    %get3A_1 = vector.load %arg2[%get3A, %get3A_0] : memref<10240x1xf32, #tpu.memory_space<vmem>>, vector<10240x1xf32>
    %rsqrt3A = math.rsqrt %get3A_1 : vector<10240x1xf32>
    %get3A_2 = arith.constant 0 : index
    %get3A_3 = arith.constant 0 : index
    %get3A_4 = arith.constant 0 : index
    %get3A_5 = vector.load %arg0[%get3A_2, %get3A_3, %get3A_4] : memref<2x10240x128xf32, #tpu.memory_space<vmem>>, vector<1x10240x128xf32>
    %get3A_6 = vector.shape_cast %get3A_5 : vector<1x10240x128xf32> to vector<10240x128xf32>
    %get3A_7 = arith.constant 1 : index
    %get3A_8 = arith.constant 0 : index
    %get3A_9 = arith.constant 0 : index
    %get3A_10 = vector.load %arg0[%get3A_7, %get3A_8, %get3A_9] : memref<2x10240x128xf32, #tpu.memory_space<vmem>>, vector<1x10240x128xf32>
    %get3A_11 = vector.shape_cast %get3A_10 : vector<1x10240x128xf32> to vector<10240x128xf32>
    %add3A = arith.addf %get3A_6, %get3A_11 : vector<10240x128xf32>
    %get3A_12 = arith.constant 0 : index
    %get3A_13 = arith.constant 0 : index
    %get3A_14 = vector.load %arg1[%get3A_12, %get3A_13] : memref<10240x128xf32, #tpu.memory_space<vmem>>, vector<10240x128xf32>
    %add3A_15 = arith.addf %add3A, %get3A_14 : vector<10240x128xf32>
    %mul3A = vector.broadcast %rsqrt3A : vector<10240x1xf32> to vector<10240x128xf32>
    %mul3A_16 = arith.mulf %add3A_15, %mul3A : vector<10240x128xf32>
    %get3A_17 = arith.constant 0 : index
    %get3A_18 = arith.constant 0 : index
    %get3A_19 = vector.load %arg3[%get3A_17, %get3A_18] : memref<1x128xf32, #tpu.memory_space<vmem>>, vector<1x128xf32>
    %add3A_20 = vector.broadcast %get3A_19 : vector<1x128xf32> to vector<10240x128xf32>
    %add3A_21 = arith.addf %mul3A_16, %add3A_20 : vector<10240x128xf32>
    %max3A = arith.constant 0.000000e+00 : f32
    %max3A_22 = vector.broadcast %max3A : f32 to vector<10240x128xf32>
    %max3A_23 = arith.maximumf %add3A_21, %max3A_22 : vector<10240x128xf32>
    %iota3A = tpu.iota {dimensions = array<i32: 0>} : vector<10240x1xi32>
    %lt3A = arith.constant 10000 : i32
    %lt3A_24 = vector.broadcast %lt3A : i32 to vector<10240x1xi32>
    %lt3A_25 = arith.cmpi slt, %iota3A, %lt3A_24 : vector<10240x1xi32>
    %jit3A = arith.constant 0.000000e+00 : f32
    %broadcast_in_dim3A = vector.shape_cast %lt3A_25 : vector<10240x1xi1> to vector<10240x1xi1>
    %broadcast_in_dim3A_26 = vector.broadcast %broadcast_in_dim3A : vector<10240x1xi1> to vector<10240x128xi1>
    %broadcast_in_dim3A_27 = vector.broadcast %jit3A : f32 to vector<10240x128xf32>
    %select_n3A = arith.select %broadcast_in_dim3A_26, %max3A_23, %broadcast_in_dim3A_27 : vector<10240x128xi1>, vector<10240x128xf32>
    %iota3A_28 = tpu.iota {dimensions = array<i32: 0>} : vector<64x10240xi32>
    %get3A_29 = arith.constant 0 : index
    %get3A_30 = arith.constant 0 : index
    %get3A_31 = vector.load %arg4[%get3A_29, %get3A_30] : memref<1x10240xi32, #tpu.memory_space<vmem>>, vector<1x10240xi32>
    %eq3A = vector.broadcast %get3A_31 : vector<1x10240xi32> to vector<64x10240xi32>
    %eq3A_32 = arith.cmpi eq, %eq3A, %iota3A_28 : vector<64x10240xi32>
    %convert_element_type3A = arith.extui %eq3A_32 : vector<64x10240xi1> to vector<64x10240xi32>
    %convert_element_type3A_33 = arith.sitofp %convert_element_type3A : vector<64x10240xi32> to vector<64x10240xf32>
    %dot_general3A = arith.constant dense<0.000000e+00> : vector<64x128xf32>
    %dot_general3A_34 = tpu.matmul %convert_element_type3A_33, %select_n3A, %dot_general3A {dimension_numbers = #tpu.dot_dimension_numbers<[1], [0], [0], [1], [0, 0, 1, 1], [], []>, transpose_lhs_hint = false} : vector<64x10240xf32>, vector<10240x128xf32>, vector<64x128xf32> -> vector<64x128xf32>
    %reduce_sum3A = arith.constant dense<0.000000e+00> : vector<64xf32>
    %reduce_sum3A_35 = vector.multi_reduction <add>, %convert_element_type3A_33, %reduce_sum3A [1] : vector<64x10240xf32> to vector<64xf32>
    %broadcast_in_dim3A_36 = vector.shape_cast %reduce_sum3A_35 : vector<64xf32> to vector<64x1xf32>
    %max3A_37 = arith.constant 1.000000e+00 : f32
    %max3A_38 = vector.broadcast %max3A_37 : f32 to vector<64x1xf32>
    %max3A_39 = arith.maximumf %broadcast_in_dim3A_36, %max3A_38 : vector<64x1xf32>
    %div3A = vector.broadcast %max3A_39 : vector<64x1xf32> to vector<64x128xf32>
    %div3A_40 = arith.divf %dot_general3A_34, %div3A : vector<64x128xf32>
    %get3A_41 = arith.constant 0 : index
    %get3A_42 = arith.constant 0 : index
    %get3A_43 = vector.load %arg5[%get3A_41, %get3A_42] : memref<128x2xf32, #tpu.memory_space<vmem>>, vector<128x2xf32>
    %dot_general3A_44 = arith.constant dense<0.000000e+00> : vector<64x2xf32>
    %dot_general3A_45 = tpu.matmul %div3A_40, %get3A_43, %dot_general3A_44 {dimension_numbers = #tpu.dot_dimension_numbers<[1], [0], [0], [1], [0, 0, 1, 1], [], []>, transpose_lhs_hint = false} : vector<64x128xf32>, vector<128x2xf32>, vector<64x2xf32> -> vector<64x2xf32>
    %get3A_46 = arith.constant 0 : index
    %get3A_47 = arith.constant 0 : index
    %get3A_48 = vector.load %arg6[%get3A_46, %get3A_47] : memref<1x2xf32, #tpu.memory_space<vmem>>, vector<1x2xf32>
    %add3A_49 = vector.broadcast %get3A_48 : vector<1x2xf32> to vector<64x2xf32>
    %add3A_50 = arith.addf %dot_general3A_45, %add3A_49 : vector<64x2xf32>
    %reduce_max3A = arith.constant dense<0xFF800000> : vector<64xf32>
    %reduce_max3A_51 = vector.multi_reduction <maximumf>, %add3A_50, %reduce_max3A [1] : vector<64x2xf32> to vector<64xf32>
    %broadcast_in_dim3A_52 = vector.shape_cast %reduce_max3A_51 : vector<64xf32> to vector<64x1xf32>
    %sub3A = vector.broadcast %broadcast_in_dim3A_52 : vector<64x1xf32> to vector<64x2xf32>
    %sub3A_53 = arith.subf %add3A_50, %sub3A : vector<64x2xf32>
    %exp3A = math.exp %sub3A_53 : vector<64x2xf32>
    %reduce_sum3A_54 = arith.constant dense<0.000000e+00> : vector<64xf32>
    %reduce_sum3A_55 = vector.multi_reduction <add>, %exp3A, %reduce_sum3A_54 [1] : vector<64x2xf32> to vector<64xf32>
    %broadcast_in_dim3A_56 = vector.shape_cast %reduce_sum3A_55 : vector<64xf32> to vector<64x1xf32>
    %log3A = math.log %broadcast_in_dim3A_56 : vector<64x1xf32>
    %sub3A_57 = vector.broadcast %log3A : vector<64x1xf32> to vector<64x2xf32>
    %sub3A_58 = arith.subf %sub3A_53, %sub3A_57 : vector<64x2xf32>
    %swap3A = arith.constant 0 : index
    %swap3A_59 = arith.constant 0 : index
    %swap3A_60 = vector.load %arg7[%swap3A, %swap3A_59] : memref<64x2xf32, #tpu.memory_space<vmem>>, vector<64x2xf32>
    tpu.vector_store %arg7[%swap3A, %swap3A_59], %sub3A_58 {strides = array<i32>} : memref<64x2xf32, #tpu.memory_space<vmem>>, vector<64x2xf32>,
    return
  }
}

</mosaic_0001>

<sc_bundles>
// kernel: kernel.11.cloned.1.call-start
scs
__scs_entry_jumppad:
0x0: {  	(pc) =	sbr.rel $0x88, $3  }
0x1: {  	(tag) =	ssettag $0x0;
	lr =	simm.s32 $0x1  }
0x2: {  	[smem:$0x3F98] =	sst lr;
	_ =	strace $0xD0000000  }
0x3: {  	_ = 	snop  }
0x4: {  	_ = 	snop  }
0x5: {  	_ = 	snop  }
0x6: {  	_ = 	snop  }
0x7: {  	_ = 	snop  }
__scs_overlays_trampoline_lowered:
0x8: {  	[smem:$0x3FA7] =	sst s0  }
0x9: {  	[smem:$0x3FA8] =	sst s1  }
0xa: {  	[smem:$0x3FA9] =	sst s2  }
0xb: {  	[smem:$0x3FAA] =	sst s3  }
0xc: {  	[smem:$0x3FAB] =	sst s4  }
0xd: {  	[smem:$0x3FAC] =	sst s5  }
0xe: {  	[smem:$0x3FAD] =	sst s6  }
0xf: {  	[smem:$0x3FAE] =	sst s7  }
0x10: {  	[smem:$0x3FAF] =	sst s8  }
0x11: {  	[smem:$0x3FB0] =	sst s9;
	s0 =	simm.s32 @!p0 $0x0  }
0x12: {  	s1 =	sld [smem:$0x3F96];
	s0 =	simm.s32 @p0 $0x1  }
0x13: {  	[smem:$0x3FB1] =	sst s0;
	s0 =	simm.s32 @!p1 $0x0  }
0x14: {  	s2 =	sld [smem:$0x3F95];
	s0 =	simm.s32 @p1 $0x1  }
0x15: {  	[smem:$0x3FB2] =	sst s0;
	s0 =	simm.s32 @!p2 $0x0  }
0x16: {  	s3 =	sld [smem:$0x3FDB];
	s0 =	simm.s32 @p2 $0x1  }
0x17: {  	s4 =	simm.s32 $0x1BF5;
	[smem:$0x3FB4] =	sst s0  }
0x18: {  	s0 =	sld [smem:$0x3F97];
	_ =	swait.ge [sflag:s4], $0x0  }
0x19: {  	s7 =	sld [smem:$0x3F98]  }
0x1a: {  	s8 =	sadd.s32 $0xFFFFE003, lr  }
0x1b: {  	s9 =	sadd.s32 $0xFFFFFEF7, lr;
	s5 =	simm.s32 $0xFFFFFFFF;
	p2 =	slt.u32 s8, $0xFFFFF086  }
0x1c: {  	p1 =	slt.u32 s9, $0xF7A;
	s5 =	simm.s32 @!p2 $0x0  }
0x1d: {  	s5 =	simm.s32 @p1 $0x1;
	p0 =	seq.s32 s7, s2  }
0x1e: {  	s7 =	smul.u32 @!p0 $0xF7A, s2;
	p2 =	seq.s32 @!p0 s5, $0x0  }
0x1f: {  	s9 =	smul.u32 $0xF7A, s1;
	s8 =	simm.s32 @!p0 $0x1BF5;
	p2 =	por !p2, p0  }
0x20: {  	[sflag:s8] =	ssyncset.s32 @!p0 $0xFFFFF086;
	s6 =	sadd.s32 @!p0 s3, s7;
	s7 =	simm.s32 @!p0 $0x108  }
0x21: {  	s3 =	sadd.s32 s3, s9;
	s6 =	sadd.s32 @!p0 $0x88, s6;
	s7 =	simm.s32 @p2 $0x1082  }
0x22: {  	[simem:s7], [sflag:s8] =	dma.local @!p0 [hbm:s6], $0xF7A  }
0x23: {  	s9 =	sor.u32 $0xD0000000, s2;
	s6 =	simm.s32 $0x108;
	_ =	swait.ge @!p0 [sflag:s8], $0x0  }
0x24: {  	s3 =	sadd.s32 $0x88, s3;
	s6 =	simm.s32 @!p1 $0x1082;
	[sflag:s4] =	ssyncset.s32 $0xFFFFF086  }
0x25: {  	[simem:s6], [sflag:s4] =	dma.local [hbm:s3], $0xF7A  }
0x26: {  	[smem:$0x3F98] =	sst s1;
	(tag) =	ssettag s2;
	_ =	strace s9  }
0x27: {  	s1 =	sld [smem:$0x3FA8]  }
0x28: {  	s2 =	sld [smem:$0x3FA9]  }
0x29: {  	s4 =	sld [smem:$0x3FAB]  }
0x2a: {  	p0 =	seq.s32 s5, $0x0;
	s5 =	sld [smem:$0x3FAC]  }
0x2b: {  	s6 =	sld [smem:$0x3FAD]  }
0x2c: {  	s7 =	sld [smem:$0x3FAE]  }
0x2d: {  	s3 =	simm.s32 $0x108;
	s8 =	sld [smem:$0x3FAF]  }
0x2e: {  	s3 =	simm.s32 @!p0 $0x1082;
	s9 =	sld [smem:$0x3FB0]  }
0x2f: {  	lr =	sadd.s32 s0, s3;
	s0 =	sld [smem:$0x3FA7]  }
0x30: {  	s3 =	sld [smem:$0x3FAA]  }
0x31: {  	[smem:$0x3FB3] =	sst s10  }
0x32: {  	s10 =	sld [smem:$0x3FB1];
	_ =	sdelay $0x3  }
0x33: {  	p0 =	seq.s32 s10, $0x1;
	s10 =	sld [smem:$0x3FB3];
	_ =	sdelay $0x3  }
0x34: {  	[smem:$0x3FB3] =	sst s10  }
0x35: {  	s10 =	sld [smem:$0x3FB2];
	_ =	sdelay $0x3  }
0x36: {  	p1 =	seq.s32 s10, $0x1;
	s10 =	sld [smem:$0x3FB3];
	_ =	sdelay $0x3  }
0x37: {  	[smem:$0x3FB3] =	sst s10  }
0x38: {  	s10 =	sld [smem:$0x3FB4]  }
0x39: {  	_ = 	snop;
	(pc) =	sbr.ind lr, $3  }
0x3a: {  	_ = 	snop  }
0x3b: {  	_ = 	snop  }
0x3c: {  	p2 =	seq.s32 s10, $0x1;
	s10 =	sld [smem:$0x3FB3]  }
0x3d: {  	_ =	shalt  }
0x3e: {  	_ =	shalt  }
0x3f: {  	_ =	shalt  }
0x40: {  	_ =	shalt  }
0x41: {  	_ =	shalt  }
0x42: {  	_ =	shalt  }
0x43: {  	_ =	shalt  }
0x44: {  	_ =	shalt  }
0x45: {  	_ =	shalt  }
0x46: {  	_ =	shalt  }
0x47: {  	_ =	shalt  }
0x48: {  	_ =	shalt  }
0x49: {  	_ =	shalt  }
0x4a: {  	_ =	shalt  }
0x4b: {  	_ =	shalt  }
0x4c: {  	_ =	shalt  }
0x4d: {  	_ =	shalt  }
0x4e: {  	_ =	shalt  }
0x4f: {  	_ =	shalt  }
0x50: {  	_ =	shalt  }
0x51: {  	_ =	shalt  }
0x52: {  	_ =	shalt  }
0x53: {  	_ =	shalt  }
0x54: {  	_ =	shalt  }
0x55: {  	_ =	shalt  }
0x56: {  	_ =	shalt  }
0x57: {  	_ =	shalt  }
0x58: {  	_ =	shalt  }
0x59: {  	_ =	shalt  }
0x5a: {  	_ =	shalt  }
0x5b: {  	_ =	shalt  }
0x5c: {  	_ =	shalt  }
0x5d: {  	_ =	shalt  }
0x5e: {  	_ =	shalt  }
0x5f: {  	_ =	shalt  }
0x60: {  	_ =	shalt  }
0x61: {  	_ =	shalt  }
0x62: {  	_ =	shalt  }
0x63: {  	_ =	shalt  }
0x64: {  	_ =	shalt  }
0x65: {  	_ =	shalt  }
0x66: {  	_ =	shalt  }
0x67: {  	_ =	shalt  }
0x68: {  	_ =	shalt  }
0x69: {  	_ =	shalt  }
0x6a: {  	_ =	shalt  }
0x6b: {  	_ =	shalt  }
0x6c: {  	_ =	shalt  }
0x6d: {  	_ =	shalt  }
0x6e: {  	_ =	shalt  }
0x6f: {  	_ =	shalt  }
0x70: {  	_ =	shalt  }
0x71: {  	_ =	shalt  }
0x72: {  	_ =	shalt  }
0x73: {  	_ =	shalt  }
0x74: {  	_ =	shalt  }
0x75: {  	_ =	shalt  }
0x76: {  	_ =	shalt  }
0x77: {  	_ =	shalt  }
0x78: {  	_ =	shalt  }
0x79: {  	_ =	shalt  }
0x7a: {  	_ =	shalt  }
0x7b: {  	_ =	shalt  }
0x7c: {  	_ =	shalt  }
0x7d: {  	_ =	shalt  }
0x7e: {  	_ =	shalt  }
0x7f: {  	_ =	shalt  }
0x80: {  	_ =	shalt  }
0x81: {  	_ =	shalt  }
0x82: {  	_ =	shalt  }
0x83: {  	_ =	shalt  }
0x84: {  	_ =	shalt  }
0x85: {  	_ =	shalt  }
0x86: {  	_ =	shalt  }
0x87: {  	_ =	shalt  }
.Lfunc_end0:
.L_simem_size_0:
called_computation.1_lowered:
.L_overlay_start_0:
0x88: {  	s2 =	sld [smem:$0x3FD9]  }
0x89: {  	s3 =	sld [smem:$0x3FFE];
	_ =	sdelay $0x1  }
0x8a: {  	s1 =	srdreg.scid  }
0x8b: {  	s0 =	sand.u32 $0x1, s1  }
0x8c: {  	s16 =	sshll.u32 s0, $0xA;
	s2 =	sadd.s32 s3, s2  }
0x8d: {  	s2 =	sadd.s32 s2, s16  }
0x8e: {  	[smem:$0x3FBF] =	sst s2  }
0x8f: {  	_ = 	snop  }
0x90: {  	(tm) =	ssettm $0x1  }
0x91: {  	s17 =	sld [smem:$0x3FFB];
	_ =	sdelay $0x3  }
0x92: {  	_ =	strace s17  }
0x93: {  	s2 =	sld [smem:$0x3FFC];
	_ =	sdelay $0x3  }
0x94: {  	_ =	strace s2  }
0x95: {  	s2 =	sld [smem:$0x3FFD];
	_ =	sdelay $0x3  }
0x96: {  	_ =	strace s2  }
0x97: {  	_ =	strace $0x8FFFFFFF  }
0x98: {  	s18 =	sld [smem:$0x3FDB];
	_ =	sdelay $0x1  }
0x99: {  	s19 =	simm.s32 $_scs_section_size  }
0x9a: {  	s4 =	simm.s32 $_size__tile_overlayer_lowered;
	s5 =	simm.s32 $_tile_overlayer_lowered  }
0x9b: {  	s22 =	simm.s32 $0x1BFF;
	s21 =	sshll.u32 s5, $0x1;
	s2 =	sadd.s32 s19, s18  }
0x9c: {  	s6 =	simm.s32 $0x0;
	s20 =	sshll.u32 s4, $0x1;
	s4 =	sadd.s32 s21, s2  }
0x9d: {  	[timem:s6], [sflag:s22] =	dma.local [hbm:s4], s20  }
0x9e: {  	_ =	swait.ge [sflag:s22], s20  }
0x9f: {  	s3 =	ssub.s32 $0x0, s20;
	[sflag:s22] =	ssyncset.done $0x0  }
0xa0: {  	[sflag:s22] =	ssyncadd.s32 s3;
	_ =	sdelay $0x1  }
0xa1: {  	s23 =	simm.s32 $0x1B8B  }
0xa2: {  	_ =	swait.ge [sflag:s23], $0x1  }
0xa3: {  	[sflag:s23] =	ssyncset.done $0x0  }
0xa4: {  	s25 =	simm.s32 $0x1B8E;
	s24 =	sld [smem:$0x3FFE];
	[sflag:s23] =	ssyncadd.s32 $0xFFFFFFFF  }
0xa5: {  	s26 =	simm.s32 $execute0_lowered;
	[smem:$0x3FD2] =	sst s25  }
0xa6: {  	s4 =	sshll.u32 s26, $0x1;
	_ =	strace $0x80000049;
	[dreg:$0x1] =	wrdreg $0xFFFFFFFF  }
0xa7: {  	s28 =	simm.s32 $_size_execute0_lowered;
	s2 =	sadd.s32 s2, s4;
	[dreg:$0x0] =	wrdreg $0x0  }
0xa8: {  	s4 =	sshll.u32 s28, $0x1;
	[dreg:$0x2] =	wrdreg s2  }
0xa9: {  	[dreg:$0x3] =	wrdreg s4  }
0xaa: {  	[dreg:$0x4] =	wrdreg $0xC0  }
0xab: {  	_ =	task [dreg:s6], $0x5FFFF  }
0xac: {  	[dreg:$0x1] =	wrdreg $0xFFFFFFFF  }
0xad: {  	[dreg:$0x0] =	wrdreg $0x60  }
0xae: {  	[dreg:$0x2] =	wrdreg s24  }
0xaf: {  	[dreg:$0x3] =	wrdreg $0x84000  }
0xb0: {  	[dreg:$0x4] =	wrdreg $0x9  }
0xb1: {  	_ =	task.clear_ibuf [dreg:s6], $0x5FFFF;
	_ =	strace $0x90000049  }
0xb2: {  	s29 =	simm.s32 $0x9;
	_ =	strace $0x8000004B  }
0xb3: {  	_ =	swait.ge [sflag:s29], $0x1  }
0xb4: {  	[sflag:s29] =	ssyncadd.s32 $0xFFFFFFFF  }
0xb5: {  	_ =	strace $0x9000004B  }
0xb6: {  	_ =	sfence  }
0xb7: {  	s30 =	sld [smem:$0x0];
	_ =	sdelay $0x2  }
0xb8: {  	s31 =	sshll.u32 s1, $0xD;
	s1 =	sshrl.u32 s1, $0x2  }
0xb9: {  	s3 =	sand.u32 $0x4000, s31;
	s1 =	sadd.s32 s1, s30  }
0xba: {  	s0 =	sor.u32 s3, s0;
	s1 =	sshll.u32 s1, $0x11  }
0xbb: {  	s0 =	sor.u32 s1, s0  }
0xbc: {  	s0 =	sadd.s32 $0x8F2B, s0  }
0xbd: {  	[sflag:s0] =	ssyncadd.remote.s32 $0x1  }
0xbe: {  	_ =	sfence.sel $0xFFFF  }
0xbf: {  	[dreg:$0x0] =	wrdreg $0xFFFFFFFF;
	(pc) =	sbr.abs _section_cstart, $3  }
0xc0: {  	[dreg:$0x1] =	wrdreg $0xFFFFFFFF  }
0xc1: {  	_ =	task.clear_ibuf [dreg:s6], $0x2FFFF;
	_ =	strace $0x9FFFFFFF  }
0xc2: {  	(tm) =	ssettm $0x7FFFFFFF  }
0xc3: {  	_ =	shalt  }
tec
execute0_lowered:
.L_overlay_start_1:
0x0: {  	(tag) =	ssettag $0x1  }
0x1: {  	s5 =	rddreg [dreg:$0x0]  }
0x2: {  	s2 =	rddreg [dreg:$0x1]  }
0x3: {  	s4 =	srdreg.scid;
	s0 =	stileid.u32  }
0x4: {  	s3 =	simm.s32 $0x0;
	s18 =	simm.s32 $0x7;
	s19 =	simm.s32 $0x100  }
0x5: {  	s20 =	simm.s32 $0x200;
	s21 =	simm.s32 $0x300;
	s7 =	smul.u32 $0x98, s0  }
0x6: {  	s23 =	simm.s32 $0x180;
	s22 =	simm.s32 $0x80;
	s10 =	smul.u32 $0x14000, s0  }
0x7: {  	s6 =	sand.u32 $0x1, s4;
	[smem:$0x7FF] =	sst s3;
	s25 =	smul.u32 $0x50000, s0  }
0x8: {  	s24 =	sshll.u32 s0, $0x3;
	s4 =	sadd.s32 $0x16400, s5;
	s8 =	smul.u32 $0x140000, s6  }
0x9: {  	p0 =	seq.s32 s6, $0x0;
	s9 =	sor.u32 $0x980, s24;
	_ =	strace $0x8000004A  }
0xa: {  	s6 =	ssub.s32 $0x2, s6;
	[dreg:$0x8] =	wrdreg s23;
	s24 =	simm.s32 $0x280  }
0xb: {  	s23 =	simm.s32 $0x4400;
	s9 =	smov.u32 @p0 s7;
	s29 =	sshrl.u32 s6, $0x1  }
0xc: {  	s30 =	sshrl.u32 s25, $0x2;
	[dreg:$0x9] =	wrdreg s24;
	s25 =	simm.s32 $0x380  }
0xd: {  	s24 =	simm.s32 $0x1;
	s7 =	sshll.u32 s9, $0x5;
	s8 =	sadd.s32 s10, s8  }
0xe: {  	s12 =	ssub.s32 s6, s29;
	s6 =	simm.s32 $0x98;
	[dreg:$0xa] =	wrdreg s25  }
0xf: {  	s25 =	simm.s32 $0x2;
	s26 =	sadd.s32 s7, s5;
	s28 =	sshrl.u32 s8, $0x3  }
0x10: {  	s6 =	simm.s32 @!p0 $0x8;
	s12 =	smax.u32 s12, $0x1;
	s11 =	sadd.s32 s28, s5  }
0x11: {  	s5 =	sadd.s32 s30, s2;
	s7 =	sadd.s32 $0x2400, s26;
	s8 =	sadd.s32 $0x2420, s26  }
0x12: {  	s9 =	sadd.s32 $0x2440, s26;
	s10 =	sadd.s32 $0x2460, s26;
	s13 =	sadd.s32 $0xFFFFFFFC, s6  }
0x13: {  	s31 =	sadd.s32 $0xFFFFFFFB, s6;
	s14 =	sadd.s32 $0xFFFFFFFA, s6;
	[dreg:$0x3] =	wrdreg s13  }
0x14: {  	s15 =	sadd.s32 $0xFFFFFFF9, s6;
	s17 =	sshll.u32 s6, $0x5;
	[dreg:$0x4] =	wrdreg s31  }
0x15: {  	s11 =	sadd.s32 $0x3E400, s11;
	s13 =	sadd.s32 $0x4000, s5;
	[dreg:$0x5] =	wrdreg s14  }
0x16: {  	s14 =	sadd.s32 $0x8000, s5;
	[dreg:$0x6] =	wrdreg s15;
	s15 =	sadd.s32 $0xC000, s5  }
0x17: {  	v0 =	vimm.f32 $0.0e+00;
	s16 =	sadd.s32 $0x10000, s5;
	[dreg:$0x7] =	wrdreg s17;
	s17 =	simm.s32 $0x400  }
.LBB2_1:
0x18: {  	s26 =	simm.s32 $0x0;
	s28 =	simm.s32 $0x200  }
.LBB2_2:
0x19: {  	p0 =	sne.s32 s28, $0xFE00;
	[tilespmem:s26+$0x470] =	vst v0  }
0x1a: {  	[tilespmem:s26+$0x400] =	vst v0  }
0x1b: {  	[tilespmem:s26+$0x410] =	vst v0  }
.Ltmp0:
0x1c: {  	[tilespmem:s26+$0x420] =	vst v0;
	(pc) =	sbr.rel @p0 .LBB2_2-.Ltmp0, $4  }
0x1d: {  	[tilespmem:s26+$0x430] =	vst v0  }
0x1e: {  	[tilespmem:s26+$0x440] =	vst v0  }
0x1f: {  	[tilespmem:s26+$0x450] =	vst v0  }
0x20: {  	[tilespmem:s26+$0x460] =	vst v0;
	s26 =	sshra.s32 s28, $0x2;
	s28 =	sadd.s32 $0x200, s28  }
0x21: {  	[tilespmem:s26+$0x470] =	vst v0  }
0x22: {  	[tilespmem:s26+$0x400] =	vst v0  }
0x23: {  	[tilespmem:s26+$0x410] =	vst v0  }
0x24: {  	[tilespmem:s26+$0x420] =	vst v0  }
0x25: {  	[tilespmem:s26+$0x430] =	vst v0  }
0x26: {  	[tilespmem:s26+$0x440] =	vst v0  }
0x27: {  	[tilespmem:s26+$0x450] =	vst v0  }
0x28: {  	[tilespmem:s26+$0x460] =	vst v0  }
0x29: {  	[spmem:s5] =	stream.linear.scatter [tilespmem:s17], [sflag:$0x7], $0x4000, $0x38;
	[tilespmem:$0x1C400] =	vst v63  }
0x2a: {  	_ =	swait.ge [sflag:s18], $0x4000  }
0x2b: {  	[sflag:s18] =	ssyncset.done $0x0  }
0x2c: {  	[sflag:s18] =	ssyncadd.s32 $0xFFFFC000  }
0x2d: {  	[spmem:s13] =	stream.linear.scatter [tilespmem:s17], [sflag:$0x7], $0x4000, $0x38;
	[tilespmem:$0x1C400] =	vst v63  }
0x2e: {  	_ =	swait.ge [sflag:s18], $0x4000  }
0x2f: {  	[sflag:s18] =	ssyncset.done $0x0  }
0x30: {  	[sflag:s18] =	ssyncadd.s32 $0xFFFFC000  }
0x31: {  	[spmem:s14] =	stream.linear.scatter [tilespmem:s17], [sflag:$0x7], $0x4000, $0x38;
	[tilespmem:$0x1C400] =	vst v63  }
0x32: {  	_ =	swait.ge [sflag:s18], $0x4000  }
0x33: {  	[sflag:s18] =	ssyncset.done $0x0  }
0x34: {  	[sflag:s18] =	ssyncadd.s32 $0xFFFFC000  }
0x35: {  	[spmem:s15] =	stream.linear.scatter [tilespmem:s17], [sflag:$0x7], $0x4000, $0x38;
	[tilespmem:$0x1C400] =	vst v63  }
0x36: {  	_ =	swait.ge [sflag:s18], $0x4000  }
0x37: {  	[sflag:s18] =	ssyncset.done $0x0  }
0x38: {  	[sflag:s18] =	ssyncadd.s32 $0xFFFFC000  }
0x39: {  	[spmem:s16] =	stream.linear.scatter [tilespmem:s17], [sflag:$0x7], $0x4000, $0x38;
	[tilespmem:$0x1C400] =	vst v63  }
0x3a: {  	_ =	swait.ge [sflag:s18], $0x4000  }
0x3b: {  	[sflag:s18] =	ssyncset.done $0x0  }
0x3c: {  	[sflag:s18] =	ssyncadd.s32 $0xFFFFC000  }
0x3d: {  	s26 =	simm.s32 $0x0;
	[bflag:$0x0] =	sbarrier.arrive $0xFFFF  }
0x3e: {  	[tilespmem:s26], [sflag:$0x7] =	stream.linear.gather [hbm4b:s7+s26], $0x100, $0x38;
	[tilespmem:$0x1C400] =	vst v63  }
0x3f: {  	_ =	swait.ge [sflag:s18], $0x100  }
0x40: {  	[sflag:s18] =	ssyncset.done $0x0  }
0x41: {  	[sflag:s18] =	ssyncadd.s32 $0xFFFFFF00  }
0x42: {  	[tilespmem:s19], [sflag:$0x7] =	stream.linear.gather [hbm4b:s8+s26], $0x100, $0x38;
	[tilespmem:$0x1C400] =	vst v63  }
0x43: {  	_ =	swait.ge [sflag:s18], $0x100  }
0x44: {  	[sflag:s18] =	ssyncset.done $0x0  }
0x45: {  	[sflag:s18] =	ssyncadd.s32 $0xFFFFFF00  }
0x46: {  	[tilespmem:s20], [sflag:$0x5] =	stream.linear.gather [hbm4b:s9+s26], $0x100, $0x38;
	[tilespmem:$0x1C400] =	vst v63  }
0x47: {  	_ = 	snop  }
0x48: {  	[tilespmem:s21], [sflag:$0x6] =	stream.linear.gather [hbm4b:s10+s26], $0x100, $0x38;
	[tilespmem:$0x1C400] =	vst v63  }
0x49: {  	_ = 	snop  }
0x4a: {  	[tilespmem:s17], [sflag:$0x1] =	stream.indirect.gather [hbm4b:s4+s22], $0x80, s26, s22, $0xb8;
	[tilespmem:$0x1C400] =	vst v63  }
0x4b: {  	s28 =	simm.s32 $0x0  }
0x4c: {  	[tilespmem:s23], [sflag:$0x2] =	stream.indirect.gather [hbm4b:s4+s22], $0x80, s19, s22, $0xb8;
	[tilespmem:$0x1C400] =	vst v63  }
.LBB2_4:
0x4d: {  	_ =	swait.ge [sflag:s24], $0x4000  }
0x4e: {  	[sflag:s24] =	ssyncset.done $0x0  }
0x4f: {  	[sflag:s24] =	ssyncadd.s32 $0xFFFFC000  }
0x50: {  	[spmem:s2] =	stream.indirect.scatter.add.f32 [tilespmem:s17], [sflag:$0x7], $0x80, s22, s22, $0xb8;
	[tilespmem:$0x1C400] =	vst v63  }
0x51: {  	_ =	swait.ge [sflag:s18], $0x4000  }
0x52: {  	s29 =	rddreg [dreg:$0x3]  }
0x53: {  	s1 =	sadd.s32 $0x2, s26;
	p0 =	sge.u32 s26, s29  }
0x54: {  	p1 =	sge.u32 s1, s6;
	[sflag:s18] =	ssyncset.done $0x0;
	s29 =	sadd.s32 @!p0 s28, s7  }
0x55: {  	[sflag:s18] =	ssyncadd.s32 $0xFFFFC000;
	s30 =	simm.s32 @!p0 $0x0;
	s29 =	sadd.s32 @!p0 $0x80, s29  }
0x56: {  	[tilespmem:s30], [sflag:$0x3] =	stream.linear.gather @!p0 [hbm4b:s29+s30], $0x100, $0x38;
	[tilespmem:$0x1C400] =	vst v63  }
0x57: {  	s29 =	simm.s32 @!p1 $0x5  }
0x58: {  	_ =	swait.ge @!p1 [sflag:s29], $0x100  }
0x59: {  	s31 =	simm.s32 @!p1 $0x200;
	[sflag:s29] =	ssyncset.done @!p1 $0x0  }
0x5a: {  	s0 =	simm.s32 @!p1 $0x400;
	[sflag:s29] =	ssyncadd.s32 @!p1 $0xFFFFFF00;
	s29 =	simm.s32 @!p1 $0x80  }
0x5b: {  	[tilespmem:s0], [sflag:$0x1] =	stream.indirect.gather @!p1 [hbm4b:s4+s29], $0x80, s31, s29, $0xb8;
	[tilespmem:$0x1C400] =	vst v63  }
0x5c: {  	_ =	swait.ge [sflag:s25], $0x4000  }
0x5d: {  	[sflag:s25] =	ssyncset.done $0x0  }
0x5e: {  	s31 =	rddreg [dreg:$0x8];
	[sflag:s25] =	ssyncadd.s32 $0xFFFFC000  }
0x5f: {  	[spmem:s2] =	stream.indirect.scatter.add.f32 [tilespmem:s23], [sflag:$0x7], $0x80, s31, s22, $0xb8;
	[tilespmem:$0x1C400] =	vst v63  }
0x60: {  	_ =	swait.ge [sflag:s18], $0x4000  }
0x61: {  	s1 =	rddreg [dreg:$0x4]  }
0x62: {  	[sflag:s18] =	ssyncset.done $0x0;
	p1 =	sge.u32 s26, s1  }
0x63: {  	[sflag:s18] =	ssyncadd.s32 $0xFFFFC000;
	s0 =	sadd.s32 @!p1 s28, s7  }
0x64: {  	s29 =	simm.s32 @!p1 $0x0;
	s31 =	simm.s32 @!p1 $0x100;
	s0 =	sadd.s32 @!p1 $0xA0, s0  }
0x65: {  	[tilespmem:s31], [sflag:$0x4] =	stream.linear.gather @!p1 [hbm4b:s0+s29], $0x100, $0x38;
	[tilespmem:$0x1C400] =	vst v63  }
0x66: {  	s29 =	sadd.s32 $0x3, s26  }
0x67: {  	p2 =	sge.u32 s29, s6  }
0x68: {  	s0 =	simm.s32 @!p2 $0x6  }
0x69: {  	_ =	swait.ge @!p2 [sflag:s0], $0x100  }
0x6a: {  	s29 =	simm.s32 @!p2 $0x300;
	[sflag:s0] =	ssyncset.done @!p2 $0x0  }
0x6b: {  	s1 =	simm.s32 @!p2 $0x4400;
	[sflag:s0] =	ssyncadd.s32 @!p2 $0xFFFFFF00;
	s0 =	simm.s32 @!p2 $0x80  }
0x6c: {  	[tilespmem:s1], [sflag:$0x2] =	stream.indirect.gather @!p2 [hbm4b:s4+s0], $0x80, s29, s0, $0xb8;
	[tilespmem:$0x1C400] =	vst v63  }
0x6d: {  	_ =	swait.ge [sflag:s24], $0x4000  }
0x6e: {  	[sflag:s24] =	ssyncset.done $0x0  }
0x6f: {  	s1 =	rddreg [dreg:$0x9];
	[sflag:s24] =	ssyncadd.s32 $0xFFFFC000  }
0x70: {  	[spmem:s2] =	stream.indirect.scatter.add.f32 [tilespmem:s17], [sflag:$0x7], $0x80, s1, s22, $0xb8;
	[tilespmem:$0x1C400] =	vst v63  }
0x71: {  	_ =	swait.ge [sflag:s18], $0x4000  }
0x72: {  	s29 =	rddreg [dreg:$0x5]  }
0x73: {  	[sflag:s18] =	ssyncset.done $0x0;
	p2 =	sge.u32 s26, s29  }
0x74: {  	[sflag:s18] =	ssyncadd.s32 $0xFFFFC000;
	s0 =	sadd.s32 @!p2 s28, s7  }
0x75: {  	s1 =	simm.s32 @!p2 $0x0;
	s29 =	simm.s32 @!p2 $0x200;
	s0 =	sadd.s32 @!p2 $0xC0, s0  }
0x76: {  	[tilespmem:s29], [sflag:$0x5] =	stream.linear.gather @!p2 [hbm4b:s0+s1], $0x100, $0x38;
	[tilespmem:$0x1C400] =	vst v63  }
0x77: {  	s0 =	simm.s32 @!p0 $0x3  }
0x78: {  	_ =	swait.ge @!p0 [sflag:s0], $0x100  }
0x79: {  	[sflag:s0] =	ssyncset.done @!p0 $0x0  }
0x7a: {  	s1 =	simm.s32 @!p0 $0x400;
	[sflag:s0] =	ssyncadd.s32 @!p0 $0xFFFFFF00;
	s0 =	simm.s32 @!p0 $0x80  }
0x7b: {  	[tilespmem:s1], [sflag:$0x1] =	stream.indirect.gather @!p0 [hbm4b:s4+s0], $0x80, s30, s0, $0xb8;
	[tilespmem:$0x1C400] =	vst v63  }
0x7c: {  	_ =	swait.ge [sflag:s25], $0x4000  }
0x7d: {  	[sflag:s25] =	ssyncset.done $0x0  }
0x7e: {  	s1 =	rddreg [dreg:$0xa];
	[sflag:s25] =	ssyncadd.s32 $0xFFFFC000  }
0x7f: {  	[spmem:s2] =	stream.indirect.scatter.add.f32 [tilespmem:s23], [sflag:$0x7], $0x80, s1, s22, $0xb8;
	[tilespmem:$0x1C400] =	vst v63  }
0x80: {  	_ =	swait.ge [sflag:s18], $0x4000  }
0x81: {  	s29 =	rddreg [dreg:$0x6]  }
0x82: {  	[sflag:s18] =	ssyncset.done $0x0;
	p0 =	sge.u32 s26, s29  }
0x83: {  	[sflag:s18] =	ssyncadd.s32 $0xFFFFC000;
	s0 =	sadd.s32 @!p0 s28, s7  }
0x84: {  	s1 =	simm.s32 @!p0 $0x0;
	s29 =	simm.s32 @!p0 $0x300;
	s0 =	sadd.s32 @!p0 $0xE0, s0  }
0x85: {  	[tilespmem:s29], [sflag:$0x6] =	stream.linear.gather @!p0 [hbm4b:s0+s1], $0x100, $0x38;
	[tilespmem:$0x1C400] =	vst v63  }
0x86: {  	s0 =	simm.s32 @!p1 $0x4  }
0x87: {  	_ =	swait.ge @!p1 [sflag:s0], $0x100  }
0x88: {  	s28 =	sadd.s32 $0x80, s28;
	s30 =	rddreg [dreg:$0x7]  }
0x89: {  	p0 =	sne.s32 s30, s28  }
.Ltmp1:
0x8a: {  	_ = 	snop;
	(pc) =	sbr.rel @p0 .LBB2_4-.Ltmp1, $4  }
0x8b: {  	_ = 	snop  }
0x8c: {  	s26 =	sadd.s32 $0x4, s26;
	[sflag:s0] =	ssyncset.done @!p1 $0x0  }
0x8d: {  	s1 =	simm.s32 @!p1 $0x4400;
	[sflag:s0] =	ssyncadd.s32 @!p1 $0xFFFFFF00;
	s0 =	simm.s32 @!p1 $0x80  }
0x8e: {  	[tilespmem:s1], [sflag:$0x2] =	stream.indirect.gather @!p1 [hbm4b:s4+s0], $0x80, s31, s0, $0xb8;
	[tilespmem:$0x1C400] =	vst v63  }
0x8f: {  	s0 =	stileid.u32;
	s3 =	sadd.s32 $0x1, s3  }
0x90: {  	[bflag:$0x0] =	sbarrier.arrive $0xFFFF;
	s0 =	sshll.u32 s0, $0x6;
	p0 =	sne.s32 s3, s12  }
.Ltmp2:
0x91: {  	s1 =	sshrl.u32 s5, $0x3;
	s0 =	sor.u32 $0x1C07, s0;
	(pc) =	sbr.rel @p0 .LBB2_1-.Ltmp2, $4  }
0x92: {  	[hbm:s11], [sflag:s0] =	dma.local [spmem:s1], $0x2800  }
0x93: {  	_ =	swait.ge [sflag:s18], $0x2800  }
0x94: {  	[sflag:s18] =	ssyncset.done $0x0  }
0x95: {  	[sflag:s18] =	ssyncadd.s32 $0xFFFFD800  }
0x96: {  	_ =	sfence.sel $0x180000  }
0x97: {  	[bflag:$0x0] =	sbarrier.arrive $0xFFFF  }
0x98: {  	_ =	strace $0x9000004A  }
0x99: {  	s0 =	stileid.u32;
	[bflag:$0x2] =	sbarrier.arrive $0xFFFF  }
0x9a: {  	p0 =	sne.s32 s0, $0x0;
	s0 =	rddreg [dreg:$0x2]  }
0x9b: {  	s0 =	sadd.s32 @!p0 $0x100000, s0  }
0x9c: {  	[sflag:s0] =	ssyncadd.tile.s32 @!p0 $0x1;
	_ =	shalt  }
.Lfunc_end2:
_tile_overlayer_lowered:
.L_overlay_start_2:
0x9d: {  	(tag) =	ssettag $0x2  }
0x9e: {  	s0 =	rddreg [dreg:$0x0];
	s2 =	stileid.u32  }
0x9f: {  	s1 =	rddreg [dreg:$0x1];
	p0 =	sne.s32 s2, $0x0  }
0xa0: {  	s3 =	rddreg [dreg:$0x2];
	[bflag:$0x3] =	sbarrier.arrive $0xFFFF;
	s2 =	simm.s32 @!p0 $0x1C07  }
0xa1: {  	[timem:s3], [sflag:s2] =	dma.local @!p0 [hbm:s0], s1  }
0xa2: {  	s0 =	simm.s32 @!p0 $0x7  }
0xa3: {  	_ =	swait.ge @!p0 [sflag:s0], s1  }
0xa4: {  	s1 =	ssub.s32 @!p0 $0x0, s1;
	[sflag:s0] =	ssyncset.done @!p0 $0x0  }
0xa5: {  	[sflag:s0] =	ssyncadd.s32 @!p0 s1  }
0xa6: {  	[bflag:$0x3] =	sbarrier.arrive $0xFFFF  }
0xa7: {  	_ =	shalt  }

// kernel: kernel.14.cloned.1.call-start
scs
__scs_entry_jumppad:
0x0: {  	(pc) =	sbr.rel $0x88, $3  }
0x1: {  	(tag) =	ssettag $0x0;
	lr =	simm.s32 $0x1  }
0x2: {  	[smem:$0x3F98] =	sst lr;
	_ =	strace $0xD0000000  }
0x3: {  	_ = 	snop  }
0x4: {  	_ = 	snop  }
0x5: {  	_ = 	snop  }
0x6: {  	_ = 	snop  }
0x7: {  	_ = 	snop  }
__scs_overlays_trampoline_lowered:
0x8: {  	[smem:$0x3FA7] =	sst s0  }
0x9: {  	[smem:$0x3FA8] =	sst s1  }
0xa: {  	[smem:$0x3FA9] =	sst s2  }
0xb: {  	[smem:$0x3FAA] =	sst s3  }
0xc: {  	[smem:$0x3FAB] =	sst s4  }
0xd: {  	[smem:$0x3FAC] =	sst s5  }
0xe: {  	[smem:$0x3FAD] =	sst s6  }
0xf: {  	[smem:$0x3FAE] =	sst s7  }
0x10: {  	[smem:$0x3FAF] =	sst s8  }
0x11: {  	[smem:$0x3FB0] =	sst s9;
	s0 =	simm.s32 @!p0 $0x0  }
0x12: {  	s1 =	sld [smem:$0x3F96];
	s0 =	simm.s32 @p0 $0x1  }
0x13: {  	[smem:$0x3FB1] =	sst s0;
	s0 =	simm.s32 @!p1 $0x0  }
0x14: {  	s2 =	sld [smem:$0x3F95];
	s0 =	simm.s32 @p1 $0x1  }
0x15: {  	[smem:$0x3FB2] =	sst s0;
	s0 =	simm.s32 @!p2 $0x0  }
0x16: {  	s3 =	sld [smem:$0x3FDB];
	s0 =	simm.s32 @p2 $0x1  }
0x17: {  	s4 =	simm.s32 $0x1BF5;
	[smem:$0x3FB4] =	sst s0  }
0x18: {  	s0 =	sld [smem:$0x3F97];
	_ =	swait.ge [sflag:s4], $0x0  }
0x19: {  	s7 =	sld [smem:$0x3F98]  }
0x1a: {  	s8 =	sadd.s32 $0xFFFFE003, lr  }
0x1b: {  	s9 =	sadd.s32 $0xFFFFFEF7, lr;
	s5 =	simm.s32 $0xFFFFFFFF;
	p2 =	slt.u32 s8, $0xFFFFF086  }
0x1c: {  	p1 =	slt.u32 s9, $0xF7A;
	s5 =	simm.s32 @!p2 $0x0  }
0x1d: {  	s5 =	simm.s32 @p1 $0x1;
	p0 =	seq.s32 s7, s2  }
0x1e: {  	s7 =	smul.u32 @!p0 $0xF7A, s2;
	p2 =	seq.s32 @!p0 s5, $0x0  }
0x1f: {  	s9 =	smul.u32 $0xF7A, s1;
	s8 =	simm.s32 @!p0 $0x1BF5;
	p2 =	por !p2, p0  }
0x20: {  	[sflag:s8] =	ssyncset.s32 @!p0 $0xFFFFF086;
	s6 =	sadd.s32 @!p0 s3, s7;
	s7 =	simm.s32 @!p0 $0x108  }
0x21: {  	s3 =	sadd.s32 s3, s9;
	s6 =	sadd.s32 @!p0 $0x88, s6;
	s7 =	simm.s32 @p2 $0x1082  }
0x22: {  	[simem:s7], [sflag:s8] =	dma.local @!p0 [hbm:s6], $0xF7A  }
0x23: {  	s9 =	sor.u32 $0xD0000000, s2;
	s6 =	simm.s32 $0x108;
	_ =	swait.ge @!p0 [sflag:s8], $0x0  }
0x24: {  	s3 =	sadd.s32 $0x88, s3;
	s6 =	simm.s32 @!p1 $0x1082;
	[sflag:s4] =	ssyncset.s32 $0xFFFFF086  }
0x25: {  	[simem:s6], [sflag:s4] =	dma.local [hbm:s3], $0xF7A  }
0x26: {  	[smem:$0x3F98] =	sst s1;
	(tag) =	ssettag s2;
	_ =	strace s9  }
0x27: {  	s1 =	sld [smem:$0x3FA8]  }
0x28: {  	s2 =	sld [smem:$0x3FA9]  }
0x29: {  	s4 =	sld [smem:$0x3FAB]  }
0x2a: {  	p0 =	seq.s32 s5, $0x0;
	s5 =	sld [smem:$0x3FAC]  }
0x2b: {  	s6 =	sld [smem:$0x3FAD]  }
0x2c: {  	s7 =	sld [smem:$0x3FAE]  }
0x2d: {  	s3 =	simm.s32 $0x108;
	s8 =	sld [smem:$0x3FAF]  }
0x2e: {  	s3 =	simm.s32 @!p0 $0x1082;
	s9 =	sld [smem:$0x3FB0]  }
0x2f: {  	lr =	sadd.s32 s0, s3;
	s0 =	sld [smem:$0x3FA7]  }
0x30: {  	s3 =	sld [smem:$0x3FAA]  }
0x31: {  	[smem:$0x3FB3] =	sst s10  }
0x32: {  	s10 =	sld [smem:$0x3FB1];
	_ =	sdelay $0x3  }
0x33: {  	p0 =	seq.s32 s10, $0x1;
	s10 =	sld [smem:$0x3FB3];
	_ =	sdelay $0x3  }
0x34: {  	[smem:$0x3FB3] =	sst s10  }
0x35: {  	s10 =	sld [smem:$0x3FB2];
	_ =	sdelay $0x3  }
0x36: {  	p1 =	seq.s32 s10, $0x1;
	s10 =	sld [smem:$0x3FB3];
	_ =	sdelay $0x3  }
0x37: {  	[smem:$0x3FB3] =	sst s10  }
0x38: {  	s10 =	sld [smem:$0x3FB4]  }
0x39: {  	_ = 	snop;
	(pc) =	sbr.ind lr, $3  }
0x3a: {  	_ = 	snop  }
0x3b: {  	_ = 	snop  }
0x3c: {  	p2 =	seq.s32 s10, $0x1;
	s10 =	sld [smem:$0x3FB3]  }
0x3d: {  	_ =	shalt  }
0x3e: {  	_ =	shalt  }
0x3f: {  	_ =	shalt  }
0x40: {  	_ =	shalt  }
0x41: {  	_ =	shalt  }
0x42: {  	_ =	shalt  }
0x43: {  	_ =	shalt  }
0x44: {  	_ =	shalt  }
0x45: {  	_ =	shalt  }
0x46: {  	_ =	shalt  }
0x47: {  	_ =	shalt  }
0x48: {  	_ =	shalt  }
0x49: {  	_ =	shalt  }
0x4a: {  	_ =	shalt  }
0x4b: {  	_ =	shalt  }
0x4c: {  	_ =	shalt  }
0x4d: {  	_ =	shalt  }
0x4e: {  	_ =	shalt  }
0x4f: {  	_ =	shalt  }
0x50: {  	_ =	shalt  }
0x51: {  	_ =	shalt  }
0x52: {  	_ =	shalt  }
0x53: {  	_ =	shalt  }
0x54: {  	_ =	shalt  }
0x55: {  	_ =	shalt  }
0x56: {  	_ =	shalt  }
0x57: {  	_ =	shalt  }
0x58: {  	_ =	shalt  }
0x59: {  	_ =	shalt  }
0x5a: {  	_ =	shalt  }
0x5b: {  	_ =	shalt  }
0x5c: {  	_ =	shalt  }
0x5d: {  	_ =	shalt  }
0x5e: {  	_ =	shalt  }
0x5f: {  	_ =	shalt  }
0x60: {  	_ =	shalt  }
0x61: {  	_ =	shalt  }
0x62: {  	_ =	shalt  }
0x63: {  	_ =	shalt  }
0x64: {  	_ =	shalt  }
0x65: {  	_ =	shalt  }
0x66: {  	_ =	shalt  }
0x67: {  	_ =	shalt  }
0x68: {  	_ =	shalt  }
0x69: {  	_ =	shalt  }
0x6a: {  	_ =	shalt  }
0x6b: {  	_ =	shalt  }
0x6c: {  	_ =	shalt  }
0x6d: {  	_ =	shalt  }
0x6e: {  	_ =	shalt  }
0x6f: {  	_ =	shalt  }
0x70: {  	_ =	shalt  }
0x71: {  	_ =	shalt  }
0x72: {  	_ =	shalt  }
0x73: {  	_ =	shalt  }
0x74: {  	_ =	shalt  }
0x75: {  	_ =	shalt  }
0x76: {  	_ =	shalt  }
0x77: {  	_ =	shalt  }
0x78: {  	_ =	shalt  }
0x79: {  	_ =	shalt  }
0x7a: {  	_ =	shalt  }
0x7b: {  	_ =	shalt  }
0x7c: {  	_ =	shalt  }
0x7d: {  	_ =	shalt  }
0x7e: {  	_ =	shalt  }
0x7f: {  	_ =	shalt  }
0x80: {  	_ =	shalt  }
0x81: {  	_ =	shalt  }
0x82: {  	_ =	shalt  }
0x83: {  	_ =	shalt  }
0x84: {  	_ =	shalt  }
0x85: {  	_ =	shalt  }
0x86: {  	_ =	shalt  }
0x87: {  	_ =	shalt  }
.Lfunc_end0:
.L_simem_size_0:
called_computation.2_lowered:
.L_overlay_start_0:
0x88: {  	s2 =	sld [smem:$0x3FD9]  }
0x89: {  	s3 =	sld [smem:$0x3FFE];
	_ =	sdelay $0x1  }
0x8a: {  	s1 =	srdreg.scid  }
0x8b: {  	s0 =	sand.u32 $0x1, s1  }
0x8c: {  	s16 =	sshll.u32 s0, $0xA;
	s2 =	sadd.s32 s3, s2  }
0x8d: {  	s2 =	sadd.s32 s2, s16  }
0x8e: {  	[smem:$0x3FBF] =	sst s2  }
0x8f: {  	_ = 	snop  }
0x90: {  	(tm) =	ssettm $0x1  }
0x91: {  	s17 =	sld [smem:$0x3FFB];
	_ =	sdelay $0x3  }
0x92: {  	_ =	strace s17  }
0x93: {  	s2 =	sld [smem:$0x3FFC];
	_ =	sdelay $0x3  }
0x94: {  	_ =	strace s2  }
0x95: {  	s2 =	sld [smem:$0x3FFD];
	_ =	sdelay $0x3  }
0x96: {  	_ =	strace s2  }
0x97: {  	_ =	strace $0x8FFFFFFF  }
0x98: {  	s18 =	sld [smem:$0x3FDB];
	_ =	sdelay $0x1  }
0x99: {  	s19 =	simm.s32 $_scs_section_size  }
0x9a: {  	s4 =	simm.s32 $_size__tile_overlayer_lowered;
	s5 =	simm.s32 $_tile_overlayer_lowered  }
0x9b: {  	s22 =	simm.s32 $0x1BFF;
	s21 =	sshll.u32 s5, $0x1;
	s2 =	sadd.s32 s19, s18  }
0x9c: {  	s6 =	simm.s32 $0x0;
	s20 =	sshll.u32 s4, $0x1;
	s4 =	sadd.s32 s21, s2  }
0x9d: {  	[timem:s6], [sflag:s22] =	dma.local [hbm:s4], s20  }
0x9e: {  	_ =	swait.ge [sflag:s22], s20  }
0x9f: {  	s3 =	ssub.s32 $0x0, s20;
	[sflag:s22] =	ssyncset.done $0x0  }
0xa0: {  	[sflag:s22] =	ssyncadd.s32 s3;
	_ =	sdelay $0x1  }
0xa1: {  	s23 =	simm.s32 $0x1B8B  }
0xa2: {  	_ =	swait.ge [sflag:s23], $0x1  }
0xa3: {  	[sflag:s23] =	ssyncset.done $0x0  }
0xa4: {  	s25 =	simm.s32 $0x1B8E;
	s24 =	sld [smem:$0x3FFE];
	[sflag:s23] =	ssyncadd.s32 $0xFFFFFFFF  }
0xa5: {  	s26 =	simm.s32 $execute0_lowered;
	[smem:$0x3FD2] =	sst s25  }
0xa6: {  	s4 =	sshll.u32 s26, $0x1;
	_ =	strace $0x8000004C;
	[dreg:$0x1] =	wrdreg $0xFFFFFFFF  }
0xa7: {  	s28 =	simm.s32 $_size_execute0_lowered;
	s2 =	sadd.s32 s2, s4;
	[dreg:$0x0] =	wrdreg $0x0  }
0xa8: {  	s4 =	sshll.u32 s28, $0x1;
	[dreg:$0x2] =	wrdreg s2  }
0xa9: {  	[dreg:$0x3] =	wrdreg s4  }
0xaa: {  	[dreg:$0x4] =	wrdreg $0xC0  }
0xab: {  	_ =	task [dreg:s6], $0x5FFFF  }
0xac: {  	[dreg:$0x1] =	wrdreg $0xFFFFFFFF  }
0xad: {  	[dreg:$0x0] =	wrdreg $0x60  }
0xae: {  	[dreg:$0x2] =	wrdreg s24  }
0xaf: {  	[dreg:$0x3] =	wrdreg $0x84000  }
0xb0: {  	[dreg:$0x4] =	wrdreg $0x9  }
0xb1: {  	_ =	task.clear_ibuf [dreg:s6], $0x5FFFF;
	_ =	strace $0x9000004C  }
0xb2: {  	s29 =	simm.s32 $0x9;
	_ =	strace $0x8000004E  }
0xb3: {  	_ =	swait.ge [sflag:s29], $0x1  }
0xb4: {  	[sflag:s29] =	ssyncadd.s32 $0xFFFFFFFF  }
0xb5: {  	_ =	strace $0x9000004E  }
0xb6: {  	_ =	sfence  }
0xb7: {  	s30 =	sld [smem:$0x0];
	_ =	sdelay $0x2  }
0xb8: {  	s31 =	sshll.u32 s1, $0xD;
	s1 =	sshrl.u32 s1, $0x2  }
0xb9: {  	s3 =	sand.u32 $0x4000, s31;
	s1 =	sadd.s32 s1, s30  }
0xba: {  	s0 =	sor.u32 s3, s0;
	s1 =	sshll.u32 s1, $0x11  }
0xbb: {  	s0 =	sor.u32 s1, s0  }
0xbc: {  	s0 =	sadd.s32 $0x8F2B, s0  }
0xbd: {  	[sflag:s0] =	ssyncadd.remote.s32 $0x1  }
0xbe: {  	_ =	sfence.sel $0xFFFF  }
0xbf: {  	[dreg:$0x0] =	wrdreg $0xFFFFFFFF;
	(pc) =	sbr.abs _section_cstart, $3  }
0xc0: {  	[dreg:$0x1] =	wrdreg $0xFFFFFFFF  }
0xc1: {  	_ =	task.clear_ibuf [dreg:s6], $0x2FFFF;
	_ =	strace $0x9FFFFFFF  }
0xc2: {  	(tm) =	ssettm $0x7FFFFFFF  }
0xc3: {  	_ =	shalt  }
tec
execute0_lowered:
.L_overlay_start_1:
0x0: {  	(tag) =	ssettag $0x1  }
0x1: {  	s5 =	rddreg [dreg:$0x0]  }
0x2: {  	s2 =	rddreg [dreg:$0x1]  }
0x3: {  	s4 =	srdreg.scid;
	s0 =	stileid.u32  }
0x4: {  	s3 =	simm.s32 $0x0;
	s18 =	simm.s32 $0x7;
	s19 =	simm.s32 $0x100  }
0x5: {  	s20 =	simm.s32 $0x200;
	s21 =	simm.s32 $0x300;
	s7 =	smul.u32 $0x98, s0  }
0x6: {  	s23 =	simm.s32 $0x180;
	s22 =	simm.s32 $0x80;
	s10 =	smul.u32 $0x14000, s0  }
0x7: {  	s6 =	sand.u32 $0x1, s4;
	[smem:$0x7FF] =	sst s3;
	s25 =	smul.u32 $0x50000, s0  }
0x8: {  	s24 =	sshll.u32 s0, $0x3;
	s4 =	sadd.s32 $0x16400, s5;
	s8 =	smul.u32 $0x140000, s6  }
0x9: {  	p0 =	seq.s32 s6, $0x0;
	s9 =	sor.u32 $0x980, s24;
	_ =	strace $0x8000004D  }
0xa: {  	s6 =	ssub.s32 $0x2, s6;
	[dreg:$0x8] =	wrdreg s23;
	s24 =	simm.s32 $0x280  }
0xb: {  	s23 =	simm.s32 $0x4400;
	s9 =	smov.u32 @p0 s7;
	s29 =	sshrl.u32 s6, $0x1  }
0xc: {  	s30 =	sshrl.u32 s25, $0x2;
	[dreg:$0x9] =	wrdreg s24;
	s25 =	simm.s32 $0x380  }
0xd: {  	s24 =	simm.s32 $0x1;
	s7 =	sshll.u32 s9, $0x5;
	s8 =	sadd.s32 s10, s8  }
0xe: {  	s12 =	ssub.s32 s6, s29;
	s6 =	simm.s32 $0x98;
	[dreg:$0xa] =	wrdreg s25  }
0xf: {  	s25 =	simm.s32 $0x2;
	s26 =	sadd.s32 s7, s5;
	s28 =	sshrl.u32 s8, $0x3  }
0x10: {  	s6 =	simm.s32 @!p0 $0x8;
	s12 =	smax.u32 s12, $0x1;
	s11 =	sadd.s32 s28, s5  }
0x11: {  	s5 =	sadd.s32 s30, s2;
	s7 =	sadd.s32 $0x2400, s26;
	s8 =	sadd.s32 $0x2420, s26  }
0x12: {  	s9 =	sadd.s32 $0x2440, s26;
	s10 =	sadd.s32 $0x2460, s26;
	s13 =	sadd.s32 $0xFFFFFFFC, s6  }
0x13: {  	s31 =	sadd.s32 $0xFFFFFFFB, s6;
	s14 =	sadd.s32 $0xFFFFFFFA, s6;
	[dreg:$0x3] =	wrdreg s13  }
0x14: {  	s15 =	sadd.s32 $0xFFFFFFF9, s6;
	s17 =	sshll.u32 s6, $0x5;
	[dreg:$0x4] =	wrdreg s31  }
0x15: {  	s11 =	sadd.s32 $0x3E400, s11;
	s13 =	sadd.s32 $0x4000, s5;
	[dreg:$0x5] =	wrdreg s14  }
0x16: {  	s14 =	sadd.s32 $0x8000, s5;
	[dreg:$0x6] =	wrdreg s15;
	s15 =	sadd.s32 $0xC000, s5  }
0x17: {  	v0 =	vimm.f32 $0.0e+00;
	s16 =	sadd.s32 $0x10000, s5;
	[dreg:$0x7] =	wrdreg s17;
	s17 =	simm.s32 $0x400  }
.LBB2_1:
0x18: {  	s26 =	simm.s32 $0x0;
	s28 =	simm.s32 $0x200  }
.LBB2_2:
0x19: {  	p0 =	sne.s32 s28, $0xFE00;
	[tilespmem:s26+$0x470] =	vst v0  }
0x1a: {  	[tilespmem:s26+$0x400] =	vst v0  }
0x1b: {  	[tilespmem:s26+$0x410] =	vst v0  }
.Ltmp0:
0x1c: {  	[tilespmem:s26+$0x420] =	vst v0;
	(pc) =	sbr.rel @p0 .LBB2_2-.Ltmp0, $4  }
0x1d: {  	[tilespmem:s26+$0x430] =	vst v0  }
0x1e: {  	[tilespmem:s26+$0x440] =	vst v0  }
0x1f: {  	[tilespmem:s26+$0x450] =	vst v0  }
0x20: {  	[tilespmem:s26+$0x460] =	vst v0;
	s26 =	sshra.s32 s28, $0x2;
	s28 =	sadd.s32 $0x200, s28  }
0x21: {  	[tilespmem:s26+$0x470] =	vst v0  }
0x22: {  	[tilespmem:s26+$0x400] =	vst v0  }
0x23: {  	[tilespmem:s26+$0x410] =	vst v0  }
0x24: {  	[tilespmem:s26+$0x420] =	vst v0  }
0x25: {  	[tilespmem:s26+$0x430] =	vst v0  }
0x26: {  	[tilespmem:s26+$0x440] =	vst v0  }
0x27: {  	[tilespmem:s26+$0x450] =	vst v0  }
0x28: {  	[tilespmem:s26+$0x460] =	vst v0  }
0x29: {  	[spmem:s5] =	stream.linear.scatter [tilespmem:s17], [sflag:$0x7], $0x4000, $0x38;
	[tilespmem:$0x1C400] =	vst v63  }
0x2a: {  	_ =	swait.ge [sflag:s18], $0x4000  }
0x2b: {  	[sflag:s18] =	ssyncset.done $0x0  }
0x2c: {  	[sflag:s18] =	ssyncadd.s32 $0xFFFFC000  }
0x2d: {  	[spmem:s13] =	stream.linear.scatter [tilespmem:s17], [sflag:$0x7], $0x4000, $0x38;
	[tilespmem:$0x1C400] =	vst v63  }
0x2e: {  	_ =	swait.ge [sflag:s18], $0x4000  }
0x2f: {  	[sflag:s18] =	ssyncset.done $0x0  }
0x30: {  	[sflag:s18] =	ssyncadd.s32 $0xFFFFC000  }
0x31: {  	[spmem:s14] =	stream.linear.scatter [tilespmem:s17], [sflag:$0x7], $0x4000, $0x38;
	[tilespmem:$0x1C400] =	vst v63  }
0x32: {  	_ =	swait.ge [sflag:s18], $0x4000  }
0x33: {  	[sflag:s18] =	ssyncset.done $0x0  }
0x34: {  	[sflag:s18] =	ssyncadd.s32 $0xFFFFC000  }
0x35: {  	[spmem:s15] =	stream.linear.scatter [tilespmem:s17], [sflag:$0x7], $0x4000, $0x38;
	[tilespmem:$0x1C400] =	vst v63  }
0x36: {  	_ =	swait.ge [sflag:s18], $0x4000  }
0x37: {  	[sflag:s18] =	ssyncset.done $0x0  }
0x38: {  	[sflag:s18] =	ssyncadd.s32 $0xFFFFC000  }
0x39: {  	[spmem:s16] =	stream.linear.scatter [tilespmem:s17], [sflag:$0x7], $0x4000, $0x38;
	[tilespmem:$0x1C400] =	vst v63  }
0x3a: {  	_ =	swait.ge [sflag:s18], $0x4000  }
0x3b: {  	[sflag:s18] =	ssyncset.done $0x0  }
0x3c: {  	[sflag:s18] =	ssyncadd.s32 $0xFFFFC000  }
0x3d: {  	s26 =	simm.s32 $0x0;
	[bflag:$0x0] =	sbarrier.arrive $0xFFFF  }
0x3e: {  	[tilespmem:s26], [sflag:$0x7] =	stream.linear.gather [hbm4b:s7+s26], $0x100, $0x38;
	[tilespmem:$0x1C400] =	vst v63  }
0x3f: {  	_ =	swait.ge [sflag:s18], $0x100  }
0x40: {  	[sflag:s18] =	ssyncset.done $0x0  }
0x41: {  	[sflag:s18] =	ssyncadd.s32 $0xFFFFFF00  }
0x42: {  	[tilespmem:s19], [sflag:$0x7] =	stream.linear.gather [hbm4b:s8+s26], $0x100, $0x38;
	[tilespmem:$0x1C400] =	vst v63  }
0x43: {  	_ =	swait.ge [sflag:s18], $0x100  }
0x44: {  	[sflag:s18] =	ssyncset.done $0x0  }
0x45: {  	[sflag:s18] =	ssyncadd.s32 $0xFFFFFF00  }
0x46: {  	[tilespmem:s20], [sflag:$0x5] =	stream.linear.gather [hbm4b:s9+s26], $0x100, $0x38;
	[tilespmem:$0x1C400] =	vst v63  }
0x47: {  	_ = 	snop  }
0x48: {  	[tilespmem:s21], [sflag:$0x6] =	stream.linear.gather [hbm4b:s10+s26], $0x100, $0x38;
	[tilespmem:$0x1C400] =	vst v63  }
0x49: {  	_ = 	snop  }
0x4a: {  	[tilespmem:s17], [sflag:$0x1] =	stream.indirect.gather [hbm4b:s4+s22], $0x80, s26, s22, $0xb8;
	[tilespmem:$0x1C400] =	vst v63  }
0x4b: {  	s28 =	simm.s32 $0x0  }
0x4c: {  	[tilespmem:s23], [sflag:$0x2] =	stream.indirect.gather [hbm4b:s4+s22], $0x80, s19, s22, $0xb8;
	[tilespmem:$0x1C400] =	vst v63  }
.LBB2_4:
0x4d: {  	_ =	swait.ge [sflag:s24], $0x4000  }
0x4e: {  	[sflag:s24] =	ssyncset.done $0x0  }
0x4f: {  	[sflag:s24] =	ssyncadd.s32 $0xFFFFC000  }
0x50: {  	[spmem:s2] =	stream.indirect.scatter.add.f32 [tilespmem:s17], [sflag:$0x7], $0x80, s22, s22, $0xb8;
	[tilespmem:$0x1C400] =	vst v63  }
0x51: {  	_ =	swait.ge [sflag:s18], $0x4000  }
0x52: {  	s29 =	rddreg [dreg:$0x3]  }
0x53: {  	s1 =	sadd.s32 $0x2, s26;
	p0 =	sge.u32 s26, s29  }
0x54: {  	p1 =	sge.u32 s1, s6;
	[sflag:s18] =	ssyncset.done $0x0;
	s29 =	sadd.s32 @!p0 s28, s7  }
0x55: {  	[sflag:s18] =	ssyncadd.s32 $0xFFFFC000;
	s30 =	simm.s32 @!p0 $0x0;
	s29 =	sadd.s32 @!p0 $0x80, s29  }
0x56: {  	[tilespmem:s30], [sflag:$0x3] =	stream.linear.gather @!p0 [hbm4b:s29+s30], $0x100, $0x38;
	[tilespmem:$0x1C400] =	vst v63  }
0x57: {  	s29 =	simm.s32 @!p1 $0x5  }
0x58: {  	_ =	swait.ge @!p1 [sflag:s29], $0x100  }
0x59: {  	s31 =	simm.s32 @!p1 $0x200;
	[sflag:s29] =	ssyncset.done @!p1 $0x0  }
0x5a: {  	s0 =	simm.s32 @!p1 $0x400;
	[sflag:s29] =	ssyncadd.s32 @!p1 $0xFFFFFF00;
	s29 =	simm.s32 @!p1 $0x80  }
0x5b: {  	[tilespmem:s0], [sflag:$0x1] =	stream.indirect.gather @!p1 [hbm4b:s4+s29], $0x80, s31, s29, $0xb8;
	[tilespmem:$0x1C400] =	vst v63  }
0x5c: {  	_ =	swait.ge [sflag:s25], $0x4000  }
0x5d: {  	[sflag:s25] =	ssyncset.done $0x0  }
0x5e: {  	s31 =	rddreg [dreg:$0x8];
	[sflag:s25] =	ssyncadd.s32 $0xFFFFC000  }
0x5f: {  	[spmem:s2] =	stream.indirect.scatter.add.f32 [tilespmem:s23], [sflag:$0x7], $0x80, s31, s22, $0xb8;
	[tilespmem:$0x1C400] =	vst v63  }
0x60: {  	_ =	swait.ge [sflag:s18], $0x4000  }
0x61: {  	s1 =	rddreg [dreg:$0x4]  }
0x62: {  	[sflag:s18] =	ssyncset.done $0x0;
	p1 =	sge.u32 s26, s1  }
0x63: {  	[sflag:s18] =	ssyncadd.s32 $0xFFFFC000;
	s0 =	sadd.s32 @!p1 s28, s7  }
0x64: {  	s29 =	simm.s32 @!p1 $0x0;
	s31 =	simm.s32 @!p1 $0x100;
	s0 =	sadd.s32 @!p1 $0xA0, s0  }
0x65: {  	[tilespmem:s31], [sflag:$0x4] =	stream.linear.gather @!p1 [hbm4b:s0+s29], $0x100, $0x38;
	[tilespmem:$0x1C400] =	vst v63  }
0x66: {  	s29 =	sadd.s32 $0x3, s26  }
0x67: {  	p2 =	sge.u32 s29, s6  }
0x68: {  	s0 =	simm.s32 @!p2 $0x6  }
0x69: {  	_ =	swait.ge @!p2 [sflag:s0], $0x100  }
0x6a: {  	s29 =	simm.s32 @!p2 $0x300;
	[sflag:s0] =	ssyncset.done @!p2 $0x0  }
0x6b: {  	s1 =	simm.s32 @!p2 $0x4400;
	[sflag:s0] =	ssyncadd.s32 @!p2 $0xFFFFFF00;
	s0 =	simm.s32 @!p2 $0x80  }
0x6c: {  	[tilespmem:s1], [sflag:$0x2] =	stream.indirect.gather @!p2 [hbm4b:s4+s0], $0x80, s29, s0, $0xb8;
	[tilespmem:$0x1C400] =	vst v63  }
0x6d: {  	_ =	swait.ge [sflag:s24], $0x4000  }
0x6e: {  	[sflag:s24] =	ssyncset.done $0x0  }
0x6f: {  	s1 =	rddreg [dreg:$0x9];
	[sflag:s24] =	ssyncadd.s32 $0xFFFFC000  }
0x70: {  	[spmem:s2] =	stream.indirect.scatter.add.f32 [tilespmem:s17], [sflag:$0x7], $0x80, s1, s22, $0xb8;
	[tilespmem:$0x1C400] =	vst v63  }
0x71: {  	_ =	swait.ge [sflag:s18], $0x4000  }
0x72: {  	s29 =	rddreg [dreg:$0x5]  }
0x73: {  	[sflag:s18] =	ssyncset.done $0x0;
	p2 =	sge.u32 s26, s29  }
0x74: {  	[sflag:s18] =	ssyncadd.s32 $0xFFFFC000;
	s0 =	sadd.s32 @!p2 s28, s7  }
0x75: {  	s1 =	simm.s32 @!p2 $0x0;
	s29 =	simm.s32 @!p2 $0x200;
	s0 =	sadd.s32 @!p2 $0xC0, s0  }
0x76: {  	[tilespmem:s29], [sflag:$0x5] =	stream.linear.gather @!p2 [hbm4b:s0+s1], $0x100, $0x38;
	[tilespmem:$0x1C400] =	vst v63  }
0x77: {  	s0 =	simm.s32 @!p0 $0x3  }
0x78: {  	_ =	swait.ge @!p0 [sflag:s0], $0x100  }
0x79: {  	[sflag:s0] =	ssyncset.done @!p0 $0x0  }
0x7a: {  	s1 =	simm.s32 @!p0 $0x400;
	[sflag:s0] =	ssyncadd.s32 @!p0 $0xFFFFFF00;
	s0 =	simm.s32 @!p0 $0x80  }
0x7b: {  	[tilespmem:s1], [sflag:$0x1] =	stream.indirect.gather @!p0 [hbm4b:s4+s0], $0x80, s30, s0, $0xb8;
	[tilespmem:$0x1C400] =	vst v63  }
0x7c: {  	_ =	swait.ge [sflag:s25], $0x4000  }
0x7d: {  	[sflag:s25] =	ssyncset.done $0x0  }
0x7e: {  	s1 =	rddreg [dreg:$0xa];
	[sflag:s25] =	ssyncadd.s32 $0xFFFFC000  }
0x7f: {  	[spmem:s2] =	stream.indirect.scatter.add.f32 [tilespmem:s23], [sflag:$0x7], $0x80, s1, s22, $0xb8;
	[tilespmem:$0x1C400] =	vst v63  }
0x80: {  	_ =	swait.ge [sflag:s18], $0x4000  }
0x81: {  	s29 =	rddreg [dreg:$0x6]  }
0x82: {  	[sflag:s18] =	ssyncset.done $0x0;
	p0 =	sge.u32 s26, s29  }
0x83: {  	[sflag:s18] =	ssyncadd.s32 $0xFFFFC000;
	s0 =	sadd.s32 @!p0 s28, s7  }
0x84: {  	s1 =	simm.s32 @!p0 $0x0;
	s29 =	simm.s32 @!p0 $0x300;
	s0 =	sadd.s32 @!p0 $0xE0, s0  }
0x85: {  	[tilespmem:s29], [sflag:$0x6] =	stream.linear.gather @!p0 [hbm4b:s0+s1], $0x100, $0x38;
	[tilespmem:$0x1C400] =	vst v63  }
0x86: {  	s0 =	simm.s32 @!p1 $0x4  }
0x87: {  	_ =	swait.ge @!p1 [sflag:s0], $0x100  }
0x88: {  	s28 =	sadd.s32 $0x80, s28;
	s30 =	rddreg [dreg:$0x7]  }
0x89: {  	p0 =	sne.s32 s30, s28  }
.Ltmp1:
0x8a: {  	_ = 	snop;
	(pc) =	sbr.rel @p0 .LBB2_4-.Ltmp1, $4  }
0x8b: {  	_ = 	snop  }
0x8c: {  	s26 =	sadd.s32 $0x4, s26;
	[sflag:s0] =	ssyncset.done @!p1 $0x0  }
0x8d: {  	s1 =	simm.s32 @!p1 $0x4400;
	[sflag:s0] =	ssyncadd.s32 @!p1 $0xFFFFFF00;
	s0 =	simm.s32 @!p1 $0x80  }
0x8e: {  	[tilespmem:s1], [sflag:$0x2] =	stream.indirect.gather @!p1 [hbm4b:s4+s0], $0x80, s31, s0, $0xb8;
	[tilespmem:$0x1C400] =	vst v63  }
0x8f: {  	s0 =	stileid.u32;
	s3 =	sadd.s32 $0x1, s3  }
0x90: {  	[bflag:$0x0] =	sbarrier.arrive $0xFFFF;
	s0 =	sshll.u32 s0, $0x6;
	p0 =	sne.s32 s3, s12  }
.Ltmp2:
0x91: {  	s1 =	sshrl.u32 s5, $0x3;
	s0 =	sor.u32 $0x1C07, s0;
	(pc) =	sbr.rel @p0 .LBB2_1-.Ltmp2, $4  }
0x92: {  	[hbm:s11], [sflag:s0] =	dma.local [spmem:s1], $0x2800  }
0x93: {  	_ =	swait.ge [sflag:s18], $0x2800  }
0x94: {  	[sflag:s18] =	ssyncset.done $0x0  }
0x95: {  	[sflag:s18] =	ssyncadd.s32 $0xFFFFD800  }
0x96: {  	_ =	sfence.sel $0x180000  }
0x97: {  	[bflag:$0x0] =	sbarrier.arrive $0xFFFF  }
0x98: {  	_ =	strace $0x9000004D  }
0x99: {  	s0 =	stileid.u32;
	[bflag:$0x2] =	sbarrier.arrive $0xFFFF  }
0x9a: {  	p0 =	sne.s32 s0, $0x0;
	s0 =	rddreg [dreg:$0x2]  }
0x9b: {  	s0 =	sadd.s32 @!p0 $0x100000, s0  }
0x9c: {  	[sflag:s0] =	ssyncadd.tile.s32 @!p0 $0x1;
	_ =	shalt  }
.Lfunc_end2:
_tile_overlayer_lowered:
.L_overlay_start_2:
0x9d: {  	(tag) =	ssettag $0x2  }
0x9e: {  	s0 =	rddreg [dreg:$0x0];
	s2 =	stileid.u32  }
0x9f: {  	s1 =	rddreg [dreg:$0x1];
	p0 =	sne.s32 s2, $0x0  }
0xa0: {  	s3 =	rddreg [dreg:$0x2];
	[bflag:$0x3] =	sbarrier.arrive $0xFFFF;
	s2 =	simm.s32 @!p0 $0x1C07  }
0xa1: {  	[timem:s3], [sflag:s2] =	dma.local @!p0 [hbm:s0], s1  }
0xa2: {  	s0 =	simm.s32 @!p0 $0x7  }
0xa3: {  	_ =	swait.ge @!p0 [sflag:s0], s1  }
0xa4: {  	s1 =	ssub.s32 @!p0 $0x0, s1;
	[sflag:s0] =	ssyncset.done @!p0 $0x0  }
0xa5: {  	[sflag:s0] =	ssyncadd.s32 @!p0 s1  }
0xa6: {  	[bflag:$0x3] =	sbarrier.arrive $0xFFFF  }
0xa7: {  	_ =	shalt  }

// kernel: kernel.8.cloned.1.call-start
scs
__scs_entry_jumppad:
0x0: {  	(pc) =	sbr.rel $0x88, $3  }
0x1: {  	(tag) =	ssettag $0x0;
	lr =	simm.s32 $0x1  }
0x2: {  	[smem:$0x3F98] =	sst lr;
	_ =	strace $0xD0000000  }
0x3: {  	_ = 	snop  }
0x4: {  	_ = 	snop  }
0x5: {  	_ = 	snop  }
0x6: {  	_ = 	snop  }
0x7: {  	_ = 	snop  }
__scs_overlays_trampoline_lowered:
0x8: {  	[smem:$0x3FA7] =	sst s0  }
0x9: {  	[smem:$0x3FA8] =	sst s1  }
0xa: {  	[smem:$0x3FA9] =	sst s2  }
0xb: {  	[smem:$0x3FAA] =	sst s3  }
0xc: {  	[smem:$0x3FAB] =	sst s4  }
0xd: {  	[smem:$0x3FAC] =	sst s5  }
0xe: {  	[smem:$0x3FAD] =	sst s6  }
0xf: {  	[smem:$0x3FAE] =	sst s7  }
0x10: {  	[smem:$0x3FAF] =	sst s8  }
0x11: {  	[smem:$0x3FB0] =	sst s9;
	s0 =	simm.s32 @!p0 $0x0  }
0x12: {  	s1 =	sld [smem:$0x3F96];
	s0 =	simm.s32 @p0 $0x1  }
0x13: {  	[smem:$0x3FB1] =	sst s0;
	s0 =	simm.s32 @!p1 $0x0  }
0x14: {  	s2 =	sld [smem:$0x3F95];
	s0 =	simm.s32 @p1 $0x1  }
0x15: {  	[smem:$0x3FB2] =	sst s0;
	s0 =	simm.s32 @!p2 $0x0  }
0x16: {  	s3 =	sld [smem:$0x3FDB];
	s0 =	simm.s32 @p2 $0x1  }
0x17: {  	s4 =	simm.s32 $0x1BF5;
	[smem:$0x3FB4] =	sst s0  }
0x18: {  	s0 =	sld [smem:$0x3F97];
	_ =	swait.ge [sflag:s4], $0x0  }
0x19: {  	s7 =	sld [smem:$0x3F98]  }
0x1a: {  	s8 =	sadd.s32 $0xFFFFE003, lr  }
0x1b: {  	s9 =	sadd.s32 $0xFFFFFEF7, lr;
	s5 =	simm.s32 $0xFFFFFFFF;
	p2 =	slt.u32 s8, $0xFFFFF086  }
0x1c: {  	p1 =	slt.u32 s9, $0xF7A;
	s5 =	simm.s32 @!p2 $0x0  }
0x1d: {  	s5 =	simm.s32 @p1 $0x1;
	p0 =	seq.s32 s7, s2  }
0x1e: {  	s7 =	smul.u32 @!p0 $0xF7A, s2;
	p2 =	seq.s32 @!p0 s5, $0x0  }
0x1f: {  	s9 =	smul.u32 $0xF7A, s1;
	s8 =	simm.s32 @!p0 $0x1BF5;
	p2 =	por !p2, p0  }
0x20: {  	[sflag:s8] =	ssyncset.s32 @!p0 $0xFFFFF086;
	s6 =	sadd.s32 @!p0 s3, s7;
	s7 =	simm.s32 @!p0 $0x108  }
0x21: {  	s3 =	sadd.s32 s3, s9;
	s6 =	sadd.s32 @!p0 $0x88, s6;
	s7 =	simm.s32 @p2 $0x1082  }
0x22: {  	[simem:s7], [sflag:s8] =	dma.local @!p0 [hbm:s6], $0xF7A  }
0x23: {  	s9 =	sor.u32 $0xD0000000, s2;
	s6 =	simm.s32 $0x108;
	_ =	swait.ge @!p0 [sflag:s8], $0x0  }
0x24: {  	s3 =	sadd.s32 $0x88, s3;
	s6 =	simm.s32 @!p1 $0x1082;
	[sflag:s4] =	ssyncset.s32 $0xFFFFF086  }
0x25: {  	[simem:s6], [sflag:s4] =	dma.local [hbm:s3], $0xF7A  }
0x26: {  	[smem:$0x3F98] =	sst s1;
	(tag) =	ssettag s2;
	_ =	strace s9  }
0x27: {  	s1 =	sld [smem:$0x3FA8]  }
0x28: {  	s2 =	sld [smem:$0x3FA9]  }
0x29: {  	s4 =	sld [smem:$0x3FAB]  }
0x2a: {  	p0 =	seq.s32 s5, $0x0;
	s5 =	sld [smem:$0x3FAC]  }
0x2b: {  	s6 =	sld [smem:$0x3FAD]  }
0x2c: {  	s7 =	sld [smem:$0x3FAE]  }
0x2d: {  	s3 =	simm.s32 $0x108;
	s8 =	sld [smem:$0x3FAF]  }
0x2e: {  	s3 =	simm.s32 @!p0 $0x1082;
	s9 =	sld [smem:$0x3FB0]  }
0x2f: {  	lr =	sadd.s32 s0, s3;
	s0 =	sld [smem:$0x3FA7]  }
0x30: {  	s3 =	sld [smem:$0x3FAA]  }
0x31: {  	[smem:$0x3FB3] =	sst s10  }
0x32: {  	s10 =	sld [smem:$0x3FB1];
	_ =	sdelay $0x3  }
0x33: {  	p0 =	seq.s32 s10, $0x1;
	s10 =	sld [smem:$0x3FB3];
	_ =	sdelay $0x3  }
0x34: {  	[smem:$0x3FB3] =	sst s10  }
0x35: {  	s10 =	sld [smem:$0x3FB2];
	_ =	sdelay $0x3  }
0x36: {  	p1 =	seq.s32 s10, $0x1;
	s10 =	sld [smem:$0x3FB3];
	_ =	sdelay $0x3  }
0x37: {  	[smem:$0x3FB3] =	sst s10  }
0x38: {  	s10 =	sld [smem:$0x3FB4]  }
0x39: {  	_ = 	snop;
	(pc) =	sbr.ind lr, $3  }
0x3a: {  	_ = 	snop  }
0x3b: {  	_ = 	snop  }
0x3c: {  	p2 =	seq.s32 s10, $0x1;
	s10 =	sld [smem:$0x3FB3]  }
0x3d: {  	_ =	shalt  }
0x3e: {  	_ =	shalt  }
0x3f: {  	_ =	shalt  }
0x40: {  	_ =	shalt  }
0x41: {  	_ =	shalt  }
0x42: {  	_ =	shalt  }
0x43: {  	_ =	shalt  }
0x44: {  	_ =	shalt  }
0x45: {  	_ =	shalt  }
0x46: {  	_ =	shalt  }
0x47: {  	_ =	shalt  }
0x48: {  	_ =	shalt  }
0x49: {  	_ =	shalt  }
0x4a: {  	_ =	shalt  }
0x4b: {  	_ =	shalt  }
0x4c: {  	_ =	shalt  }
0x4d: {  	_ =	shalt  }
0x4e: {  	_ =	shalt  }
0x4f: {  	_ =	shalt  }
0x50: {  	_ =	shalt  }
0x51: {  	_ =	shalt  }
0x52: {  	_ =	shalt  }
0x53: {  	_ =	shalt  }
0x54: {  	_ =	shalt  }
0x55: {  	_ =	shalt  }
0x56: {  	_ =	shalt  }
0x57: {  	_ =	shalt  }
0x58: {  	_ =	shalt  }
0x59: {  	_ =	shalt  }
0x5a: {  	_ =	shalt  }
0x5b: {  	_ =	shalt  }
0x5c: {  	_ =	shalt  }
0x5d: {  	_ =	shalt  }
0x5e: {  	_ =	shalt  }
0x5f: {  	_ =	shalt  }
0x60: {  	_ =	shalt  }
0x61: {  	_ =	shalt  }
0x62: {  	_ =	shalt  }
0x63: {  	_ =	shalt  }
0x64: {  	_ =	shalt  }
0x65: {  	_ =	shalt  }
0x66: {  	_ =	shalt  }
0x67: {  	_ =	shalt  }
0x68: {  	_ =	shalt  }
0x69: {  	_ =	shalt  }
0x6a: {  	_ =	shalt  }
0x6b: {  	_ =	shalt  }
0x6c: {  	_ =	shalt  }
0x6d: {  	_ =	shalt  }
0x6e: {  	_ =	shalt  }
0x6f: {  	_ =	shalt  }
0x70: {  	_ =	shalt  }
0x71: {  	_ =	shalt  }
0x72: {  	_ =	shalt  }
0x73: {  	_ =	shalt  }
0x74: {  	_ =	shalt  }
0x75: {  	_ =	shalt  }
0x76: {  	_ =	shalt  }
0x77: {  	_ =	shalt  }
0x78: {  	_ =	shalt  }
0x79: {  	_ =	shalt  }
0x7a: {  	_ =	shalt  }
0x7b: {  	_ =	shalt  }
0x7c: {  	_ =	shalt  }
0x7d: {  	_ =	shalt  }
0x7e: {  	_ =	shalt  }
0x7f: {  	_ =	shalt  }
0x80: {  	_ =	shalt  }
0x81: {  	_ =	shalt  }
0x82: {  	_ =	shalt  }
0x83: {  	_ =	shalt  }
0x84: {  	_ =	shalt  }
0x85: {  	_ =	shalt  }
0x86: {  	_ =	shalt  }
0x87: {  	_ =	shalt  }
.Lfunc_end0:
.L_simem_size_0:
called_computation_lowered:
.L_overlay_start_0:
0x88: {  	s2 =	sld [smem:$0x3FD9]  }
0x89: {  	s3 =	sld [smem:$0x3FFE];
	_ =	sdelay $0x1  }
0x8a: {  	s1 =	srdreg.scid  }
0x8b: {  	s0 =	sand.u32 $0x1, s1  }
0x8c: {  	s16 =	sshll.u32 s0, $0xA;
	s2 =	sadd.s32 s3, s2  }
0x8d: {  	s2 =	sadd.s32 s2, s16  }
0x8e: {  	[smem:$0x3FBF] =	sst s2  }
0x8f: {  	_ = 	snop  }
0x90: {  	(tm) =	ssettm $0x1  }
0x91: {  	s17 =	sld [smem:$0x3FFB];
	_ =	sdelay $0x3  }
0x92: {  	_ =	strace s17  }
0x93: {  	s2 =	sld [smem:$0x3FFC];
	_ =	sdelay $0x3  }
0x94: {  	_ =	strace s2  }
0x95: {  	s2 =	sld [smem:$0x3FFD];
	_ =	sdelay $0x3  }
0x96: {  	_ =	strace s2  }
0x97: {  	_ =	strace $0x8FFFFFFF  }
0x98: {  	s18 =	sld [smem:$0x3FDB];
	_ =	sdelay $0x1  }
0x99: {  	s19 =	simm.s32 $_scs_section_size  }
0x9a: {  	s4 =	simm.s32 $_size__tile_overlayer_lowered;
	s5 =	simm.s32 $_tile_overlayer_lowered  }
0x9b: {  	s22 =	simm.s32 $0x1BFF;
	s21 =	sshll.u32 s5, $0x1;
	s2 =	sadd.s32 s19, s18  }
0x9c: {  	s6 =	simm.s32 $0x0;
	s20 =	sshll.u32 s4, $0x1;
	s4 =	sadd.s32 s21, s2  }
0x9d: {  	[timem:s6], [sflag:s22] =	dma.local [hbm:s4], s20  }
0x9e: {  	_ =	swait.ge [sflag:s22], s20  }
0x9f: {  	s3 =	ssub.s32 $0x0, s20;
	[sflag:s22] =	ssyncset.done $0x0  }
0xa0: {  	[sflag:s22] =	ssyncadd.s32 s3;
	_ =	sdelay $0x1  }
0xa1: {  	s23 =	simm.s32 $0x1B8B  }
0xa2: {  	_ =	swait.ge [sflag:s23], $0x1  }
0xa3: {  	[sflag:s23] =	ssyncset.done $0x0  }
0xa4: {  	s25 =	simm.s32 $0x1B8E;
	s24 =	sld [smem:$0x3FFE];
	[sflag:s23] =	ssyncadd.s32 $0xFFFFFFFF  }
0xa5: {  	s26 =	simm.s32 $execute0_lowered;
	[smem:$0x3FD2] =	sst s25  }
0xa6: {  	s4 =	sshll.u32 s26, $0x1;
	_ =	strace $0x80000046;
	[dreg:$0x1] =	wrdreg $0xFFFFFFFF  }
0xa7: {  	s28 =	simm.s32 $_size_execute0_lowered;
	s2 =	sadd.s32 s2, s4;
	[dreg:$0x0] =	wrdreg $0x0  }
0xa8: {  	s4 =	sshll.u32 s28, $0x1;
	[dreg:$0x2] =	wrdreg s2  }
0xa9: {  	[dreg:$0x3] =	wrdreg s4  }
0xaa: {  	[dreg:$0x4] =	wrdreg $0xC0  }
0xab: {  	_ =	task [dreg:s6], $0x5FFFF  }
0xac: {  	[dreg:$0x1] =	wrdreg $0xFFFFFFFF  }
0xad: {  	[dreg:$0x0] =	wrdreg $0x60  }
0xae: {  	[dreg:$0x2] =	wrdreg s24  }
0xaf: {  	[dreg:$0x3] =	wrdreg $0x53000  }
0xb0: {  	[dreg:$0x4] =	wrdreg $0x9  }
0xb1: {  	_ =	task.clear_ibuf [dreg:s6], $0x5FFFF;
	_ =	strace $0x90000046  }
0xb2: {  	s29 =	simm.s32 $0x9;
	_ =	strace $0x80000048  }
0xb3: {  	_ =	swait.ge [sflag:s29], $0x1  }
0xb4: {  	[sflag:s29] =	ssyncadd.s32 $0xFFFFFFFF  }
0xb5: {  	_ =	strace $0x90000048  }
0xb6: {  	_ =	sfence  }
0xb7: {  	s30 =	sld [smem:$0x0];
	_ =	sdelay $0x2  }
0xb8: {  	s31 =	sshll.u32 s1, $0xD;
	s1 =	sshrl.u32 s1, $0x2  }
0xb9: {  	s3 =	sand.u32 $0x4000, s31;
	s1 =	sadd.s32 s1, s30  }
0xba: {  	s0 =	sor.u32 s3, s0;
	s1 =	sshll.u32 s1, $0x11  }
0xbb: {  	s0 =	sor.u32 s1, s0  }
0xbc: {  	s0 =	sadd.s32 $0x8F2B, s0  }
0xbd: {  	[sflag:s0] =	ssyncadd.remote.s32 $0x1  }
0xbe: {  	_ =	sfence.sel $0xFFFF  }
0xbf: {  	[dreg:$0x0] =	wrdreg $0xFFFFFFFF;
	(pc) =	sbr.abs _section_cstart, $3  }
0xc0: {  	[dreg:$0x1] =	wrdreg $0xFFFFFFFF  }
0xc1: {  	_ =	task.clear_ibuf [dreg:s6], $0x2FFFF;
	_ =	strace $0x9FFFFFFF  }
0xc2: {  	(tm) =	ssettm $0x7FFFFFFF  }
0xc3: {  	_ =	shalt  }
tec
execute0_lowered:
.L_overlay_start_1:
0x0: {  	(tag) =	ssettag $0x1  }
0x1: {  	s4 =	rddreg [dreg:$0x0];
	s0 =	srdreg.scid  }
0x2: {  	s2 =	rddreg [dreg:$0x1];
	s1 =	stileid.u32  }
0x3: {  	s3 =	simm.s32 $0x0;
	s10 =	simm.s32 $0x80;
	s11 =	simm.s32 $0x5000  }
0x4: {  	s14 =	simm.s32 $0x20;
	s15 =	simm.s32 $0x10;
	s16 =	simm.s32 $0x0  }
0x5: {  	s5 =	sand.u32 $0x1, s0;
	s0 =	rddreg [dreg:$0x2];
	s7 =	smul.u32 $0x500, s1  }
0x6: {  	[smem:$0x7FF] =	sst s3;
	s30 =	smul.u32 $0xA00, s1;
	s12 =	sshll.u32 s1, $0x6  }
0x7: {  	s6 =	sshll.u32 s5, $0x4;
	s8 =	sshll.u32 s5, $0x7;
	_ =	strace $0x80000047  }
0x8: {  	s5 =	ssub.s32 $0x2, s5;
	s12 =	sor.u32 $0x1C01, s12;
	s6 =	sor.u32 s1, s6  }
0x9: {  	s7 =	sor.u32 s8, s7;
	s31 =	sshrl.u32 s5, $0x1;
	s6 =	smul.u32 $0xA00, s6  }
0xa: {  	s8 =	sshrl.u32 s30, $0x2;
	s7 =	sshrl.u32 s7, $0x3;
	s9 =	ssub.s32 s5, s31  }
0xb: {  	s7 =	sadd.s32 s7, s4;
	s6 =	sadd.s32 s6, s4;
	s4 =	sadd.s32 s8, s2  }
0xc: {  	s8 =	simm.s32 $0x5080;
	s5 =	sadd.s32 $0x2400, s6;
	s6 =	sadd.s32 $0x16400, s7  }
0xd: {  	v0 =	vimm.f32 $1.000000000e+00;
	v1 =	vimm.f32 $0.0e+00;
	s7 =	smax.u32 s9, $0x1;
	s9 =	simm.s32 $0x1;
	s13 =	sshrl.u32 s4, $0x3  }
.LBB2_1:
0xe: {  	[tilespmem:$0x5000] =	vst v0  }
0xf: {  	[tilespmem:$0x5010] =	vst v0  }
0x10: {  	[tilespmem:$0x5020] =	vst v0  }
0x11: {  	[tilespmem:$0x5030] =	vst v0  }
0x12: {  	[tilespmem:$0x5040] =	vst v0  }
0x13: {  	[tilespmem:$0x5050] =	vst v0  }
0x14: {  	[tilespmem:$0x5060] =	vst v0  }
0x15: {  	[tilespmem:$0x5070] =	vst v0  }
0x16: {  	[tilespmem:$0x5080] =	vst v1  }
0x17: {  	[tilespmem:$0x5090] =	vst v1  }
0x18: {  	[tilespmem:$0x50A0] =	vst v1  }
0x19: {  	[tilespmem:$0x50B0] =	vst v1  }
0x1a: {  	[tilespmem:$0x50C0] =	vst v1  }
0x1b: {  	[tilespmem:$0x50D0] =	vst v1  }
0x1c: {  	[tilespmem:$0x50E0] =	vst v1  }
0x1d: {  	[tilespmem:$0x50F0] =	vst v1  }
0x1e: {  	[tilespmem:$0x5100] =	vst v1  }
0x1f: {  	[tilespmem:$0x5110] =	vst v1  }
0x20: {  	[tilespmem:$0x5120] =	vst v1  }
0x21: {  	[tilespmem:$0x5130] =	vst v1  }
0x22: {  	[tilespmem:$0x5140] =	vst v1  }
0x23: {  	[tilespmem:$0x5150] =	vst v1  }
0x24: {  	[tilespmem:$0x5160] =	vst v1  }
0x25: {  	[tilespmem:$0x5170] =	vst v1  }
0x26: {  	[tilespmem:$0x5180] =	vst v1  }
0x27: {  	[tilespmem:$0x5190] =	vst v1  }
0x28: {  	[tilespmem:$0x51A0] =	vst v1  }
0x29: {  	[tilespmem:$0x51B0] =	vst v1  }
0x2a: {  	[tilespmem:$0x51C0] =	vst v1  }
0x2b: {  	[tilespmem:$0x51D0] =	vst v1  }
0x2c: {  	[tilespmem:$0x51E0] =	vst v1  }
0x2d: {  	[tilespmem:$0x51F0] =	vst v1  }
0x2e: {  	[tilespmem:$0x5200] =	vst v1  }
0x2f: {  	[tilespmem:$0x5210] =	vst v1  }
0x30: {  	[tilespmem:$0x5220] =	vst v1  }
0x31: {  	[tilespmem:$0x5230] =	vst v1  }
0x32: {  	[tilespmem:$0x5240] =	vst v1  }
0x33: {  	[tilespmem:$0x5250] =	vst v1  }
0x34: {  	[tilespmem:$0x5260] =	vst v1  }
0x35: {  	[tilespmem:$0x5270] =	vst v1  }
0x36: {  	[tilespmem:$0x5280] =	vst v1  }
0x37: {  	[tilespmem:$0x5290] =	vst v1  }
0x38: {  	[tilespmem:$0x52A0] =	vst v1  }
0x39: {  	[tilespmem:$0x52B0] =	vst v1  }
0x3a: {  	[tilespmem:$0x52C0] =	vst v1  }
0x3b: {  	[tilespmem:$0x52D0] =	vst v1  }
0x3c: {  	[tilespmem:$0x52E0] =	vst v1  }
0x3d: {  	[tilespmem:$0x52F0] =	vst v1  }
0x3e: {  	[spmem:s4] =	stream.linear.scatter [tilespmem:s8], [sflag:$0x1], $0x280, $0x38;
	[tilespmem:$0x5580] =	vst v63  }
0x3f: {  	_ =	swait.ge [sflag:s9], $0x280  }
0x40: {  	[sflag:s9] =	ssyncset.done $0x0  }
0x41: {  	[sflag:s9] =	ssyncadd.s32 $0xFFFFFD80  }
0x42: {  	[bflag:$0x0] =	sbarrier.arrive $0xFFFF  }
0x43: {  	[tilespmem:s3], [sflag:$0x1] =	stream.linear.gather [hbm4b:s5+s3], $0x5000, $0x38;
	[tilespmem:$0x5580] =	vst v63  }
0x44: {  	_ =	swait.ge [sflag:s9], $0x5000  }
0x45: {  	[sflag:s9] =	ssyncset.done $0x0  }
0x46: {  	s17 =	simm.s32 $0x80;
	[sflag:s9] =	ssyncadd.s32 $0xFFFFB000  }
0x47: {  	[spmem:s2] =	stream.indirect.scatter.add.f32 [tilespmem:s11], [sflag:$0x1], $0x1, s17, s10, $0xb8;
	[tilespmem:$0x5580] =	vst v63  }
0x48: {  	_ =	swait.ge [sflag:s9], $0x80  }
0x49: {  	s17 =	simm.s32 $0x600;
	[sflag:s9] =	ssyncset.done $0x0  }
.LBB2_2:
0x4a: {  	s18 =	sshra.s32 s17, $0x2;
	[sflag:s9] =	ssyncadd.s32 $0xFFFFFF80;
	p0 =	sne.s32 s17, $0x13E00  }
0x4b: {  	[spmem:s2] =	stream.indirect.scatter.add.f32 [tilespmem:s11], [sflag:$0x1], $0x1, s18, s10, $0xb8;
	[tilespmem:$0x5580] =	vst v63  }
.Ltmp0:
0x4c: {  	_ = 	snop;
	(pc) =	sbr.rel @p0 .LBB2_2-.Ltmp0, $4  }
0x4d: {  	_ = 	snop  }
0x4e: {  	s17 =	sadd.s32 $0x400, s17  }
0x4f: {  	_ =	swait.ge [sflag:s9], $0x80  }
0x50: {  	[sflag:s9] =	ssyncset.done $0x0  }
0x51: {  	s16 =	sadd.s32 $0x1, s16  }
0x52: {  	[sflag:s9] =	ssyncadd.s32 $0xFFFFFF80;
	p0 =	sne.s32 s16, s7  }
.Ltmp1:
0x53: {  	[bflag:$0x0] =	sbarrier.arrive $0xFFFF;
	(pc) =	sbr.rel @p0 .LBB2_1-.Ltmp1, $4  }
0x54: {  	[hbm:s6@s14], [sflag:s12] =	dma.strided [spmem:s13@s15], $0x50, s9, $0x10   }
0x55: {  	_ =	swait.ge [sflag:s9], $0x50  }
0x56: {  	[sflag:s9] =	ssyncset.done $0x0  }
0x57: {  	[sflag:s9] =	ssyncadd.s32 $0xFFFFFFB0  }
0x58: {  	_ =	sfence.sel $0x180000  }
0x59: {  	[bflag:$0x0] =	sbarrier.arrive $0xFFFF  }
0x5a: {  	p0 =	sne.s32 s1, $0x0;
	_ =	strace $0x90000047  }
0x5b: {  	s0 =	sadd.s32 @!p0 $0x100000, s0;
	[bflag:$0x2] =	sbarrier.arrive $0xFFFF  }
0x5c: {  	[sflag:s0] =	ssyncadd.tile.s32 @!p0 $0x1;
	_ =	shalt  }
.Lfunc_end2:
_tile_overlayer_lowered:
.L_overlay_start_2:
0x5d: {  	(tag) =	ssettag $0x2  }
0x5e: {  	s0 =	rddreg [dreg:$0x0];
	s2 =	stileid.u32  }
0x5f: {  	s1 =	rddreg [dreg:$0x1];
	p0 =	sne.s32 s2, $0x0  }
0x60: {  	s3 =	rddreg [dreg:$0x2];
	[bflag:$0x3] =	sbarrier.arrive $0xFFFF;
	s2 =	simm.s32 @!p0 $0x1C01  }
0x61: {  	[timem:s3], [sflag:s2] =	dma.local @!p0 [hbm:s0], s1  }
0x62: {  	s0 =	simm.s32 @!p0 $0x1  }
0x63: {  	_ =	swait.ge @!p0 [sflag:s0], s1  }
0x64: {  	s1 =	ssub.s32 @!p0 $0x0, s1;
	[sflag:s0] =	ssyncset.done @!p0 $0x0  }
0x65: {  	[sflag:s0] =	ssyncadd.s32 @!p0 s1  }
0x66: {  	[bflag:$0x3] =	sbarrier.arrive $0xFFFF  }
0x67: {  	_ =	shalt  }

</sc_bundles>
